<compile_context>
chip_gen: v7x
topology: tpu7x:2x2x1
jax: 0.10.2.dev20260603
libtpu: 0.0.44.dev20260713+nightly
codegen_flags: <defaults>
</compile_context>

<pallas_src>
import functools

import jax
import jax.numpy as jnp
from jax import lax
from jax.experimental import pallas as pl
from jax.experimental.pallas import tpu as pltpu
from jax.experimental.pallas import tpu_sc as plsc

U, I, D, B = 10000, 10000, 16, 4096
BM = 400
NB = U // BM
_TC_PARAMS = pltpu.CompilerParams(vmem_limit_bytes=64 * 1024 * 1024)

_f32 = jnp.float32


def _pass1_body(at_ref, u0t_ref, i0t_ref, i1_ref, u1_ref, u0r_ref, i0r_ref,
                u1t_acc):
    j = pl.program_id(0)

    @pl.when(j == 0)
    def _relayout():
        u0r_ref[...] = u0t_ref[...].T
        i0r_ref[...] = i0t_ref[...].T

    at = at_ref[...]
    i1_ref[...] = jnp.dot(at, u0r_ref[...], preferred_element_type=_f32)
    part_t = lax.dot_general(i0r_ref[pl.ds(j * BM, BM), :], at,
                             (((0,), (0,)), ((), ())),
                             preferred_element_type=_f32)

    @pl.when(j == 0)
    def _init():
        u1t_acc[...] = part_t

    @pl.when(j > 0)
    def _acc():
        u1t_acc[...] += part_t

    @pl.when(j == NB - 1)
    def _fin():
        u1_ref[...] = u1t_acc[...].T


def _pass2_body(a_ref, i1f_ref, u1_ref, u0_ref, i0f_ref, ufin_ref, ifin_ref,
                i2t_acc):
    j = pl.program_id(0)
    a = a_ref[...]
    u1_blk = u1_ref[...]
    u2 = jnp.dot(a, i1f_ref[...], preferred_element_type=_f32)
    ufin_ref[:, 0:D] = (u0_ref[...] + u1_blk + u2) * (1.0 / 3.0)
    part_t = lax.dot_general(u1_blk, a, (((0,), (0,)), ((), ())),
                             preferred_element_type=_f32)

    @pl.when(j == 0)
    def _init():
        i2t_acc[...] = part_t

    @pl.when(j > 0)
    def _acc():
        i2t_acc[...] += part_t

    @pl.when(j == NB - 1)
    def _fin():
        ifin_ref[:, 0:D] = (i2t_acc[...].T + i0f_ref[...] + i1f_ref[...]) * (1.0 / 3.0)


def _propagate(user_emb, item_emb, A, A_T):
    blk_a = pl.BlockSpec((BM, I), lambda j: (j, 0))
    blk_row = pl.BlockSpec((BM, D), lambda j: (j, 0))
    full_u = pl.BlockSpec((U, D), lambda j: (0, 0))
    full_i = pl.BlockSpec((I, D), lambda j: (0, 0))

    full_ut = pl.BlockSpec((D, U), lambda j: (0, 0))
    full_it = pl.BlockSpec((D, I), lambda j: (0, 0))
    i1, u1, u0r, i0r = pl.pallas_call(
        _pass1_body,
        grid=(NB,),
        in_specs=[blk_a, full_ut, full_it],
        out_specs=[blk_row, full_u, full_u, full_i],
        out_shape=(jax.ShapeDtypeStruct((I, D), _f32),
                   jax.ShapeDtypeStruct((U, D), _f32),
                   jax.ShapeDtypeStruct((U, D), _f32),
                   jax.ShapeDtypeStruct((I, D), _f32)),
        scratch_shapes=[pltpu.VMEM((D, U), _f32)],
        compiler_params=_TC_PARAMS,
    )(A_T, user_emb.T, item_emb.T)

    blk_row_pad = pl.BlockSpec((BM, 128), lambda j: (j, 0))
    full_i_pad = pl.BlockSpec((I, 128), lambda j: (0, 0))
    u_fin, i_fin = pl.pallas_call(
        _pass2_body,
        grid=(NB,),
        in_specs=[blk_a, full_i, blk_row, blk_row, full_i],
        out_specs=[blk_row_pad, full_i_pad],
        out_shape=(jax.ShapeDtypeStruct((U, 128), _f32),
                   jax.ShapeDtypeStruct((I, 128), _f32)),
        scratch_shapes=[pltpu.VMEM((D, I), _f32)],
        compiler_params=_TC_PARAMS,
    )(A, i1, u1, u0r, i0r)
    return u_fin, i_fin


def _make_score_kernel():
    info = plsc.get_sparse_core_info()
    nc, ns = info.num_cores, info.num_subcores
    nw = nc * ns
    bpw = B // nw
    mesh = plsc.VectorSubcoreMesh(core_axis_name="c", subcore_axis_name="s")

    @functools.partial(
        pl.kernel, mesh=mesh,
        out_type=(jax.ShapeDtypeStruct((B,), _f32),
                  jax.ShapeDtypeStruct((B,), _f32)),
        scratch_types=[
            pltpu.VMEM((bpw,), jnp.int32),
            pltpu.VMEM((bpw,), jnp.int32),
            pltpu.VMEM((bpw,), jnp.int32),
            pltpu.VMEM((bpw, 128), _f32),
            pltpu.VMEM((bpw, 128), _f32),
            pltpu.VMEM((bpw, 128), _f32),
            pltpu.VMEM((bpw,), _f32),
            pltpu.VMEM((bpw,), _f32),
            pltpu.SemaphoreType.DMA,
            pltpu.SemaphoreType.DMA,
            pltpu.SemaphoreType.DMA,
        ],
    )
    def score(ufin_hbm, ifin_hbm, user_hbm, pos_hbm, neg_hbm,
              pos_out, neg_out,
              uidx, pidx, nidx, urows, prows, nrows, psc, nsc,
              sem_u, sem_p, sem_n):
        wid = lax.axis_index("s") * nc + lax.axis_index("c")
        base = wid * bpw
        pltpu.sync_copy(user_hbm.at[pl.ds(base, bpw)], uidx)
        pltpu.sync_copy(pos_hbm.at[pl.ds(base, bpw)], pidx)
        pltpu.sync_copy(neg_hbm.at[pl.ds(base, bpw)], nidx)
        cu = pltpu.async_copy(ufin_hbm.at[uidx], urows, sem_u)
        cp = pltpu.async_copy(ifin_hbm.at[pidx], prows, sem_p)
        cn = pltpu.async_copy(ifin_hbm.at[nidx], nrows, sem_n)
        cu.wait()
        cp.wait()
        cn.wait()

        lanes = lax.iota(jnp.int32, 16)

        def dot16(a, b):
            s = a * b
            for sh in (8, 4, 2, 1):
                perm = jnp.bitwise_xor(lanes, sh)
                s = s + s.at[perm].get(mode="promise_in_bounds")
            return s

        def group(g, carry):
            accp = jnp.zeros((16,), _f32)
            accn = jnp.zeros((16,), _f32)
            for k in range(16):
                b = g * 16 + k
                u = urows[b, pl.ds(0, D)]
                accp = jnp.where(lanes == k, dot16(u, prows[b, pl.ds(0, D)]), accp)
                accn = jnp.where(lanes == k, dot16(u, nrows[b, pl.ds(0, D)]), accn)
            psc[pl.ds(g * 16, 16)] = accp
            nsc[pl.ds(g * 16, 16)] = accn
            return carry

        lax.fori_loop(0, bpw // 16, group, 0)
        pltpu.sync_copy(psc, pos_out.at[pl.ds(base, bpw)])
        pltpu.sync_copy(nsc, neg_out.at[pl.ds(base, bpw)])

    return score


def kernel(user, pos_item, neg_item, user_emb, item_emb, A, A_T):
    u_fin, i_fin = _propagate(user_emb, item_emb, A, A_T)
    score = _make_score_kernel()
    pos, neg = score(u_fin, i_fin,
                     user.astype(jnp.int32),
                     pos_item.astype(jnp.int32),
                     neg_item.astype(jnp.int32))
    return pos.reshape(B, 1), neg.reshape(B, 1)

# --- scband reference (transcript-rebuilt; emitter-appended) ---
"""Pipeline reference for scband-light-gcn-71124658422236 (READ-ONLY COPY).

The authoritative reference and input builder live on the scoring server;
editing this copy changes nothing except your own understanding.
"""

import jax, jax.numpy as jnp
import numpy as np

U, I, D, B = 10000, 10000, 16, 4096

def setup_inputs(seed: int = 0) -> dict:
    key = jax.random.key(seed)
    ks = jax.random.split(key, 7)
    user = jax.random.randint(ks[0], (B,), 0, U)
    pos_item = jax.random.randint(ks[1], (B,), 0, I)
    neg_item = jax.random.randint(ks[2], (B,), 0, I)
    user_emb = 0.01 * jax.random.normal(ks[3], (U, D), dtype=jnp.float32)
    item_emb = 0.01 * jax.random.normal(ks[4], (I, D), dtype=jnp.float32)
    # Dense normalized bipartite adjacency A [U, I] and its transpose.
    A = jax.random.uniform(ks[5], (U, I), dtype=jnp.float32) * (1.0 / I)
    A_T = A.T
    return {"user": user, "pos_item": pos_item, "neg_item": neg_item,
            "user_emb": user_emb, "item_emb": item_emb, "A": A, "A_T": A_T}

def reference(user, pos_item, neg_item, user_emb, item_emb, A, A_T):
    # user_list / item_list are full aranges, so the embedding lookup is the whole table
    u_0 = user_emb
    i_0 = item_emb
    i_1 = jnp.matmul(A_T, u_0)
    u_1 = jnp.matmul(A, i_0)
    # num_layer == 2 branch
    i_2 = jnp.matmul(A_T, u_1)
    u_2 = jnp.matmul(A, i_1)
    u_fin = (u_0 + u_1 + u_2) / 3.0
    i_fin = (i_0 + i_1 + i_2) / 3.0
    u = jnp.take(u_fin, user, axis=0)
    i = jnp.take(i_fin, pos_item, axis=0)
    j = jnp.take(i_fin, neg_item, axis=0)
    pos_score = jnp.sum(u * i, axis=1, keepdims=True)
    neg_score = jnp.sum(u * j, axis=1, keepdims=True)
    return (pos_score, neg_score)

if __name__ == "__main__":
    import jax
    _d = setup_inputs()
    print(jax.jit(kernel)(*tuple(_d.values())))

</pallas_src>

<mosaic_0001>
#map = affine_map<(d0, d1) -> (0, 0)>
#map1 = affine_map<(d0, d1) -> (0)>
module attributes {stable_mosaic.version = 14 : i64} {
  func.func @score(%arg0: i32, %arg1: i32, %arg2: memref<10000x128xf32, #tpu.memory_space<hbm>>, %arg3: memref<10000x128xf32, #tpu.memory_space<hbm>>, %arg4: memref<4096xi32, #tpu.memory_space<hbm>>, %arg5: memref<4096xi32, #tpu.memory_space<hbm>>, %arg6: memref<4096xi32, #tpu.memory_space<hbm>>, %arg7: memref<4096xf32, #tpu.memory_space<hbm>>, %arg8: memref<4096xf32, #tpu.memory_space<hbm>>, %arg9: memref<128xi32, #tpu.memory_space<vmem>>, %arg10: memref<128xi32, #tpu.memory_space<vmem>>, %arg11: memref<128xi32, #tpu.memory_space<vmem>>, %arg12: memref<128x128xf32, #tpu.memory_space<vmem>>, %arg13: memref<128x128xf32, #tpu.memory_space<vmem>>, %arg14: memref<128x128xf32, #tpu.memory_space<vmem>>, %arg15: memref<128xf32, #tpu.memory_space<vmem>>, %arg16: memref<128xf32, #tpu.memory_space<vmem>>, %arg17: memref<!tpu.dma_semaphore, #tpu.memory_space<semaphore_mem>>, %arg18: memref<!tpu.dma_semaphore, #tpu.memory_space<semaphore_mem>>, %arg19: memref<!tpu.dma_semaphore, #tpu.memory_space<semaphore_mem>>) attributes {dimension_semantics = [#tpu.dimension_semantics<core_parallel>, #tpu.dimension_semantics<subcore_parallel>], iteration_bounds = array<i64: 2, 16>, scalar_prefetch = 0 : i64, scratch_operands = 11 : i64, tpu.core_type = #tpu.core_type<sc_vector_subcore>, window_params = [{transform_indices = #map}, {transform_indices = #map}, {transform_indices = #map1}, {transform_indices = #map1}, {transform_indices = #map1}, {transform_indices = #map1}, {transform_indices = #map1}]} {
    %mul3A = arith.constant 2 : i32
    %mul3A_0 = arith.muli %arg1, %mul3A : i32
    %add3A = arith.addi %mul3A_0, %arg0 : i32
    %mul3A_1 = arith.constant 128 : i32
    %mul3A_2 = arith.muli %add3A, %mul3A_1 : i32
    "tpu.region"() ({
      %run_scoped3A = tpu.sem_alloc : memref<!tpu.dma_semaphore, #tpu.memory_space<semaphore_mem>>
      %dma_start3A_24 = tpu.memref_slice %arg4[%mul3A_2] : memref<4096xi32, #tpu.memory_space<hbm>> -> memref<128xi32, #tpu.memory_space<hbm>>
      %dma_start3A_25 = tpu.memref_slice %arg4[%mul3A_2] : memref<4096xi32, #tpu.memory_space<hbm>> -> memref<128xi32, #tpu.memory_space<hbm>>
      tpu.enqueue_dma source(%dma_start3A_25 : memref<128xi32, #tpu.memory_space<hbm>>) target(%arg9 : memref<128xi32, #tpu.memory_space<vmem>>) target_semaphore(%run_scoped3A : memref<!tpu.dma_semaphore, #tpu.memory_space<semaphore_mem>>)
      %dma_wait3A_26 = tpu.memref_slice %arg4[%mul3A_2] : memref<4096xi32, #tpu.memory_space<hbm>> -> memref<128xi32, #tpu.memory_space<hbm>>
      %dma_wait3A_27 = tpu.memref_slice %arg4[%mul3A_2] : memref<4096xi32, #tpu.memory_space<hbm>> -> memref<128xi32, #tpu.memory_space<hbm>>
      tpu.wait_dma2 semaphore(%run_scoped3A : memref<!tpu.dma_semaphore, #tpu.memory_space<semaphore_mem>>) src(%dma_wait3A_27 : memref<128xi32, #tpu.memory_space<hbm>>) dst(%arg9 : memref<128xi32, #tpu.memory_space<vmem>>)
      tpu.yield
    }) : () -> ()
    "tpu.region"() ({
      %run_scoped3A = tpu.sem_alloc : memref<!tpu.dma_semaphore, #tpu.memory_space<semaphore_mem>>
      %dma_start3A_24 = tpu.memref_slice %arg5[%mul3A_2] : memref<4096xi32, #tpu.memory_space<hbm>> -> memref<128xi32, #tpu.memory_space<hbm>>
      %dma_start3A_25 = tpu.memref_slice %arg5[%mul3A_2] : memref<4096xi32, #tpu.memory_space<hbm>> -> memref<128xi32, #tpu.memory_space<hbm>>
      tpu.enqueue_dma source(%dma_start3A_25 : memref<128xi32, #tpu.memory_space<hbm>>) target(%arg10 : memref<128xi32, #tpu.memory_space<vmem>>) target_semaphore(%run_scoped3A : memref<!tpu.dma_semaphore, #tpu.memory_space<semaphore_mem>>)
      %dma_wait3A_26 = tpu.memref_slice %arg5[%mul3A_2] : memref<4096xi32, #tpu.memory_space<hbm>> -> memref<128xi32, #tpu.memory_space<hbm>>
      %dma_wait3A_27 = tpu.memref_slice %arg5[%mul3A_2] : memref<4096xi32, #tpu.memory_space<hbm>> -> memref<128xi32, #tpu.memory_space<hbm>>
      tpu.wait_dma2 semaphore(%run_scoped3A : memref<!tpu.dma_semaphore, #tpu.memory_space<semaphore_mem>>) src(%dma_wait3A_27 : memref<128xi32, #tpu.memory_space<hbm>>) dst(%arg10 : memref<128xi32, #tpu.memory_space<vmem>>)
      tpu.yield
    }) : () -> ()
    "tpu.region"() ({
      %run_scoped3A = tpu.sem_alloc : memref<!tpu.dma_semaphore, #tpu.memory_space<semaphore_mem>>
      %dma_start3A_24 = tpu.memref_slice %arg6[%mul3A_2] : memref<4096xi32, #tpu.memory_space<hbm>> -> memref<128xi32, #tpu.memory_space<hbm>>
      %dma_start3A_25 = tpu.memref_slice %arg6[%mul3A_2] : memref<4096xi32, #tpu.memory_space<hbm>> -> memref<128xi32, #tpu.memory_space<hbm>>
      tpu.enqueue_dma source(%dma_start3A_25 : memref<128xi32, #tpu.memory_space<hbm>>) target(%arg11 : memref<128xi32, #tpu.memory_space<vmem>>) target_semaphore(%run_scoped3A : memref<!tpu.dma_semaphore, #tpu.memory_space<semaphore_mem>>)
      %dma_wait3A_26 = tpu.memref_slice %arg6[%mul3A_2] : memref<4096xi32, #tpu.memory_space<hbm>> -> memref<128xi32, #tpu.memory_space<hbm>>
      %dma_wait3A_27 = tpu.memref_slice %arg6[%mul3A_2] : memref<4096xi32, #tpu.memory_space<hbm>> -> memref<128xi32, #tpu.memory_space<hbm>>
      tpu.wait_dma2 semaphore(%run_scoped3A : memref<!tpu.dma_semaphore, #tpu.memory_space<semaphore_mem>>) src(%dma_wait3A_27 : memref<128xi32, #tpu.memory_space<hbm>>) dst(%arg11 : memref<128xi32, #tpu.memory_space<vmem>>)
      tpu.yield
    }) : () -> ()
    %dma_start3A = arith.constant 0 : i32
    %dma_start3A_3 = arith.constant 0 : i32
    %dma_start3A_4 = tpu.memref_slice %arg2[%dma_start3A, %dma_start3A_3] : memref<10000x128xf32, #tpu.memory_space<hbm>> -> memref<10000x128xf32, #tpu.memory_space<hbm>>
    tpu.enqueue_indirect_dma source(%dma_start3A_4 : memref<10000x128xf32, #tpu.memory_space<hbm>>) target(%arg12 : memref<128x128xf32, #tpu.memory_space<vmem>>) offsets(%arg9 : memref<128xi32, #tpu.memory_space<vmem>>) semaphore(%arg17 : memref<!tpu.dma_semaphore, #tpu.memory_space<semaphore_mem>>)
    %dma_start3A_5 = arith.constant 0 : i32
    %dma_start3A_6 = arith.constant 0 : i32
    %dma_start3A_7 = tpu.memref_slice %arg3[%dma_start3A_5, %dma_start3A_6] : memref<10000x128xf32, #tpu.memory_space<hbm>> -> memref<10000x128xf32, #tpu.memory_space<hbm>>
    tpu.enqueue_indirect_dma source(%dma_start3A_7 : memref<10000x128xf32, #tpu.memory_space<hbm>>) target(%arg13 : memref<128x128xf32, #tpu.memory_space<vmem>>) offsets(%arg10 : memref<128xi32, #tpu.memory_space<vmem>>) semaphore(%arg18 : memref<!tpu.dma_semaphore, #tpu.memory_space<semaphore_mem>>)
    %dma_start3A_8 = arith.constant 0 : i32
    %dma_start3A_9 = arith.constant 0 : i32
    %dma_start3A_10 = tpu.memref_slice %arg3[%dma_start3A_8, %dma_start3A_9] : memref<10000x128xf32, #tpu.memory_space<hbm>> -> memref<10000x128xf32, #tpu.memory_space<hbm>>
    tpu.enqueue_indirect_dma source(%dma_start3A_10 : memref<10000x128xf32, #tpu.memory_space<hbm>>) target(%arg14 : memref<128x128xf32, #tpu.memory_space<vmem>>) offsets(%arg11 : memref<128xi32, #tpu.memory_space<vmem>>) semaphore(%arg19 : memref<!tpu.dma_semaphore, #tpu.memory_space<semaphore_mem>>)
    %dma_wait3A = arith.constant 0 : i32
    %dma_wait3A_11 = arith.constant 0 : i32
    %dma_wait3A_12 = tpu.memref_slice %arg2[%dma_wait3A, %dma_wait3A_11] : memref<10000x128xf32, #tpu.memory_space<hbm>> -> memref<10000x128xf32, #tpu.memory_space<hbm>>
    tpu.wait_indirect_dma semaphore(%arg17 : memref<!tpu.dma_semaphore, #tpu.memory_space<semaphore_mem>>) src(%dma_wait3A_12 : memref<10000x128xf32, #tpu.memory_space<hbm>>) dst(%arg12 : memref<128x128xf32, #tpu.memory_space<vmem>>)
    %dma_wait3A_13 = arith.constant 0 : i32
    %dma_wait3A_14 = arith.constant 0 : i32
    %dma_wait3A_15 = tpu.memref_slice %arg3[%dma_wait3A_13, %dma_wait3A_14] : memref<10000x128xf32, #tpu.memory_space<hbm>> -> memref<10000x128xf32, #tpu.memory_space<hbm>>
    tpu.wait_indirect_dma semaphore(%arg18 : memref<!tpu.dma_semaphore, #tpu.memory_space<semaphore_mem>>) src(%dma_wait3A_15 : memref<10000x128xf32, #tpu.memory_space<hbm>>) dst(%arg13 : memref<128x128xf32, #tpu.memory_space<vmem>>)
    %dma_wait3A_16 = arith.constant 0 : i32
    %dma_wait3A_17 = arith.constant 0 : i32
    %dma_wait3A_18 = tpu.memref_slice %arg3[%dma_wait3A_16, %dma_wait3A_17] : memref<10000x128xf32, #tpu.memory_space<hbm>> -> memref<10000x128xf32, #tpu.memory_space<hbm>>
    tpu.wait_indirect_dma semaphore(%arg19 : memref<!tpu.dma_semaphore, #tpu.memory_space<semaphore_mem>>) src(%dma_wait3A_18 : memref<10000x128xf32, #tpu.memory_space<hbm>>) dst(%arg14 : memref<128x128xf32, #tpu.memory_space<vmem>>)
    %iota3A = tpu.iota {dimensions = array<i32: 0>} : vector<16xi32>
    %scan3A = arith.constant 0 : i32
    %scan3A_19 = arith.constant 0 : i32
    %scan3A_20 = arith.constant 8 : i32
    %scan3A_21 = arith.addi %scan3A_19, %scan3A_20 : i32
    %scan3A_22 = arith.constant 1 : i32
    scf.for %scan3A_24 = %scan3A_19 to %scan3A_21 step %scan3A_22  : i32 {
      %broadcast_in_dim3A = arith.constant 0.000000e+00 : f32
      %broadcast_in_dim3A_25 = vector.broadcast %broadcast_in_dim3A : f32 to vector<16xf32>
      %broadcast_in_dim3A_26 = arith.constant 0.000000e+00 : f32
      %broadcast_in_dim3A_27 = vector.broadcast %broadcast_in_dim3A_26 : f32 to vector<16xf32>
      %mul3A_28 = arith.constant 16 : i32
      %mul3A_29 = arith.muli %scan3A_24, %mul3A_28 : i32
      %add3A_30 = arith.constant 0 : i32
      %add3A_31 = arith.addi %mul3A_29, %add3A_30 : i32
      %get3A = arith.index_cast %add3A_31 : i32 to index
      %get3A_32 = arith.constant 0 : index
      %get3A_33 = tpu.vector_load %arg12[%get3A, %get3A_32] {strides = array<i32>} : memref<128x128xf32, #tpu.memory_space<vmem>>, vector<1x16xf32>,
      %get3A_34 = vector.shape_cast %get3A_33 : vector<1x16xf32> to vector<16xf32>
      %eq3A = arith.constant 0 : i32
      %eq3A_35 = vector.broadcast %eq3A : i32 to vector<16xi32>
      %eq3A_36 = arith.cmpi eq, %iota3A, %eq3A_35 : vector<16xi32>
      %get3A_37 = arith.index_cast %add3A_31 : i32 to index
      %get3A_38 = arith.constant 0 : index
      %get3A_39 = tpu.vector_load %arg13[%get3A_37, %get3A_38] {strides = array<i32>} : memref<128x128xf32, #tpu.memory_space<vmem>>, vector<1x16xf32>,
      %get3A_40 = vector.shape_cast %get3A_39 : vector<1x16xf32> to vector<16xf32>
      %mul3A_41 = arith.mulf %get3A_34, %get3A_40 : vector<16xf32>
      %xor3A = arith.constant 8 : i32
      %xor3A_42 = vector.broadcast %xor3A : i32 to vector<16xi32>
      %xor3A_43 = arith.xori %iota3A, %xor3A_42 : vector<16xi32>
      %lt3A = arith.constant 0 : i32
      %lt3A_44 = vector.broadcast %lt3A : i32 to vector<16xi32>
      %lt3A_45 = arith.cmpi slt, %xor3A_43, %lt3A_44 : vector<16xi32>
      %add3A_46 = arith.constant 16 : i32
      %add3A_47 = vector.broadcast %add3A_46 : i32 to vector<16xi32>
      %add3A_48 = arith.addi %xor3A_43, %add3A_47 : vector<16xi32>
      %select_n3A = arith.select %lt3A_45, %add3A_48, %xor3A_43 : vector<16xi1>, vector<16xi32>
      %broadcast_in_dim3A_49 = vector.shape_cast %select_n3A : vector<16xi32> to vector<16x1xi32>
      %gather3A = vector.shape_cast %broadcast_in_dim3A_49 : vector<16x1xi32> to vector<16xi32>
      %gather3A_50 = tpu.dynamic_gather %mul3A_41[%gather3A] in [0] : vector<16xf32>, vector<16xi32> -> vector<16xf32>
      %add3A_51 = arith.addf %mul3A_41, %gather3A_50 : vector<16xf32>
      %xor3A_52 = arith.constant 4 : i32
      %xor3A_53 = vector.broadcast %xor3A_52 : i32 to vector<16xi32>
      %xor3A_54 = arith.xori %iota3A, %xor3A_53 : vector<16xi32>
      %lt3A_55 = arith.constant 0 : i32
      %lt3A_56 = vector.broadcast %lt3A_55 : i32 to vector<16xi32>
      %lt3A_57 = arith.cmpi slt, %xor3A_54, %lt3A_56 : vector<16xi32>
      %add3A_58 = arith.constant 16 : i32
      %add3A_59 = vector.broadcast %add3A_58 : i32 to vector<16xi32>
      %add3A_60 = arith.addi %xor3A_54, %add3A_59 : vector<16xi32>
      %select_n3A_61 = arith.select %lt3A_57, %add3A_60, %xor3A_54 : vector<16xi1>, vector<16xi32>
      %broadcast_in_dim3A_62 = vector.shape_cast %select_n3A_61 : vector<16xi32> to vector<16x1xi32>
      %gather3A_63 = vector.shape_cast %broadcast_in_dim3A_62 : vector<16x1xi32> to vector<16xi32>
      %gather3A_64 = tpu.dynamic_gather %add3A_51[%gather3A_63] in [0] : vector<16xf32>, vector<16xi32> -> vector<16xf32>
      %add3A_65 = arith.addf %add3A_51, %gather3A_64 : vector<16xf32>
      %xor3A_66 = arith.constant 2 : i32
      %xor3A_67 = vector.broadcast %xor3A_66 : i32 to vector<16xi32>
      %xor3A_68 = arith.xori %iota3A, %xor3A_67 : vector<16xi32>
      %lt3A_69 = arith.constant 0 : i32
      %lt3A_70 = vector.broadcast %lt3A_69 : i32 to vector<16xi32>
      %lt3A_71 = arith.cmpi slt, %xor3A_68, %lt3A_70 : vector<16xi32>
      %add3A_72 = arith.constant 16 : i32
      %add3A_73 = vector.broadcast %add3A_72 : i32 to vector<16xi32>
      %add3A_74 = arith.addi %xor3A_68, %add3A_73 : vector<16xi32>
      %select_n3A_75 = arith.select %lt3A_71, %add3A_74, %xor3A_68 : vector<16xi1>, vector<16xi32>
      %broadcast_in_dim3A_76 = vector.shape_cast %select_n3A_75 : vector<16xi32> to vector<16x1xi32>
      %gather3A_77 = vector.shape_cast %broadcast_in_dim3A_76 : vector<16x1xi32> to vector<16xi32>
      %gather3A_78 = tpu.dynamic_gather %add3A_65[%gather3A_77] in [0] : vector<16xf32>, vector<16xi32> -> vector<16xf32>
      %add3A_79 = arith.addf %add3A_65, %gather3A_78 : vector<16xf32>
      %xor3A_80 = arith.constant 1 : i32
      %xor3A_81 = vector.broadcast %xor3A_80 : i32 to vector<16xi32>
      %xor3A_82 = arith.xori %iota3A, %xor3A_81 : vector<16xi32>
      %lt3A_83 = arith.constant 0 : i32
      %lt3A_84 = vector.broadcast %lt3A_83 : i32 to vector<16xi32>
      %lt3A_85 = arith.cmpi slt, %xor3A_82, %lt3A_84 : vector<16xi32>
      %add3A_86 = arith.constant 16 : i32
      %add3A_87 = vector.broadcast %add3A_86 : i32 to vector<16xi32>
      %add3A_88 = arith.addi %xor3A_82, %add3A_87 : vector<16xi32>
      %select_n3A_89 = arith.select %lt3A_85, %add3A_88, %xor3A_82 : vector<16xi1>, vector<16xi32>
      %broadcast_in_dim3A_90 = vector.shape_cast %select_n3A_89 : vector<16xi32> to vector<16x1xi32>
      %gather3A_91 = vector.shape_cast %broadcast_in_dim3A_90 : vector<16x1xi32> to vector<16xi32>
      %gather3A_92 = tpu.dynamic_gather %add3A_79[%gather3A_91] in [0] : vector<16xf32>, vector<16xi32> -> vector<16xf32>
      %add3A_93 = arith.addf %add3A_79, %gather3A_92 : vector<16xf32>
      %select_n3A_94 = arith.select %eq3A_36, %add3A_93, %broadcast_in_dim3A_25 : vector<16xi1>, vector<16xf32>
      %eq3A_95 = arith.constant 0 : i32
      %eq3A_96 = vector.broadcast %eq3A_95 : i32 to vector<16xi32>
      %eq3A_97 = arith.cmpi eq, %iota3A, %eq3A_96 : vector<16xi32>
      %get3A_98 = arith.index_cast %add3A_31 : i32 to index
      %get3A_99 = arith.constant 0 : index
      %get3A_100 = tpu.vector_load %arg14[%get3A_98, %get3A_99] {strides = array<i32>} : memref<128x128xf32, #tpu.memory_space<vmem>>, vector<1x16xf32>,
      %get3A_101 = vector.shape_cast %get3A_100 : vector<1x16xf32> to vector<16xf32>
      %mul3A_102 = arith.mulf %get3A_34, %get3A_101 : vector<16xf32>
      %xor3A_103 = arith.constant 8 : i32
      %xor3A_104 = vector.broadcast %xor3A_103 : i32 to vector<16xi32>
      %xor3A_105 = arith.xori %iota3A, %xor3A_104 : vector<16xi32>
      %lt3A_106 = arith.constant 0 : i32
      %lt3A_107 = vector.broadcast %lt3A_106 : i32 to vector<16xi32>
      %lt3A_108 = arith.cmpi slt, %xor3A_105, %lt3A_107 : vector<16xi32>
      %add3A_109 = arith.constant 16 : i32
      %add3A_110 = vector.broadcast %add3A_109 : i32 to vector<16xi32>
      %add3A_111 = arith.addi %xor3A_105, %add3A_110 : vector<16xi32>
      %select_n3A_112 = arith.select %lt3A_108, %add3A_111, %xor3A_105 : vector<16xi1>, vector<16xi32>
      %broadcast_in_dim3A_113 = vector.shape_cast %select_n3A_112 : vector<16xi32> to vector<16x1xi32>
      %gather3A_114 = vector.shape_cast %broadcast_in_dim3A_113 : vector<16x1xi32> to vector<16xi32>
      %gather3A_115 = tpu.dynamic_gather %mul3A_102[%gather3A_114] in [0] : vector<16xf32>, vector<16xi32> -> vector<16xf32>
      %add3A_116 = arith.addf %mul3A_102, %gather3A_115 : vector<16xf32>
      %xor3A_117 = arith.constant 4 : i32
      %xor3A_118 = vector.broadcast %xor3A_117 : i32 to vector<16xi32>
      %xor3A_119 = arith.xori %iota3A, %xor3A_118 : vector<16xi32>
      %lt3A_120 = arith.constant 0 : i32
      %lt3A_121 = vector.broadcast %lt3A_120 : i32 to vector<16xi32>
      %lt3A_122 = arith.cmpi slt, %xor3A_119, %lt3A_121 : vector<16xi32>
      %add3A_123 = arith.constant 16 : i32
      %add3A_124 = vector.broadcast %add3A_123 : i32 to vector<16xi32>
      %add3A_125 = arith.addi %xor3A_119, %add3A_124 : vector<16xi32>
      %select_n3A_126 = arith.select %lt3A_122, %add3A_125, %xor3A_119 : vector<16xi1>, vector<16xi32>
      %broadcast_in_dim3A_127 = vector.shape_cast %select_n3A_126 : vector<16xi32> to vector<16x1xi32>
      %gather3A_128 = vector.shape_cast %broadcast_in_dim3A_127 : vector<16x1xi32> to vector<16xi32>
      %gather3A_129 = tpu.dynamic_gather %add3A_116[%gather3A_128] in [0] : vector<16xf32>, vector<16xi32> -> vector<16xf32>
      %add3A_130 = arith.addf %add3A_116, %gather3A_129 : vector<16xf32>
      %xor3A_131 = arith.constant 2 : i32
      %xor3A_132 = vector.broadcast %xor3A_131 : i32 to vector<16xi32>
      %xor3A_133 = arith.xori %iota3A, %xor3A_132 : vector<16xi32>
      %lt3A_134 = arith.constant 0 : i32
      %lt3A_135 = vector.broadcast %lt3A_134 : i32 to vector<16xi32>
      %lt3A_136 = arith.cmpi slt, %xor3A_133, %lt3A_135 : vector<16xi32>
      %add3A_137 = arith.constant 16 : i32
      %add3A_138 = vector.broadcast %add3A_137 : i32 to vector<16xi32>
      %add3A_139 = arith.addi %xor3A_133, %add3A_138 : vector<16xi32>
      %select_n3A_140 = arith.select %lt3A_136, %add3A_139, %xor3A_133 : vector<16xi1>, vector<16xi32>
      %broadcast_in_dim3A_141 = vector.shape_cast %select_n3A_140 : vector<16xi32> to vector<16x1xi32>
      %gather3A_142 = vector.shape_cast %broadcast_in_dim3A_141 : vector<16x1xi32> to vector<16xi32>
      %gather3A_143 = tpu.dynamic_gather %add3A_130[%gather3A_142] in [0] : vector<16xf32>, vector<16xi32> -> vector<16xf32>
      %add3A_144 = arith.addf %add3A_130, %gather3A_143 : vector<16xf32>
      %xor3A_145 = arith.constant 1 : i32
      %xor3A_146 = vector.broadcast %xor3A_145 : i32 to vector<16xi32>
      %xor3A_147 = arith.xori %iota3A, %xor3A_146 : vector<16xi32>
      %lt3A_148 = arith.constant 0 : i32
      %lt3A_149 = vector.broadcast %lt3A_148 : i32 to vector<16xi32>
      %lt3A_150 = arith.cmpi slt, %xor3A_147, %lt3A_149 : vector<16xi32>
      %add3A_151 = arith.constant 16 : i32
      %add3A_152 = vector.broadcast %add3A_151 : i32 to vector<16xi32>
      %add3A_153 = arith.addi %xor3A_147, %add3A_152 : vector<16xi32>
      %select_n3A_154 = arith.select %lt3A_150, %add3A_153, %xor3A_147 : vector<16xi1>, vector<16xi32>
      %broadcast_in_dim3A_155 = vector.shape_cast %select_n3A_154 : vector<16xi32> to vector<16x1xi32>
      %gather3A_156 = vector.shape_cast %broadcast_in_dim3A_155 : vector<16x1xi32> to vector<16xi32>
      %gather3A_157 = tpu.dynamic_gather %add3A_144[%gather3A_156] in [0] : vector<16xf32>, vector<16xi32> -> vector<16xf32>
      %add3A_158 = arith.addf %add3A_144, %gather3A_157 : vector<16xf32>
      %select_n3A_159 = arith.select %eq3A_97, %add3A_158, %broadcast_in_dim3A_27 : vector<16xi1>, vector<16xf32>
      %mul3A_160 = arith.constant 16 : i32
      %mul3A_161 = arith.muli %scan3A_24, %mul3A_160 : i32
      %add3A_162 = arith.constant 1 : i32
      %add3A_163 = arith.addi %mul3A_161, %add3A_162 : i32
      %get3A_164 = arith.index_cast %add3A_163 : i32 to index
      %get3A_165 = arith.constant 0 : index
      %get3A_166 = tpu.vector_load %arg12[%get3A_164, %get3A_165] {strides = array<i32>} : memref<128x128xf32, #tpu.memory_space<vmem>>, vector<1x16xf32>,
      %get3A_167 = vector.shape_cast %get3A_166 : vector<1x16xf32> to vector<16xf32>
      %eq3A_168 = arith.constant 1 : i32
      %eq3A_169 = vector.broadcast %eq3A_168 : i32 to vector<16xi32>
      %eq3A_170 = arith.cmpi eq, %iota3A, %eq3A_169 : vector<16xi32>
      %get3A_171 = arith.index_cast %add3A_163 : i32 to index
      %get3A_172 = arith.constant 0 : index
      %get3A_173 = tpu.vector_load %arg13[%get3A_171, %get3A_172] {strides = array<i32>} : memref<128x128xf32, #tpu.memory_space<vmem>>, vector<1x16xf32>,
      %get3A_174 = vector.shape_cast %get3A_173 : vector<1x16xf32> to vector<16xf32>
      %mul3A_175 = arith.mulf %get3A_167, %get3A_174 : vector<16xf32>
      %xor3A_176 = arith.constant 8 : i32
      %xor3A_177 = vector.broadcast %xor3A_176 : i32 to vector<16xi32>
      %xor3A_178 = arith.xori %iota3A, %xor3A_177 : vector<16xi32>
      %lt3A_179 = arith.constant 0 : i32
      %lt3A_180 = vector.broadcast %lt3A_179 : i32 to vector<16xi32>
      %lt3A_181 = arith.cmpi slt, %xor3A_178, %lt3A_180 : vector<16xi32>
      %add3A_182 = arith.constant 16 : i32
      %add3A_183 = vector.broadcast %add3A_182 : i32 to vector<16xi32>
      %add3A_184 = arith.addi %xor3A_178, %add3A_183 : vector<16xi32>
      %select_n3A_185 = arith.select %lt3A_181, %add3A_184, %xor3A_178 : vector<16xi1>, vector<16xi32>
      %broadcast_in_dim3A_186 = vector.shape_cast %select_n3A_185 : vector<16xi32> to vector<16x1xi32>
      %gather3A_187 = vector.shape_cast %broadcast_in_dim3A_186 : vector<16x1xi32> to vector<16xi32>
      %gather3A_188 = tpu.dynamic_gather %mul3A_175[%gather3A_187] in [0] : vector<16xf32>, vector<16xi32> -> vector<16xf32>
      %add3A_189 = arith.addf %mul3A_175, %gather3A_188 : vector<16xf32>
      %xor3A_190 = arith.constant 4 : i32
      %xor3A_191 = vector.broadcast %xor3A_190 : i32 to vector<16xi32>
      %xor3A_192 = arith.xori %iota3A, %xor3A_191 : vector<16xi32>
      %lt3A_193 = arith.constant 0 : i32
      %lt3A_194 = vector.broadcast %lt3A_193 : i32 to vector<16xi32>
      %lt3A_195 = arith.cmpi slt, %xor3A_192, %lt3A_194 : vector<16xi32>
      %add3A_196 = arith.constant 16 : i32
      %add3A_197 = vector.broadcast %add3A_196 : i32 to vector<16xi32>
      %add3A_198 = arith.addi %xor3A_192, %add3A_197 : vector<16xi32>
      %select_n3A_199 = arith.select %lt3A_195, %add3A_198, %xor3A_192 : vector<16xi1>, vector<16xi32>
      %broadcast_in_dim3A_200 = vector.shape_cast %select_n3A_199 : vector<16xi32> to vector<16x1xi32>
      %gather3A_201 = vector.shape_cast %broadcast_in_dim3A_200 : vector<16x1xi32> to vector<16xi32>
      %gather3A_202 = tpu.dynamic_gather %add3A_189[%gather3A_201] in [0] : vector<16xf32>, vector<16xi32> -> vector<16xf32>
      %add3A_203 = arith.addf %add3A_189, %gather3A_202 : vector<16xf32>
      %xor3A_204 = arith.constant 2 : i32
      %xor3A_205 = vector.broadcast %xor3A_204 : i32 to vector<16xi32>
      %xor3A_206 = arith.xori %iota3A, %xor3A_205 : vector<16xi32>
      %lt3A_207 = arith.constant 0 : i32
      %lt3A_208 = vector.broadcast %lt3A_207 : i32 to vector<16xi32>
      %lt3A_209 = arith.cmpi slt, %xor3A_206, %lt3A_208 : vector<16xi32>
      %add3A_210 = arith.constant 16 : i32
      %add3A_211 = vector.broadcast %add3A_210 : i32 to vector<16xi32>
      %add3A_212 = arith.addi %xor3A_206, %add3A_211 : vector<16xi32>
      %select_n3A_213 = arith.select %lt3A_209, %add3A_212, %xor3A_206 : vector<16xi1>, vector<16xi32>
      %broadcast_in_dim3A_214 = vector.shape_cast %select_n3A_213 : vector<16xi32> to vector<16x1xi32>
      %gather3A_215 = vector.shape_cast %broadcast_in_dim3A_214 : vector<16x1xi32> to vector<16xi32>
      %gather3A_216 = tpu.dynamic_gather %add3A_203[%gather3A_215] in [0] : vector<16xf32>, vector<16xi32> -> vector<16xf32>
      %add3A_217 = arith.addf %add3A_203, %gather3A_216 : vector<16xf32>
      %xor3A_218 = arith.constant 1 : i32
      %xor3A_219 = vector.broadcast %xor3A_218 : i32 to vector<16xi32>
      %xor3A_220 = arith.xori %iota3A, %xor3A_219 : vector<16xi32>
      %lt3A_221 = arith.constant 0 : i32
      %lt3A_222 = vector.broadcast %lt3A_221 : i32 to vector<16xi32>
      %lt3A_223 = arith.cmpi slt, %xor3A_220, %lt3A_222 : vector<16xi32>
      %add3A_224 = arith.constant 16 : i32
      %add3A_225 = vector.broadcast %add3A_224 : i32 to vector<16xi32>
      %add3A_226 = arith.addi %xor3A_220, %add3A_225 : vector<16xi32>
      %select_n3A_227 = arith.select %lt3A_223, %add3A_226, %xor3A_220 : vector<16xi1>, vector<16xi32>
      %broadcast_in_dim3A_228 = vector.shape_cast %select_n3A_227 : vector<16xi32> to vector<16x1xi32>
      %gather3A_229 = vector.shape_cast %broadcast_in_dim3A_228 : vector<16x1xi32> to vector<16xi32>
      %gather3A_230 = tpu.dynamic_gather %add3A_217[%gather3A_229] in [0] : vector<16xf32>, vector<16xi32> -> vector<16xf32>
      %add3A_231 = arith.addf %add3A_217, %gather3A_230 : vector<16xf32>
      %select_n3A_232 = arith.select %eq3A_170, %add3A_231, %select_n3A_94 : vector<16xi1>, vector<16xf32>
      %eq3A_233 = arith.constant 1 : i32
      %eq3A_234 = vector.broadcast %eq3A_233 : i32 to vector<16xi32>
      %eq3A_235 = arith.cmpi eq, %iota3A, %eq3A_234 : vector<16xi32>
      %get3A_236 = arith.index_cast %add3A_163 : i32 to index
      %get3A_237 = arith.constant 0 : index
      %get3A_238 = tpu.vector_load %arg14[%get3A_236, %get3A_237] {strides = array<i32>} : memref<128x128xf32, #tpu.memory_space<vmem>>, vector<1x16xf32>,
      %get3A_239 = vector.shape_cast %get3A_238 : vector<1x16xf32> to vector<16xf32>
      %mul3A_240 = arith.mulf %get3A_167, %get3A_239 : vector<16xf32>
      %xor3A_241 = arith.constant 8 : i32
      %xor3A_242 = vector.broadcast %xor3A_241 : i32 to vector<16xi32>
      %xor3A_243 = arith.xori %iota3A, %xor3A_242 : vector<16xi32>
      %lt3A_244 = arith.constant 0 : i32
      %lt3A_245 = vector.broadcast %lt3A_244 : i32 to vector<16xi32>
      %lt3A_246 = arith.cmpi slt, %xor3A_243, %lt3A_245 : vector<16xi32>
      %add3A_247 = arith.constant 16 : i32
      %add3A_248 = vector.broadcast %add3A_247 : i32 to vector<16xi32>
      %add3A_249 = arith.addi %xor3A_243, %add3A_248 : vector<16xi32>
      %select_n3A_250 = arith.select %lt3A_246, %add3A_249, %xor3A_243 : vector<16xi1>, vector<16xi32>
      %broadcast_in_dim3A_251 = vector.shape_cast %select_n3A_250 : vector<16xi32> to vector<16x1xi32>
      %gather3A_252 = vector.shape_cast %broadcast_in_dim3A_251 : vector<16x1xi32> to vector<16xi32>
      %gather3A_253 = tpu.dynamic_gather %mul3A_240[%gather3A_252] in [0] : vector<16xf32>, vector<16xi32> -> vector<16xf32>
      %add3A_254 = arith.addf %mul3A_240, %gather3A_253 : vector<16xf32>
      %xor3A_255 = arith.constant 4 : i32
      %xor3A_256 = vector.broadcast %xor3A_255 : i32 to vector<16xi32>
      %xor3A_257 = arith.xori %iota3A, %xor3A_256 : vector<16xi32>
      %lt3A_258 = arith.constant 0 : i32
      %lt3A_259 = vector.broadcast %lt3A_258 : i32 to vector<16xi32>
      %lt3A_260 = arith.cmpi slt, %xor3A_257, %lt3A_259 : vector<16xi32>
      %add3A_261 = arith.constant 16 : i32
      %add3A_262 = vector.broadcast %add3A_261 : i32 to vector<16xi32>
      %add3A_263 = arith.addi %xor3A_257, %add3A_262 : vector<16xi32>
      %select_n3A_264 = arith.select %lt3A_260, %add3A_263, %xor3A_257 : vector<16xi1>, vector<16xi32>
      %broadcast_in_dim3A_265 = vector.shape_cast %select_n3A_264 : vector<16xi32> to vector<16x1xi32>
      %gather3A_266 = vector.shape_cast %broadcast_in_dim3A_265 : vector<16x1xi32> to vector<16xi32>
      %gather3A_267 = tpu.dynamic_gather %add3A_254[%gather3A_266] in [0] : vector<16xf32>, vector<16xi32> -> vector<16xf32>
      %add3A_268 = arith.addf %add3A_254, %gather3A_267 : vector<16xf32>
      %xor3A_269 = arith.constant 2 : i32
      %xor3A_270 = vector.broadcast %xor3A_269 : i32 to vector<16xi32>
      %xor3A_271 = arith.xori %iota3A, %xor3A_270 : vector<16xi32>
      %lt3A_272 = arith.constant 0 : i32
      %lt3A_273 = vector.broadcast %lt3A_272 : i32 to vector<16xi32>
      %lt3A_274 = arith.cmpi slt, %xor3A_271, %lt3A_273 : vector<16xi32>
      %add3A_275 = arith.constant 16 : i32
      %add3A_276 = vector.broadcast %add3A_275 : i32 to vector<16xi32>
      %add3A_277 = arith.addi %xor3A_271, %add3A_276 : vector<16xi32>
      %select_n3A_278 = arith.select %lt3A_274, %add3A_277, %xor3A_271 : vector<16xi1>, vector<16xi32>
      %broadcast_in_dim3A_279 = vector.shape_cast %select_n3A_278 : vector<16xi32> to vector<16x1xi32>
      %gather3A_280 = vector.shape_cast %broadcast_in_dim3A_279 : vector<16x1xi32> to vector<16xi32>
      %gather3A_281 = tpu.dynamic_gather %add3A_268[%gather3A_280] in [0] : vector<16xf32>, vector<16xi32> -> vector<16xf32>
      %add3A_282 = arith.addf %add3A_268, %gather3A_281 : vector<16xf32>
      %xor3A_283 = arith.constant 1 : i32
      %xor3A_284 = vector.broadcast %xor3A_283 : i32 to vector<16xi32>
      %xor3A_285 = arith.xori %iota3A, %xor3A_284 : vector<16xi32>
      %lt3A_286 = arith.constant 0 : i32
      %lt3A_287 = vector.broadcast %lt3A_286 : i32 to vector<16xi32>
      %lt3A_288 = arith.cmpi slt, %xor3A_285, %lt3A_287 : vector<16xi32>
      %add3A_289 = arith.constant 16 : i32
      %add3A_290 = vector.broadcast %add3A_289 : i32 to vector<16xi32>
      %add3A_291 = arith.addi %xor3A_285, %add3A_290 : vector<16xi32>
      %select_n3A_292 = arith.select %lt3A_288, %add3A_291, %xor3A_285 : vector<16xi1>, vector<16xi32>
      %broadcast_in_dim3A_293 = vector.shape_cast %select_n3A_292 : vector<16xi32> to vector<16x1xi32>
      %gather3A_294 = vector.shape_cast %broadcast_in_dim3A_293 : vector<16x1xi32> to vector<16xi32>
      %gather3A_295 = tpu.dynamic_gather %add3A_282[%gather3A_294] in [0] : vector<16xf32>, vector<16xi32> -> vector<16xf32>
      %add3A_296 = arith.addf %add3A_282, %gather3A_295 : vector<16xf32>
      %select_n3A_297 = arith.select %eq3A_235, %add3A_296, %select_n3A_159 : vector<16xi1>, vector<16xf32>
      %mul3A_298 = arith.constant 16 : i32
      %mul3A_299 = arith.muli %scan3A_24, %mul3A_298 : i32
      %add3A_300 = arith.constant 2 : i32
      %add3A_301 = arith.addi %mul3A_299, %add3A_300 : i32
      %get3A_302 = arith.index_cast %add3A_301 : i32 to index
      %get3A_303 = arith.constant 0 : index
      %get3A_304 = tpu.vector_load %arg12[%get3A_302, %get3A_303] {strides = array<i32>} : memref<128x128xf32, #tpu.memory_space<vmem>>, vector<1x16xf32>,
      %get3A_305 = vector.shape_cast %get3A_304 : vector<1x16xf32> to vector<16xf32>
      %eq3A_306 = arith.constant 2 : i32
      %eq3A_307 = vector.broadcast %eq3A_306 : i32 to vector<16xi32>
      %eq3A_308 = arith.cmpi eq, %iota3A, %eq3A_307 : vector<16xi32>
      %get3A_309 = arith.index_cast %add3A_301 : i32 to index
      %get3A_310 = arith.constant 0 : index
      %get3A_311 = tpu.vector_load %arg13[%get3A_309, %get3A_310] {strides = array<i32>} : memref<128x128xf32, #tpu.memory_space<vmem>>, vector<1x16xf32>,
      %get3A_312 = vector.shape_cast %get3A_311 : vector<1x16xf32> to vector<16xf32>
      %mul3A_313 = arith.mulf %get3A_305, %get3A_312 : vector<16xf32>
      %xor3A_314 = arith.constant 8 : i32
      %xor3A_315 = vector.broadcast %xor3A_314 : i32 to vector<16xi32>
      %xor3A_316 = arith.xori %iota3A, %xor3A_315 : vector<16xi32>
      %lt3A_317 = arith.constant 0 : i32
      %lt3A_318 = vector.broadcast %lt3A_317 : i32 to vector<16xi32>
      %lt3A_319 = arith.cmpi slt, %xor3A_316, %lt3A_318 : vector<16xi32>
      %add3A_320 = arith.constant 16 : i32
      %add3A_321 = vector.broadcast %add3A_320 : i32 to vector<16xi32>
      %add3A_322 = arith.addi %xor3A_316, %add3A_321 : vector<16xi32>
      %select_n3A_323 = arith.select %lt3A_319, %add3A_322, %xor3A_316 : vector<16xi1>, vector<16xi32>
      %broadcast_in_dim3A_324 = vector.shape_cast %select_n3A_323 : vector<16xi32> to vector<16x1xi32>
      %gather3A_325 = vector.shape_cast %broadcast_in_dim3A_324 : vector<16x1xi32> to vector<16xi32>
      %gather3A_326 = tpu.dynamic_gather %mul3A_313[%gather3A_325] in [0] : vector<16xf32>, vector<16xi32> -> vector<16xf32>
      %add3A_327 = arith.addf %mul3A_313, %gather3A_326 : vector<16xf32>
      %xor3A_328 = arith.constant 4 : i32
      %xor3A_329 = vector.broadcast %xor3A_328 : i32 to vector<16xi32>
      %xor3A_330 = arith.xori %iota3A, %xor3A_329 : vector<16xi32>
      %lt3A_331 = arith.constant 0 : i32
      %lt3A_332 = vector.broadcast %lt3A_331 : i32 to vector<16xi32>
      %lt3A_333 = arith.cmpi slt, %xor3A_330, %lt3A_332 : vector<16xi32>
      %add3A_334 = arith.constant 16 : i32
      %add3A_335 = vector.broadcast %add3A_334 : i32 to vector<16xi32>
      %add3A_336 = arith.addi %xor3A_330, %add3A_335 : vector<16xi32>
      %select_n3A_337 = arith.select %lt3A_333, %add3A_336, %xor3A_330 : vector<16xi1>, vector<16xi32>
      %broadcast_in_dim3A_338 = vector.shape_cast %select_n3A_337 : vector<16xi32> to vector<16x1xi32>
      %gather3A_339 = vector.shape_cast %broadcast_in_dim3A_338 : vector<16x1xi32> to vector<16xi32>
      %gather3A_340 = tpu.dynamic_gather %add3A_327[%gather3A_339] in [0] : vector<16xf32>, vector<16xi32> -> vector<16xf32>
      %add3A_341 = arith.addf %add3A_327, %gather3A_340 : vector<16xf32>
      %xor3A_342 = arith.constant 2 : i32
      %xor3A_343 = vector.broadcast %xor3A_342 : i32 to vector<16xi32>
      %xor3A_344 = arith.xori %iota3A, %xor3A_343 : vector<16xi32>
      %lt3A_345 = arith.constant 0 : i32
      %lt3A_346 = vector.broadcast %lt3A_345 : i32 to vector<16xi32>
      %lt3A_347 = arith.cmpi slt, %xor3A_344, %lt3A_346 : vector<16xi32>
      %add3A_348 = arith.constant 16 : i32
      %add3A_349 = vector.broadcast %add3A_348 : i32 to vector<16xi32>
      %add3A_350 = arith.addi %xor3A_344, %add3A_349 : vector<16xi32>
      %select_n3A_351 = arith.select %lt3A_347, %add3A_350, %xor3A_344 : vector<16xi1>, vector<16xi32>
      %broadcast_in_dim3A_352 = vector.shape_cast %select_n3A_351 : vector<16xi32> to vector<16x1xi32>
      %gather3A_353 = vector.shape_cast %broadcast_in_dim3A_352 : vector<16x1xi32> to vector<16xi32>
      %gather3A_354 = tpu.dynamic_gather %add3A_341[%gather3A_353] in [0] : vector<16xf32>, vector<16xi32> -> vector<16xf32>
      %add3A_355 = arith.addf %add3A_341, %gather3A_354 : vector<16xf32>
      %xor3A_356 = arith.constant 1 : i32
      %xor3A_357 = vector.broadcast %xor3A_356 : i32 to vector<16xi32>
      %xor3A_358 = arith.xori %iota3A, %xor3A_357 : vector<16xi32>
      %lt3A_359 = arith.constant 0 : i32
      %lt3A_360 = vector.broadcast %lt3A_359 : i32 to vector<16xi32>
      %lt3A_361 = arith.cmpi slt, %xor3A_358, %lt3A_360 : vector<16xi32>
      %add3A_362 = arith.constant 16 : i32
      %add3A_363 = vector.broadcast %add3A_362 : i32 to vector<16xi32>
      %add3A_364 = arith.addi %xor3A_358, %add3A_363 : vector<16xi32>
      %select_n3A_365 = arith.select %lt3A_361, %add3A_364, %xor3A_358 : vector<16xi1>, vector<16xi32>
      %broadcast_in_dim3A_366 = vector.shape_cast %select_n3A_365 : vector<16xi32> to vector<16x1xi32>
      %gather3A_367 = vector.shape_cast %broadcast_in_dim3A_366 : vector<16x1xi32> to vector<16xi32>
      %gather3A_368 = tpu.dynamic_gather %add3A_355[%gather3A_367] in [0] : vector<16xf32>, vector<16xi32> -> vector<16xf32>
      %add3A_369 = arith.addf %add3A_355, %gather3A_368 : vector<16xf32>
      %select_n3A_370 = arith.select %eq3A_308, %add3A_369, %select_n3A_232 : vector<16xi1>, vector<16xf32>
      %eq3A_371 = arith.constant 2 : i32
      %eq3A_372 = vector.broadcast %eq3A_371 : i32 to vector<16xi32>
      %eq3A_373 = arith.cmpi eq, %iota3A, %eq3A_372 : vector<16xi32>
      %get3A_374 = arith.index_cast %add3A_301 : i32 to index
      %get3A_375 = arith.constant 0 : index
      %get3A_376 = tpu.vector_load %arg14[%get3A_374, %get3A_375] {strides = array<i32>} : memref<128x128xf32, #tpu.memory_space<vmem>>, vector<1x16xf32>,
      %get3A_377 = vector.shape_cast %get3A_376 : vector<1x16xf32> to vector<16xf32>
      %mul3A_378 = arith.mulf %get3A_305, %get3A_377 : vector<16xf32>
      %xor3A_379 = arith.constant 8 : i32
      %xor3A_380 = vector.broadcast %xor3A_379 : i32 to vector<16xi32>
      %xor3A_381 = arith.xori %iota3A, %xor3A_380 : vector<16xi32>
      %lt3A_382 = arith.constant 0 : i32
      %lt3A_383 = vector.broadcast %lt3A_382 : i32 to vector<16xi32>
      %lt3A_384 = arith.cmpi slt, %xor3A_381, %lt3A_383 : vector<16xi32>
      %add3A_385 = arith.constant 16 : i32
      %add3A_386 = vector.broadcast %add3A_385 : i32 to vector<16xi32>
      %add3A_387 = arith.addi %xor3A_381, %add3A_386 : vector<16xi32>
      %select_n3A_388 = arith.select %lt3A_384, %add3A_387, %xor3A_381 : vector<16xi1>, vector<16xi32>
      %broadcast_in_dim3A_389 = vector.shape_cast %select_n3A_388 : vector<16xi32> to vector<16x1xi32>
      %gather3A_390 = vector.shape_cast %broadcast_in_dim3A_389 : vector<16x1xi32> to vector<16xi32>
      %gather3A_391 = tpu.dynamic_gather %mul3A_378[%gather3A_390] in [0] : vector<16xf32>, vector<16xi32> -> vector<16xf32>
      %add3A_392 = arith.addf %mul3A_378, %gather3A_391 : vector<16xf32>
      %xor3A_393 = arith.constant 4 : i32
      %xor3A_394 = vector.broadcast %xor3A_393 : i32 to vector<16xi32>
      %xor3A_395 = arith.xori %iota3A, %xor3A_394 : vector<16xi32>
      %lt3A_396 = arith.constant 0 : i32
      %lt3A_397 = vector.broadcast %lt3A_396 : i32 to vector<16xi32>
      %lt3A_398 = arith.cmpi slt, %xor3A_395, %lt3A_397 : vector<16xi32>
      %add3A_399 = arith.constant 16 : i32
      %add3A_400 = vector.broadcast %add3A_399 : i32 to vector<16xi32>
      %add3A_401 = arith.addi %xor3A_395, %add3A_400 : vector<16xi32>
      %select_n3A_402 = arith.select %lt3A_398, %add3A_401, %xor3A_395 : vector<16xi1>, vector<16xi32>
      %broadcast_in_dim3A_403 = vector.shape_cast %select_n3A_402 : vector<16xi32> to vector<16x1xi32>
      %gather3A_404 = vector.shape_cast %broadcast_in_dim3A_403 : vector<16x1xi32> to vector<16xi32>
      %gather3A_405 = tpu.dynamic_gather %add3A_392[%gather3A_404] in [0] : vector<16xf32>, vector<16xi32> -> vector<16xf32>
      %add3A_406 = arith.addf %add3A_392, %gather3A_405 : vector<16xf32>
      %xor3A_407 = arith.constant 2 : i32
      %xor3A_408 = vector.broadcast %xor3A_407 : i32 to vector<16xi32>
      %xor3A_409 = arith.xori %iota3A, %xor3A_408 : vector<16xi32>
      %lt3A_410 = arith.constant 0 : i32
      %lt3A_411 = vector.broadcast %lt3A_410 : i32 to vector<16xi32>
      %lt3A_412 = arith.cmpi slt, %xor3A_409, %lt3A_411 : vector<16xi32>
      %add3A_413 = arith.constant 16 : i32
      %add3A_414 = vector.broadcast %add3A_413 : i32 to vector<16xi32>
      %add3A_415 = arith.addi %xor3A_409, %add3A_414 : vector<16xi32>
      %select_n3A_416 = arith.select %lt3A_412, %add3A_415, %xor3A_409 : vector<16xi1>, vector<16xi32>
      %broadcast_in_dim3A_417 = vector.shape_cast %select_n3A_416 : vector<16xi32> to vector<16x1xi32>
      %gather3A_418 = vector.shape_cast %broadcast_in_dim3A_417 : vector<16x1xi32> to vector<16xi32>
      %gather3A_419 = tpu.dynamic_gather %add3A_406[%gather3A_418] in [0] : vector<16xf32>, vector<16xi32> -> vector<16xf32>
      %add3A_420 = arith.addf %add3A_406, %gather3A_419 : vector<16xf32>
      %xor3A_421 = arith.constant 1 : i32
      %xor3A_422 = vector.broadcast %xor3A_421 : i32 to vector<16xi32>
      %xor3A_423 = arith.xori %iota3A, %xor3A_422 : vector<16xi32>
      %lt3A_424 = arith.constant 0 : i32
      %lt3A_425 = vector.broadcast %lt3A_424 : i32 to vector<16xi32>
      %lt3A_426 = arith.cmpi slt, %xor3A_423, %lt3A_425 : vector<16xi32>
      %add3A_427 = arith.constant 16 : i32
      %add3A_428 = vector.broadcast %add3A_427 : i32 to vector<16xi32>
      %add3A_429 = arith.addi %xor3A_423, %add3A_428 : vector<16xi32>
      %select_n3A_430 = arith.select %lt3A_426, %add3A_429, %xor3A_423 : vector<16xi1>, vector<16xi32>
      %broadcast_in_dim3A_431 = vector.shape_cast %select_n3A_430 : vector<16xi32> to vector<16x1xi32>
      %gather3A_432 = vector.shape_cast %broadcast_in_dim3A_431 : vector<16x1xi32> to vector<16xi32>
      %gather3A_433 = tpu.dynamic_gather %add3A_420[%gather3A_432] in [0] : vector<16xf32>, vector<16xi32> -> vector<16xf32>
      %add3A_434 = arith.addf %add3A_420, %gather3A_433 : vector<16xf32>
      %select_n3A_435 = arith.select %eq3A_373, %add3A_434, %select_n3A_297 : vector<16xi1>, vector<16xf32>
      %mul3A_436 = arith.constant 16 : i32
      %mul3A_437 = arith.muli %scan3A_24, %mul3A_436 : i32
      %add3A_438 = arith.constant 3 : i32
      %add3A_439 = arith.addi %mul3A_437, %add3A_438 : i32
      %get3A_440 = arith.index_cast %add3A_439 : i32 to index
      %get3A_441 = arith.constant 0 : index
      %get3A_442 = tpu.vector_load %arg12[%get3A_440, %get3A_441] {strides = array<i32>} : memref<128x128xf32, #tpu.memory_space<vmem>>, vector<1x16xf32>,
      %get3A_443 = vector.shape_cast %get3A_442 : vector<1x16xf32> to vector<16xf32>
      %eq3A_444 = arith.constant 3 : i32
      %eq3A_445 = vector.broadcast %eq3A_444 : i32 to vector<16xi32>
      %eq3A_446 = arith.cmpi eq, %iota3A, %eq3A_445 : vector<16xi32>
      %get3A_447 = arith.index_cast %add3A_439 : i32 to index
      %get3A_448 = arith.constant 0 : index
      %get3A_449 = tpu.vector_load %arg13[%get3A_447, %get3A_448] {strides = array<i32>} : memref<128x128xf32, #tpu.memory_space<vmem>>, vector<1x16xf32>,
      %get3A_450 = vector.shape_cast %get3A_449 : vector<1x16xf32> to vector<16xf32>
      %mul3A_451 = arith.mulf %get3A_443, %get3A_450 : vector<16xf32>
      %xor3A_452 = arith.constant 8 : i32
      %xor3A_453 = vector.broadcast %xor3A_452 : i32 to vector<16xi32>
      %xor3A_454 = arith.xori %iota3A, %xor3A_453 : vector<16xi32>
      %lt3A_455 = arith.constant 0 : i32
      %lt3A_456 = vector.broadcast %lt3A_455 : i32 to vector<16xi32>
      %lt3A_457 = arith.cmpi slt, %xor3A_454, %lt3A_456 : vector<16xi32>
      %add3A_458 = arith.constant 16 : i32
      %add3A_459 = vector.broadcast %add3A_458 : i32 to vector<16xi32>
      %add3A_460 = arith.addi %xor3A_454, %add3A_459 : vector<16xi32>
      %select_n3A_461 = arith.select %lt3A_457, %add3A_460, %xor3A_454 : vector<16xi1>, vector<16xi32>
      %broadcast_in_dim3A_462 = vector.shape_cast %select_n3A_461 : vector<16xi32> to vector<16x1xi32>
      %gather3A_463 = vector.shape_cast %broadcast_in_dim3A_462 : vector<16x1xi32> to vector<16xi32>
      %gather3A_464 = tpu.dynamic_gather %mul3A_451[%gather3A_463] in [0] : vector<16xf32>, vector<16xi32> -> vector<16xf32>
      %add3A_465 = arith.addf %mul3A_451, %gather3A_464 : vector<16xf32>
      %xor3A_466 = arith.constant 4 : i32
      %xor3A_467 = vector.broadcast %xor3A_466 : i32 to vector<16xi32>
      %xor3A_468 = arith.xori %iota3A, %xor3A_467 : vector<16xi32>
      %lt3A_469 = arith.constant 0 : i32
      %lt3A_470 = vector.broadcast %lt3A_469 : i32 to vector<16xi32>
      %lt3A_471 = arith.cmpi slt, %xor3A_468, %lt3A_470 : vector<16xi32>
      %add3A_472 = arith.constant 16 : i32
      %add3A_473 = vector.broadcast %add3A_472 : i32 to vector<16xi32>
      %add3A_474 = arith.addi %xor3A_468, %add3A_473 : vector<16xi32>
      %select_n3A_475 = arith.select %lt3A_471, %add3A_474, %xor3A_468 : vector<16xi1>, vector<16xi32>
      %broadcast_in_dim3A_476 = vector.shape_cast %select_n3A_475 : vector<16xi32> to vector<16x1xi32>
      %gather3A_477 = vector.shape_cast %broadcast_in_dim3A_476 : vector<16x1xi32> to vector<16xi32>
      %gather3A_478 = tpu.dynamic_gather %add3A_465[%gather3A_477] in [0] : vector<16xf32>, vector<16xi32> -> vector<16xf32>
      %add3A_479 = arith.addf %add3A_465, %gather3A_478 : vector<16xf32>
      %xor3A_480 = arith.constant 2 : i32
      %xor3A_481 = vector.broadcast %xor3A_480 : i32 to vector<16xi32>
      %xor3A_482 = arith.xori %iota3A, %xor3A_481 : vector<16xi32>
      %lt3A_483 = arith.constant 0 : i32
      %lt3A_484 = vector.broadcast %lt3A_483 : i32 to vector<16xi32>
      %lt3A_485 = arith.cmpi slt, %xor3A_482, %lt3A_484 : vector<16xi32>
      %add3A_486 = arith.constant 16 : i32
      %add3A_487 = vector.broadcast %add3A_486 : i32 to vector<16xi32>
      %add3A_488 = arith.addi %xor3A_482, %add3A_487 : vector<16xi32>
      %select_n3A_489 = arith.select %lt3A_485, %add3A_488, %xor3A_482 : vector<16xi1>, vector<16xi32>
      %broadcast_in_dim3A_490 = vector.shape_cast %select_n3A_489 : vector<16xi32> to vector<16x1xi32>
      %gather3A_491 = vector.shape_cast %broadcast_in_dim3A_490 : vector<16x1xi32> to vector<16xi32>
      %gather3A_492 = tpu.dynamic_gather %add3A_479[%gather3A_491] in [0] : vector<16xf32>, vector<16xi32> -> vector<16xf32>
      %add3A_493 = arith.addf %add3A_479, %gather3A_492 : vector<16xf32>
      %xor3A_494 = arith.constant 1 : i32
      %xor3A_495 = vector.broadcast %xor3A_494 : i32 to vector<16xi32>
      %xor3A_496 = arith.xori %iota3A, %xor3A_495 : vector<16xi32>
      %lt3A_497 = arith.constant 0 : i32
      %lt3A_498 = vector.broadcast %lt3A_497 : i32 to vector<16xi32>
      %lt3A_499 = arith.cmpi slt, %xor3A_496, %lt3A_498 : vector<16xi32>
      %add3A_500 = arith.constant 16 : i32
      %add3A_501 = vector.broadcast %add3A_500 : i32 to vector<16xi32>
      %add3A_502 = arith.addi %xor3A_496, %add3A_501 : vector<16xi32>
      %select_n3A_503 = arith.select %lt3A_499, %add3A_502, %xor3A_496 : vector<16xi1>, vector<16xi32>
      %broadcast_in_dim3A_504 = vector.shape_cast %select_n3A_503 : vector<16xi32> to vector<16x1xi32>
      %gather3A_505 = vector.shape_cast %broadcast_in_dim3A_504 : vector<16x1xi32> to vector<16xi32>
      %gather3A_506 = tpu.dynamic_gather %add3A_493[%gather3A_505] in [0] : vector<16xf32>, vector<16xi32> -> vector<16xf32>
      %add3A_507 = arith.addf %add3A_493, %gather3A_506 : vector<16xf32>
      %select_n3A_508 = arith.select %eq3A_446, %add3A_507, %select_n3A_370 : vector<16xi1>, vector<16xf32>
      %eq3A_509 = arith.constant 3 : i32
      %eq3A_510 = vector.broadcast %eq3A_509 : i32 to vector<16xi32>
      %eq3A_511 = arith.cmpi eq, %iota3A, %eq3A_510 : vector<16xi32>
      %get3A_512 = arith.index_cast %add3A_439 : i32 to index
      %get3A_513 = arith.constant 0 : index
      %get3A_514 = tpu.vector_load %arg14[%get3A_512, %get3A_513] {strides = array<i32>} : memref<128x128xf32, #tpu.memory_space<vmem>>, vector<1x16xf32>,
      %get3A_515 = vector.shape_cast %get3A_514 : vector<1x16xf32> to vector<16xf32>
      %mul3A_516 = arith.mulf %get3A_443, %get3A_515 : vector<16xf32>
      %xor3A_517 = arith.constant 8 : i32
      %xor3A_518 = vector.broadcast %xor3A_517 : i32 to vector<16xi32>
      %xor3A_519 = arith.xori %iota3A, %xor3A_518 : vector<16xi32>
      %lt3A_520 = arith.constant 0 : i32
      %lt3A_521 = vector.broadcast %lt3A_520 : i32 to vector<16xi32>
      %lt3A_522 = arith.cmpi slt, %xor3A_519, %lt3A_521 : vector<16xi32>
      %add3A_523 = arith.constant 16 : i32
      %add3A_524 = vector.broadcast %add3A_523 : i32 to vector<16xi32>
      %add3A_525 = arith.addi %xor3A_519, %add3A_524 : vector<16xi32>
      %select_n3A_526 = arith.select %lt3A_522, %add3A_525, %xor3A_519 : vector<16xi1>, vector<16xi32>
      %broadcast_in_dim3A_527 = vector.shape_cast %select_n3A_526 : vector<16xi32> to vector<16x1xi32>
      %gather3A_528 = vector.shape_cast %broadcast_in_dim3A_527 : vector<16x1xi32> to vector<16xi32>
      %gather3A_529 = tpu.dynamic_gather %mul3A_516[%gather3A_528] in [0] : vector<16xf32>, vector<16xi32> -> vector<16xf32>
      %add3A_530 = arith.addf %mul3A_516, %gather3A_529 : vector<16xf32>
      %xor3A_531 = arith.constant 4 : i32
      %xor3A_532 = vector.broadcast %xor3A_531 : i32 to vector<16xi32>
      %xor3A_533 = arith.xori %iota3A, %xor3A_532 : vector<16xi32>
      %lt3A_534 = arith.constant 0 : i32
      %lt3A_535 = vector.broadcast %lt3A_534 : i32 to vector<16xi32>
      %lt3A_536 = arith.cmpi slt, %xor3A_533, %lt3A_535 : vector<16xi32>
      %add3A_537 = arith.constant 16 : i32
      %add3A_538 = vector.broadcast %add3A_537 : i32 to vector<16xi32>
      %add3A_539 = arith.addi %xor3A_533, %add3A_538 : vector<16xi32>
      %select_n3A_540 = arith.select %lt3A_536, %add3A_539, %xor3A_533 : vector<16xi1>, vector<16xi32>
      %broadcast_in_dim3A_541 = vector.shape_cast %select_n3A_540 : vector<16xi32> to vector<16x1xi32>
      %gather3A_542 = vector.shape_cast %broadcast_in_dim3A_541 : vector<16x1xi32> to vector<16xi32>
      %gather3A_543 = tpu.dynamic_gather %add3A_530[%gather3A_542] in [0] : vector<16xf32>, vector<16xi32> -> vector<16xf32>
      %add3A_544 = arith.addf %add3A_530, %gather3A_543 : vector<16xf32>
      %xor3A_545 = arith.constant 2 : i32
      %xor3A_546 = vector.broadcast %xor3A_545 : i32 to vector<16xi32>
      %xor3A_547 = arith.xori %iota3A, %xor3A_546 : vector<16xi32>
      %lt3A_548 = arith.constant 0 : i32
      %lt3A_549 = vector.broadcast %lt3A_548 : i32 to vector<16xi32>
      %lt3A_550 = arith.cmpi slt, %xor3A_547, %lt3A_549 : vector<16xi32>
      %add3A_551 = arith.constant 16 : i32
      %add3A_552 = vector.broadcast %add3A_551 : i32 to vector<16xi32>
      %add3A_553 = arith.addi %xor3A_547, %add3A_552 : vector<16xi32>
      %select_n3A_554 = arith.select %lt3A_550, %add3A_553, %xor3A_547 : vector<16xi1>, vector<16xi32>
      %broadcast_in_dim3A_555 = vector.shape_cast %select_n3A_554 : vector<16xi32> to vector<16x1xi32>
      %gather3A_556 = vector.shape_cast %broadcast_in_dim3A_555 : vector<16x1xi32> to vector<16xi32>
      %gather3A_557 = tpu.dynamic_gather %add3A_544[%gather3A_556] in [0] : vector<16xf32>, vector<16xi32> -> vector<16xf32>
      %add3A_558 = arith.addf %add3A_544, %gather3A_557 : vector<16xf32>
      %xor3A_559 = arith.constant 1 : i32
      %xor3A_560 = vector.broadcast %xor3A_559 : i32 to vector<16xi32>
      %xor3A_561 = arith.xori %iota3A, %xor3A_560 : vector<16xi32>
      %lt3A_562 = arith.constant 0 : i32
      %lt3A_563 = vector.broadcast %lt3A_562 : i32 to vector<16xi32>
      %lt3A_564 = arith.cmpi slt, %xor3A_561, %lt3A_563 : vector<16xi32>
      %add3A_565 = arith.constant 16 : i32
      %add3A_566 = vector.broadcast %add3A_565 : i32 to vector<16xi32>
      %add3A_567 = arith.addi %xor3A_561, %add3A_566 : vector<16xi32>
      %select_n3A_568 = arith.select %lt3A_564, %add3A_567, %xor3A_561 : vector<16xi1>, vector<16xi32>
      %broadcast_in_dim3A_569 = vector.shape_cast %select_n3A_568 : vector<16xi32> to vector<16x1xi32>
      %gather3A_570 = vector.shape_cast %broadcast_in_dim3A_569 : vector<16x1xi32> to vector<16xi32>
      %gather3A_571 = tpu.dynamic_gather %add3A_558[%gather3A_570] in [0] : vector<16xf32>, vector<16xi32> -> vector<16xf32>
      %add3A_572 = arith.addf %add3A_558, %gather3A_571 : vector<16xf32>
      %select_n3A_573 = arith.select %eq3A_511, %add3A_572, %select_n3A_435 : vector<16xi1>, vector<16xf32>
      %mul3A_574 = arith.constant 16 : i32
      %mul3A_575 = arith.muli %scan3A_24, %mul3A_574 : i32
      %add3A_576 = arith.constant 4 : i32
      %add3A_577 = arith.addi %mul3A_575, %add3A_576 : i32
      %get3A_578 = arith.index_cast %add3A_577 : i32 to index
      %get3A_579 = arith.constant 0 : index
      %get3A_580 = tpu.vector_load %arg12[%get3A_578, %get3A_579] {strides = array<i32>} : memref<128x128xf32, #tpu.memory_space<vmem>>, vector<1x16xf32>,
      %get3A_581 = vector.shape_cast %get3A_580 : vector<1x16xf32> to vector<16xf32>
      %eq3A_582 = arith.constant 4 : i32
      %eq3A_583 = vector.broadcast %eq3A_582 : i32 to vector<16xi32>
      %eq3A_584 = arith.cmpi eq, %iota3A, %eq3A_583 : vector<16xi32>
      %get3A_585 = arith.index_cast %add3A_577 : i32 to index
      %get3A_586 = arith.constant 0 : index
      %get3A_587 = tpu.vector_load %arg13[%get3A_585, %get3A_586] {strides = array<i32>} : memref<128x128xf32, #tpu.memory_space<vmem>>, vector<1x16xf32>,
      %get3A_588 = vector.shape_cast %get3A_587 : vector<1x16xf32> to vector<16xf32>
      %mul3A_589 = arith.mulf %get3A_581, %get3A_588 : vector<16xf32>
      %xor3A_590 = arith.constant 8 : i32
      %xor3A_591 = vector.broadcast %xor3A_590 : i32 to vector<16xi32>
      %xor3A_592 = arith.xori %iota3A, %xor3A_591 : vector<16xi32>
      %lt3A_593 = arith.constant 0 : i32
      %lt3A_594 = vector.broadcast %lt3A_593 : i32 to vector<16xi32>
      %lt3A_595 = arith.cmpi slt, %xor3A_592, %lt3A_594 : vector<16xi32>
      %add3A_596 = arith.constant 16 : i32
      %add3A_597 = vector.broadcast %add3A_596 : i32 to vector<16xi32>
      %add3A_598 = arith.addi %xor3A_592, %add3A_597 : vector<16xi32>
      %select_n3A_599 = arith.select %lt3A_595, %add3A_598, %xor3A_592 : vector<16xi1>, vector<16xi32>
      %broadcast_in_dim3A_600 = vector.shape_cast %select_n3A_599 : vector<16xi32> to vector<16x1xi32>
      %gather3A_601 = vector.shape_cast %broadcast_in_dim3A_600 : vector<16x1xi32> to vector<16xi32>
      %gather3A_602 = tpu.dynamic_gather %mul3A_589[%gather3A_601] in [0] : vector<16xf32>, vector<16xi32> -> vector<16xf32>
      %add3A_603 = arith.addf %mul3A_589, %gather3A_602 : vector<16xf32>
      %xor3A_604 = arith.constant 4 : i32
      %xor3A_605 = vector.broadcast %xor3A_604 : i32 to vector<16xi32>
      %xor3A_606 = arith.xori %iota3A, %xor3A_605 : vector<16xi32>
      %lt3A_607 = arith.constant 0 : i32
      %lt3A_608 = vector.broadcast %lt3A_607 : i32 to vector<16xi32>
      %lt3A_609 = arith.cmpi slt, %xor3A_606, %lt3A_608 : vector<16xi32>
      %add3A_610 = arith.constant 16 : i32
      %add3A_611 = vector.broadcast %add3A_610 : i32 to vector<16xi32>
      %add3A_612 = arith.addi %xor3A_606, %add3A_611 : vector<16xi32>
      %select_n3A_613 = arith.select %lt3A_609, %add3A_612, %xor3A_606 : vector<16xi1>, vector<16xi32>
      %broadcast_in_dim3A_614 = vector.shape_cast %select_n3A_613 : vector<16xi32> to vector<16x1xi32>
      %gather3A_615 = vector.shape_cast %broadcast_in_dim3A_614 : vector<16x1xi32> to vector<16xi32>
      %gather3A_616 = tpu.dynamic_gather %add3A_603[%gather3A_615] in [0] : vector<16xf32>, vector<16xi32> -> vector<16xf32>
      %add3A_617 = arith.addf %add3A_603, %gather3A_616 : vector<16xf32>
      %xor3A_618 = arith.constant 2 : i32
      %xor3A_619 = vector.broadcast %xor3A_618 : i32 to vector<16xi32>
      %xor3A_620 = arith.xori %iota3A, %xor3A_619 : vector<16xi32>
      %lt3A_621 = arith.constant 0 : i32
      %lt3A_622 = vector.broadcast %lt3A_621 : i32 to vector<16xi32>
      %lt3A_623 = arith.cmpi slt, %xor3A_620, %lt3A_622 : vector<16xi32>
      %add3A_624 = arith.constant 16 : i32
      %add3A_625 = vector.broadcast %add3A_624 : i32 to vector<16xi32>
      %add3A_626 = arith.addi %xor3A_620, %add3A_625 : vector<16xi32>
      %select_n3A_627 = arith.select %lt3A_623, %add3A_626, %xor3A_620 : vector<16xi1>, vector<16xi32>
      %broadcast_in_dim3A_628 = vector.shape_cast %select_n3A_627 : vector<16xi32> to vector<16x1xi32>
      %gather3A_629 = vector.shape_cast %broadcast_in_dim3A_628 : vector<16x1xi32> to vector<16xi32>
      %gather3A_630 = tpu.dynamic_gather %add3A_617[%gather3A_629] in [0] : vector<16xf32>, vector<16xi32> -> vector<16xf32>
      %add3A_631 = arith.addf %add3A_617, %gather3A_630 : vector<16xf32>
      %xor3A_632 = arith.constant 1 : i32
      %xor3A_633 = vector.broadcast %xor3A_632 : i32 to vector<16xi32>
      %xor3A_634 = arith.xori %iota3A, %xor3A_633 : vector<16xi32>
      %lt3A_635 = arith.constant 0 : i32
      %lt3A_636 = vector.broadcast %lt3A_635 : i32 to vector<16xi32>
      %lt3A_637 = arith.cmpi slt, %xor3A_634, %lt3A_636 : vector<16xi32>
      %add3A_638 = arith.constant 16 : i32
      %add3A_639 = vector.broadcast %add3A_638 : i32 to vector<16xi32>
      %add3A_640 = arith.addi %xor3A_634, %add3A_639 : vector<16xi32>
      %select_n3A_641 = arith.select %lt3A_637, %add3A_640, %xor3A_634 : vector<16xi1>, vector<16xi32>
      %broadcast_in_dim3A_642 = vector.shape_cast %select_n3A_641 : vector<16xi32> to vector<16x1xi32>
      %gather3A_643 = vector.shape_cast %broadcast_in_dim3A_642 : vector<16x1xi32> to vector<16xi32>
      %gather3A_644 = tpu.dynamic_gather %add3A_631[%gather3A_643] in [0] : vector<16xf32>, vector<16xi32> -> vector<16xf32>
      %add3A_645 = arith.addf %add3A_631, %gather3A_644 : vector<16xf32>
      %select_n3A_646 = arith.select %eq3A_584, %add3A_645, %select_n3A_508 : vector<16xi1>, vector<16xf32>
      %eq3A_647 = arith.constant 4 : i32
      %eq3A_648 = vector.broadcast %eq3A_647 : i32 to vector<16xi32>
      %eq3A_649 = arith.cmpi eq, %iota3A, %eq3A_648 : vector<16xi32>
      %get3A_650 = arith.index_cast %add3A_577 : i32 to index
      %get3A_651 = arith.constant 0 : index
      %get3A_652 = tpu.vector_load %arg14[%get3A_650, %get3A_651] {strides = array<i32>} : memref<128x128xf32, #tpu.memory_space<vmem>>, vector<1x16xf32>,
      %get3A_653 = vector.shape_cast %get3A_652 : vector<1x16xf32> to vector<16xf32>
      %mul3A_654 = arith.mulf %get3A_581, %get3A_653 : vector<16xf32>
      %xor3A_655 = arith.constant 8 : i32
      %xor3A_656 = vector.broadcast %xor3A_655 : i32 to vector<16xi32>
      %xor3A_657 = arith.xori %iota3A, %xor3A_656 : vector<16xi32>
      %lt3A_658 = arith.constant 0 : i32
      %lt3A_659 = vector.broadcast %lt3A_658 : i32 to vector<16xi32>
      %lt3A_660 = arith.cmpi slt, %xor3A_657, %lt3A_659 : vector<16xi32>
      %add3A_661 = arith.constant 16 : i32
      %add3A_662 = vector.broadcast %add3A_661 : i32 to vector<16xi32>
      %add3A_663 = arith.addi %xor3A_657, %add3A_662 : vector<16xi32>
      %select_n3A_664 = arith.select %lt3A_660, %add3A_663, %xor3A_657 : vector<16xi1>, vector<16xi32>
      %broadcast_in_dim3A_665 = vector.shape_cast %select_n3A_664 : vector<16xi32> to vector<16x1xi32>
      %gather3A_666 = vector.shape_cast %broadcast_in_dim3A_665 : vector<16x1xi32> to vector<16xi32>
      %gather3A_667 = tpu.dynamic_gather %mul3A_654[%gather3A_666] in [0] : vector<16xf32>, vector<16xi32> -> vector<16xf32>
      %add3A_668 = arith.addf %mul3A_654, %gather3A_667 : vector<16xf32>
      %xor3A_669 = arith.constant 4 : i32
      %xor3A_670 = vector.broadcast %xor3A_669 : i32 to vector<16xi32>
      %xor3A_671 = arith.xori %iota3A, %xor3A_670 : vector<16xi32>
      %lt3A_672 = arith.constant 0 : i32
      %lt3A_673 = vector.broadcast %lt3A_672 : i32 to vector<16xi32>
      %lt3A_674 = arith.cmpi slt, %xor3A_671, %lt3A_673 : vector<16xi32>
      %add3A_675 = arith.constant 16 : i32
      %add3A_676 = vector.broadcast %add3A_675 : i32 to vector<16xi32>
      %add3A_677 = arith.addi %xor3A_671, %add3A_676 : vector<16xi32>
      %select_n3A_678 = arith.select %lt3A_674, %add3A_677, %xor3A_671 : vector<16xi1>, vector<16xi32>
      %broadcast_in_dim3A_679 = vector.shape_cast %select_n3A_678 : vector<16xi32> to vector<16x1xi32>
      %gather3A_680 = vector.shape_cast %broadcast_in_dim3A_679 : vector<16x1xi32> to vector<16xi32>
      %gather3A_681 = tpu.dynamic_gather %add3A_668[%gather3A_680] in [0] : vector<16xf32>, vector<16xi32> -> vector<16xf32>
      %add3A_682 = arith.addf %add3A_668, %gather3A_681 : vector<16xf32>
      %xor3A_683 = arith.constant 2 : i32
      %xor3A_684 = vector.broadcast %xor3A_683 : i32 to vector<16xi32>
      %xor3A_685 = arith.xori %iota3A, %xor3A_684 : vector<16xi32>
      %lt3A_686 = arith.constant 0 : i32
      %lt3A_687 = vector.broadcast %lt3A_686 : i32 to vector<16xi32>
      %lt3A_688 = arith.cmpi slt, %xor3A_685, %lt3A_687 : vector<16xi32>
      %add3A_689 = arith.constant 16 : i32
      %add3A_690 = vector.broadcast %add3A_689 : i32 to vector<16xi32>
      %add3A_691 = arith.addi %xor3A_685, %add3A_690 : vector<16xi32>
      %select_n3A_692 = arith.select %lt3A_688, %add3A_691, %xor3A_685 : vector<16xi1>, vector<16xi32>
      %broadcast_in_dim3A_693 = vector.shape_cast %select_n3A_692 : vector<16xi32> to vector<16x1xi32>
      %gather3A_694 = vector.shape_cast %broadcast_in_dim3A_693 : vector<16x1xi32> to vector<16xi32>
      %gather3A_695 = tpu.dynamic_gather %add3A_682[%gather3A_694] in [0] : vector<16xf32>, vector<16xi32> -> vector<16xf32>
      %add3A_696 = arith.addf %add3A_682, %gather3A_695 : vector<16xf32>
      %xor3A_697 = arith.constant 1 : i32
      %xor3A_698 = vector.broadcast %xor3A_697 : i32 to vector<16xi32>
      %xor3A_699 = arith.xori %iota3A, %xor3A_698 : vector<16xi32>
      %lt3A_700 = arith.constant 0 : i32
      %lt3A_701 = vector.broadcast %lt3A_700 : i32 to vector<16xi32>
      %lt3A_702 = arith.cmpi slt, %xor3A_699, %lt3A_701 : vector<16xi32>
      %add3A_703 = arith.constant 16 : i32
      %add3A_704 = vector.broadcast %add3A_703 : i32 to vector<16xi32>
      %add3A_705 = arith.addi %xor3A_699, %add3A_704 : vector<16xi32>
      %select_n3A_706 = arith.select %lt3A_702, %add3A_705, %xor3A_699 : vector<16xi1>, vector<16xi32>
      %broadcast_in_dim3A_707 = vector.shape_cast %select_n3A_706 : vector<16xi32> to vector<16x1xi32>
      %gather3A_708 = vector.shape_cast %broadcast_in_dim3A_707 : vector<16x1xi32> to vector<16xi32>
      %gather3A_709 = tpu.dynamic_gather %add3A_696[%gather3A_708] in [0] : vector<16xf32>, vector<16xi32> -> vector<16xf32>
      %add3A_710 = arith.addf %add3A_696, %gather3A_709 : vector<16xf32>
      %select_n3A_711 = arith.select %eq3A_649, %add3A_710, %select_n3A_573 : vector<16xi1>, vector<16xf32>
      %mul3A_712 = arith.constant 16 : i32
      %mul3A_713 = arith.muli %scan3A_24, %mul3A_712 : i32
      %add3A_714 = arith.constant 5 : i32
      %add3A_715 = arith.addi %mul3A_713, %add3A_714 : i32
      %get3A_716 = arith.index_cast %add3A_715 : i32 to index
      %get3A_717 = arith.constant 0 : index
      %get3A_718 = tpu.vector_load %arg12[%get3A_716, %get3A_717] {strides = array<i32>} : memref<128x128xf32, #tpu.memory_space<vmem>>, vector<1x16xf32>,
      %get3A_719 = vector.shape_cast %get3A_718 : vector<1x16xf32> to vector<16xf32>
      %eq3A_720 = arith.constant 5 : i32
      %eq3A_721 = vector.broadcast %eq3A_720 : i32 to vector<16xi32>
      %eq3A_722 = arith.cmpi eq, %iota3A, %eq3A_721 : vector<16xi32>
      %get3A_723 = arith.index_cast %add3A_715 : i32 to index
      %get3A_724 = arith.constant 0 : index
      %get3A_725 = tpu.vector_load %arg13[%get3A_723, %get3A_724] {strides = array<i32>} : memref<128x128xf32, #tpu.memory_space<vmem>>, vector<1x16xf32>,
      %get3A_726 = vector.shape_cast %get3A_725 : vector<1x16xf32> to vector<16xf32>
      %mul3A_727 = arith.mulf %get3A_719, %get3A_726 : vector<16xf32>
      %xor3A_728 = arith.constant 8 : i32
      %xor3A_729 = vector.broadcast %xor3A_728 : i32 to vector<16xi32>
      %xor3A_730 = arith.xori %iota3A, %xor3A_729 : vector<16xi32>
      %lt3A_731 = arith.constant 0 : i32
      %lt3A_732 = vector.broadcast %lt3A_731 : i32 to vector<16xi32>
      %lt3A_733 = arith.cmpi slt, %xor3A_730, %lt3A_732 : vector<16xi32>
      %add3A_734 = arith.constant 16 : i32
      %add3A_735 = vector.broadcast %add3A_734 : i32 to vector<16xi32>
      %add3A_736 = arith.addi %xor3A_730, %add3A_735 : vector<16xi32>
      %select_n3A_737 = arith.select %lt3A_733, %add3A_736, %xor3A_730 : vector<16xi1>, vector<16xi32>
      %broadcast_in_dim3A_738 = vector.shape_cast %select_n3A_737 : vector<16xi32> to vector<16x1xi32>
      %gather3A_739 = vector.shape_cast %broadcast_in_dim3A_738 : vector<16x1xi32> to vector<16xi32>
      %gather3A_740 = tpu.dynamic_gather %mul3A_727[%gather3A_739] in [0] : vector<16xf32>, vector<16xi32> -> vector<16xf32>
      %add3A_741 = arith.addf %mul3A_727, %gather3A_740 : vector<16xf32>
      %xor3A_742 = arith.constant 4 : i32
      %xor3A_743 = vector.broadcast %xor3A_742 : i32 to vector<16xi32>
      %xor3A_744 = arith.xori %iota3A, %xor3A_743 : vector<16xi32>
      %lt3A_745 = arith.constant 0 : i32
      %lt3A_746 = vector.broadcast %lt3A_745 : i32 to vector<16xi32>
      %lt3A_747 = arith.cmpi slt, %xor3A_744, %lt3A_746 : vector<16xi32>
      %add3A_748 = arith.constant 16 : i32
      %add3A_749 = vector.broadcast %add3A_748 : i32 to vector<16xi32>
      %add3A_750 = arith.addi %xor3A_744, %add3A_749 : vector<16xi32>
      %select_n3A_751 = arith.select %lt3A_747, %add3A_750, %xor3A_744 : vector<16xi1>, vector<16xi32>
      %broadcast_in_dim3A_752 = vector.shape_cast %select_n3A_751 : vector<16xi32> to vector<16x1xi32>
      %gather3A_753 = vector.shape_cast %broadcast_in_dim3A_752 : vector<16x1xi32> to vector<16xi32>
      %gather3A_754 = tpu.dynamic_gather %add3A_741[%gather3A_753] in [0] : vector<16xf32>, vector<16xi32> -> vector<16xf32>
      %add3A_755 = arith.addf %add3A_741, %gather3A_754 : vector<16xf32>
      %xor3A_756 = arith.constant 2 : i32
      %xor3A_757 = vector.broadcast %xor3A_756 : i32 to vector<16xi32>
      %xor3A_758 = arith.xori %iota3A, %xor3A_757 : vector<16xi32>
      %lt3A_759 = arith.constant 0 : i32
      %lt3A_760 = vector.broadcast %lt3A_759 : i32 to vector<16xi32>
      %lt3A_761 = arith.cmpi slt, %xor3A_758, %lt3A_760 : vector<16xi32>
      %add3A_762 = arith.constant 16 : i32
      %add3A_763 = vector.broadcast %add3A_762 : i32 to vector<16xi32>
      %add3A_764 = arith.addi %xor3A_758, %add3A_763 : vector<16xi32>
      %select_n3A_765 = arith.select %lt3A_761, %add3A_764, %xor3A_758 : vector<16xi1>, vector<16xi32>
      %broadcast_in_dim3A_766 = vector.shape_cast %select_n3A_765 : vector<16xi32> to vector<16x1xi32>
      %gather3A_767 = vector.shape_cast %broadcast_in_dim3A_766 : vector<16x1xi32> to vector<16xi32>
      %gather3A_768 = tpu.dynamic_gather %add3A_755[%gather3A_767] in [0] : vector<16xf32>, vector<16xi32> -> vector<16xf32>
      %add3A_769 = arith.addf %add3A_755, %gather3A_768 : vector<16xf32>
      %xor3A_770 = arith.constant 1 : i32
      %xor3A_771 = vector.broadcast %xor3A_770 : i32 to vector<16xi32>
      %xor3A_772 = arith.xori %iota3A, %xor3A_771 : vector<16xi32>
      %lt3A_773 = arith.constant 0 : i32
      %lt3A_774 = vector.broadcast %lt3A_773 : i32 to vector<16xi32>
      %lt3A_775 = arith.cmpi slt, %xor3A_772, %lt3A_774 : vector<16xi32>
      %add3A_776 = arith.constant 16 : i32
      %add3A_777 = vector.broadcast %add3A_776 : i32 to vector<16xi32>
      %add3A_778 = arith.addi %xor3A_772, %add3A_777 : vector<16xi32>
      %select_n3A_779 = arith.select %lt3A_775, %add3A_778, %xor3A_772 : vector<16xi1>, vector<16xi32>
      %broadcast_in_dim3A_780 = vector.shape_cast %select_n3A_779 : vector<16xi32> to vector<16x1xi32>
      %gather3A_781 = vector.shape_cast %broadcast_in_dim3A_780 : vector<16x1xi32> to vector<16xi32>
      %gather3A_782 = tpu.dynamic_gather %add3A_769[%gather3A_781] in [0] : vector<16xf32>, vector<16xi32> -> vector<16xf32>
      %add3A_783 = arith.addf %add3A_769, %gather3A_782 : vector<16xf32>
      %select_n3A_784 = arith.select %eq3A_722, %add3A_783, %select_n3A_646 : vector<16xi1>, vector<16xf32>
      %eq3A_785 = arith.constant 5 : i32
      %eq3A_786 = vector.broadcast %eq3A_785 : i32 to vector<16xi32>
      %eq3A_787 = arith.cmpi eq, %iota3A, %eq3A_786 : vector<16xi32>
      %get3A_788 = arith.index_cast %add3A_715 : i32 to index
      %get3A_789 = arith.constant 0 : index
      %get3A_790 = tpu.vector_load %arg14[%get3A_788, %get3A_789] {strides = array<i32>} : memref<128x128xf32, #tpu.memory_space<vmem>>, vector<1x16xf32>,
      %get3A_791 = vector.shape_cast %get3A_790 : vector<1x16xf32> to vector<16xf32>
      %mul3A_792 = arith.mulf %get3A_719, %get3A_791 : vector<16xf32>
      %xor3A_793 = arith.constant 8 : i32
      %xor3A_794 = vector.broadcast %xor3A_793 : i32 to vector<16xi32>
      %xor3A_795 = arith.xori %iota3A, %xor3A_794 : vector<16xi32>
      %lt3A_796 = arith.constant 0 : i32
      %lt3A_797 = vector.broadcast %lt3A_796 : i32 to vector<16xi32>
      %lt3A_798 = arith.cmpi slt, %xor3A_795, %lt3A_797 : vector<16xi32>
      %add3A_799 = arith.constant 16 : i32
      %add3A_800 = vector.broadcast %add3A_799 : i32 to vector<16xi32>
      %add3A_801 = arith.addi %xor3A_795, %add3A_800 : vector<16xi32>
      %select_n3A_802 = arith.select %lt3A_798, %add3A_801, %xor3A_795 : vector<16xi1>, vector<16xi32>
      %broadcast_in_dim3A_803 = vector.shape_cast %select_n3A_802 : vector<16xi32> to vector<16x1xi32>
      %gather3A_804 = vector.shape_cast %broadcast_in_dim3A_803 : vector<16x1xi32> to vector<16xi32>
      %gather3A_805 = tpu.dynamic_gather %mul3A_792[%gather3A_804] in [0] : vector<16xf32>, vector<16xi32> -> vector<16xf32>
      %add3A_806 = arith.addf %mul3A_792, %gather3A_805 : vector<16xf32>
      %xor3A_807 = arith.constant 4 : i32
      %xor3A_808 = vector.broadcast %xor3A_807 : i32 to vector<16xi32>
      %xor3A_809 = arith.xori %iota3A, %xor3A_808 : vector<16xi32>
      %lt3A_810 = arith.constant 0 : i32
      %lt3A_811 = vector.broadcast %lt3A_810 : i32 to vector<16xi32>
      %lt3A_812 = arith.cmpi slt, %xor3A_809, %lt3A_811 : vector<16xi32>
      %add3A_813 = arith.constant 16 : i32
      %add3A_814 = vector.broadcast %add3A_813 : i32 to vector<16xi32>
      %add3A_815 = arith.addi %xor3A_809, %add3A_814 : vector<16xi32>
      %select_n3A_816 = arith.select %lt3A_812, %add3A_815, %xor3A_809 : vector<16xi1>, vector<16xi32>
      %broadcast_in_dim3A_817 = vector.shape_cast %select_n3A_816 : vector<16xi32> to vector<16x1xi32>
      %gather3A_818 = vector.shape_cast %broadcast_in_dim3A_817 : vector<16x1xi32> to vector<16xi32>
      %gather3A_819 = tpu.dynamic_gather %add3A_806[%gather3A_818] in [0] : vector<16xf32>, vector<16xi32> -> vector<16xf32>
      %add3A_820 = arith.addf %add3A_806, %gather3A_819 : vector<16xf32>
      %xor3A_821 = arith.constant 2 : i32
      %xor3A_822 = vector.broadcast %xor3A_821 : i32 to vector<16xi32>
      %xor3A_823 = arith.xori %iota3A, %xor3A_822 : vector<16xi32>
      %lt3A_824 = arith.constant 0 : i32
      %lt3A_825 = vector.broadcast %lt3A_824 : i32 to vector<16xi32>
      %lt3A_826 = arith.cmpi slt, %xor3A_823, %lt3A_825 : vector<16xi32>
      %add3A_827 = arith.constant 16 : i32
      %add3A_828 = vector.broadcast %add3A_827 : i32 to vector<16xi32>
      %add3A_829 = arith.addi %xor3A_823, %add3A_828 : vector<16xi32>
      %select_n3A_830 = arith.select %lt3A_826, %add3A_829, %xor3A_823 : vector<16xi1>, vector<16xi32>
      %broadcast_in_dim3A_831 = vector.shape_cast %select_n3A_830 : vector<16xi32> to vector<16x1xi32>
      %gather3A_832 = vector.shape_cast %broadcast_in_dim3A_831 : vector<16x1xi32> to vector<16xi32>
      %gather3A_833 = tpu.dynamic_gather %add3A_820[%gather3A_832] in [0] : vector<16xf32>, vector<16xi32> -> vector<16xf32>
      %add3A_834 = arith.addf %add3A_820, %gather3A_833 : vector<16xf32>
      %xor3A_835 = arith.constant 1 : i32
      %xor3A_836 = vector.broadcast %xor3A_835 : i32 to vector<16xi32>
      %xor3A_837 = arith.xori %iota3A, %xor3A_836 : vector<16xi32>
      %lt3A_838 = arith.constant 0 : i32
      %lt3A_839 = vector.broadcast %lt3A_838 : i32 to vector<16xi32>
      %lt3A_840 = arith.cmpi slt, %xor3A_837, %lt3A_839 : vector<16xi32>
      %add3A_841 = arith.constant 16 : i32
      %add3A_842 = vector.broadcast %add3A_841 : i32 to vector<16xi32>
      %add3A_843 = arith.addi %xor3A_837, %add3A_842 : vector<16xi32>
      %select_n3A_844 = arith.select %lt3A_840, %add3A_843, %xor3A_837 : vector<16xi1>, vector<16xi32>
      %broadcast_in_dim3A_845 = vector.shape_cast %select_n3A_844 : vector<16xi32> to vector<16x1xi32>
      %gather3A_846 = vector.shape_cast %broadcast_in_dim3A_845 : vector<16x1xi32> to vector<16xi32>
      %gather3A_847 = tpu.dynamic_gather %add3A_834[%gather3A_846] in [0] : vector<16xf32>, vector<16xi32> -> vector<16xf32>
      %add3A_848 = arith.addf %add3A_834, %gather3A_847 : vector<16xf32>
      %select_n3A_849 = arith.select %eq3A_787, %add3A_848, %select_n3A_711 : vector<16xi1>, vector<16xf32>
      %mul3A_850 = arith.constant 16 : i32
      %mul3A_851 = arith.muli %scan3A_24, %mul3A_850 : i32
      %add3A_852 = arith.constant 6 : i32
      %add3A_853 = arith.addi %mul3A_851, %add3A_852 : i32
      %get3A_854 = arith.index_cast %add3A_853 : i32 to index
      %get3A_855 = arith.constant 0 : index
      %get3A_856 = tpu.vector_load %arg12[%get3A_854, %get3A_855] {strides = array<i32>} : memref<128x128xf32, #tpu.memory_space<vmem>>, vector<1x16xf32>,
      %get3A_857 = vector.shape_cast %get3A_856 : vector<1x16xf32> to vector<16xf32>
      %eq3A_858 = arith.constant 6 : i32
      %eq3A_859 = vector.broadcast %eq3A_858 : i32 to vector<16xi32>
      %eq3A_860 = arith.cmpi eq, %iota3A, %eq3A_859 : vector<16xi32>
      %get3A_861 = arith.index_cast %add3A_853 : i32 to index
      %get3A_862 = arith.constant 0 : index
      %get3A_863 = tpu.vector_load %arg13[%get3A_861, %get3A_862] {strides = array<i32>} : memref<128x128xf32, #tpu.memory_space<vmem>>, vector<1x16xf32>,
      %get3A_864 = vector.shape_cast %get3A_863 : vector<1x16xf32> to vector<16xf32>
      %mul3A_865 = arith.mulf %get3A_857, %get3A_864 : vector<16xf32>
      %xor3A_866 = arith.constant 8 : i32
      %xor3A_867 = vector.broadcast %xor3A_866 : i32 to vector<16xi32>
      %xor3A_868 = arith.xori %iota3A, %xor3A_867 : vector<16xi32>
      %lt3A_869 = arith.constant 0 : i32
      %lt3A_870 = vector.broadcast %lt3A_869 : i32 to vector<16xi32>
      %lt3A_871 = arith.cmpi slt, %xor3A_868, %lt3A_870 : vector<16xi32>
      %add3A_872 = arith.constant 16 : i32
      %add3A_873 = vector.broadcast %add3A_872 : i32 to vector<16xi32>
      %add3A_874 = arith.addi %xor3A_868, %add3A_873 : vector<16xi32>
      %select_n3A_875 = arith.select %lt3A_871, %add3A_874, %xor3A_868 : vector<16xi1>, vector<16xi32>
      %broadcast_in_dim3A_876 = vector.shape_cast %select_n3A_875 : vector<16xi32> to vector<16x1xi32>
      %gather3A_877 = vector.shape_cast %broadcast_in_dim3A_876 : vector<16x1xi32> to vector<16xi32>
      %gather3A_878 = tpu.dynamic_gather %mul3A_865[%gather3A_877] in [0] : vector<16xf32>, vector<16xi32> -> vector<16xf32>
      %add3A_879 = arith.addf %mul3A_865, %gather3A_878 : vector<16xf32>
      %xor3A_880 = arith.constant 4 : i32
      %xor3A_881 = vector.broadcast %xor3A_880 : i32 to vector<16xi32>
      %xor3A_882 = arith.xori %iota3A, %xor3A_881 : vector<16xi32>
      %lt3A_883 = arith.constant 0 : i32
      %lt3A_884 = vector.broadcast %lt3A_883 : i32 to vector<16xi32>
      %lt3A_885 = arith.cmpi slt, %xor3A_882, %lt3A_884 : vector<16xi32>
      %add3A_886 = arith.constant 16 : i32
      %add3A_887 = vector.broadcast %add3A_886 : i32 to vector<16xi32>
      %add3A_888 = arith.addi %xor3A_882, %add3A_887 : vector<16xi32>
      %select_n3A_889 = arith.select %lt3A_885, %add3A_888, %xor3A_882 : vector<16xi1>, vector<16xi32>
      %broadcast_in_dim3A_890 = vector.shape_cast %select_n3A_889 : vector<16xi32> to vector<16x1xi32>
      %gather3A_891 = vector.shape_cast %broadcast_in_dim3A_890 : vector<16x1xi32> to vector<16xi32>
      %gather3A_892 = tpu.dynamic_gather %add3A_879[%gather3A_891] in [0] : vector<16xf32>, vector<16xi32> -> vector<16xf32>
      %add3A_893 = arith.addf %add3A_879, %gather3A_892 : vector<16xf32>
      %xor3A_894 = arith.constant 2 : i32
      %xor3A_895 = vector.broadcast %xor3A_894 : i32 to vector<16xi32>
      %xor3A_896 = arith.xori %iota3A, %xor3A_895 : vector<16xi32>
      %lt3A_897 = arith.constant 0 : i32
      %lt3A_898 = vector.broadcast %lt3A_897 : i32 to vector<16xi32>
      %lt3A_899 = arith.cmpi slt, %xor3A_896, %lt3A_898 : vector<16xi32>
      %add3A_900 = arith.constant 16 : i32
      %add3A_901 = vector.broadcast %add3A_900 : i32 to vector<16xi32>
      %add3A_902 = arith.addi %xor3A_896, %add3A_901 : vector<16xi32>
      %select_n3A_903 = arith.select %lt3A_899, %add3A_902, %xor3A_896 : vector<16xi1>, vector<16xi32>
      %broadcast_in_dim3A_904 = vector.shape_cast %select_n3A_903 : vector<16xi32> to vector<16x1xi32>
      %gather3A_905 = vector.shape_cast %broadcast_in_dim3A_904 : vector<16x1xi32> to vector<16xi32>
      %gather3A_906 = tpu.dynamic_gather %add3A_893[%gather3A_905] in [0] : vector<16xf32>, vector<16xi32> -> vector<16xf32>
      %add3A_907 = arith.addf %add3A_893, %gather3A_906 : vector<16xf32>
      %xor3A_908 = arith.constant 1 : i32
      %xor3A_909 = vector.broadcast %xor3A_908 : i32 to vector<16xi32>
      %xor3A_910 = arith.xori %iota3A, %xor3A_909 : vector<16xi32>
      %lt3A_911 = arith.constant 0 : i32
      %lt3A_912 = vector.broadcast %lt3A_911 : i32 to vector<16xi32>
      %lt3A_913 = arith.cmpi slt, %xor3A_910, %lt3A_912 : vector<16xi32>
      %add3A_914 = arith.constant 16 : i32
      %add3A_915 = vector.broadcast %add3A_914 : i32 to vector<16xi32>
      %add3A_916 = arith.addi %xor3A_910, %add3A_915 : vector<16xi32>
      %select_n3A_917 = arith.select %lt3A_913, %add3A_916, %xor3A_910 : vector<16xi1>, vector<16xi32>
      %broadcast_in_dim3A_918 = vector.shape_cast %select_n3A_917 : vector<16xi32> to vector<16x1xi32>
      %gather3A_919 = vector.shape_cast %broadcast_in_dim3A_918 : vector<16x1xi32> to vector<16xi32>
      %gather3A_920 = tpu.dynamic_gather %add3A_907[%gather3A_919] in [0] : vector<16xf32>, vector<16xi32> -> vector<16xf32>
      %add3A_921 = arith.addf %add3A_907, %gather3A_920 : vector<16xf32>
      %select_n3A_922 = arith.select %eq3A_860, %add3A_921, %select_n3A_784 : vector<16xi1>, vector<16xf32>
      %eq3A_923 = arith.constant 6 : i32
      %eq3A_924 = vector.broadcast %eq3A_923 : i32 to vector<16xi32>
      %eq3A_925 = arith.cmpi eq, %iota3A, %eq3A_924 : vector<16xi32>
      %get3A_926 = arith.index_cast %add3A_853 : i32 to index
      %get3A_927 = arith.constant 0 : index
      %get3A_928 = tpu.vector_load %arg14[%get3A_926, %get3A_927] {strides = array<i32>} : memref<128x128xf32, #tpu.memory_space<vmem>>, vector<1x16xf32>,
      %get3A_929 = vector.shape_cast %get3A_928 : vector<1x16xf32> to vector<16xf32>
      %mul3A_930 = arith.mulf %get3A_857, %get3A_929 : vector<16xf32>
      %xor3A_931 = arith.constant 8 : i32
      %xor3A_932 = vector.broadcast %xor3A_931 : i32 to vector<16xi32>
      %xor3A_933 = arith.xori %iota3A, %xor3A_932 : vector<16xi32>
      %lt3A_934 = arith.constant 0 : i32
      %lt3A_935 = vector.broadcast %lt3A_934 : i32 to vector<16xi32>
      %lt3A_936 = arith.cmpi slt, %xor3A_933, %lt3A_935 : vector<16xi32>
      %add3A_937 = arith.constant 16 : i32
      %add3A_938 = vector.broadcast %add3A_937 : i32 to vector<16xi32>
      %add3A_939 = arith.addi %xor3A_933, %add3A_938 : vector<16xi32>
      %select_n3A_940 = arith.select %lt3A_936, %add3A_939, %xor3A_933 : vector<16xi1>, vector<16xi32>
      %broadcast_in_dim3A_941 = vector.shape_cast %select_n3A_940 : vector<16xi32> to vector<16x1xi32>
      %gather3A_942 = vector.shape_cast %broadcast_in_dim3A_941 : vector<16x1xi32> to vector<16xi32>
      %gather3A_943 = tpu.dynamic_gather %mul3A_930[%gather3A_942] in [0] : vector<16xf32>, vector<16xi32> -> vector<16xf32>
      %add3A_944 = arith.addf %mul3A_930, %gather3A_943 : vector<16xf32>
      %xor3A_945 = arith.constant 4 : i32
      %xor3A_946 = vector.broadcast %xor3A_945 : i32 to vector<16xi32>
      %xor3A_947 = arith.xori %iota3A, %xor3A_946 : vector<16xi32>
      %lt3A_948 = arith.constant 0 : i32
      %lt3A_949 = vector.broadcast %lt3A_948 : i32 to vector<16xi32>
      %lt3A_950 = arith.cmpi slt, %xor3A_947, %lt3A_949 : vector<16xi32>
      %add3A_951 = arith.constant 16 : i32
      %add3A_952 = vector.broadcast %add3A_951 : i32 to vector<16xi32>
      %add3A_953 = arith.addi %xor3A_947, %add3A_952 : vector<16xi32>
      %select_n3A_954 = arith.select %lt3A_950, %add3A_953, %xor3A_947 : vector<16xi1>, vector<16xi32>
      %broadcast_in_dim3A_955 = vector.shape_cast %select_n3A_954 : vector<16xi32> to vector<16x1xi32>
      %gather3A_956 = vector.shape_cast %broadcast_in_dim3A_955 : vector<16x1xi32> to vector<16xi32>
      %gather3A_957 = tpu.dynamic_gather %add3A_944[%gather3A_956] in [0] : vector<16xf32>, vector<16xi32> -> vector<16xf32>
      %add3A_958 = arith.addf %add3A_944, %gather3A_957 : vector<16xf32>
      %xor3A_959 = arith.constant 2 : i32
      %xor3A_960 = vector.broadcast %xor3A_959 : i32 to vector<16xi32>
      %xor3A_961 = arith.xori %iota3A, %xor3A_960 : vector<16xi32>
      %lt3A_962 = arith.constant 0 : i32
      %lt3A_963 = vector.broadcast %lt3A_962 : i32 to vector<16xi32>
      %lt3A_964 = arith.cmpi slt, %xor3A_961, %lt3A_963 : vector<16xi32>
      %add3A_965 = arith.constant 16 : i32
      %add3A_966 = vector.broadcast %add3A_965 : i32 to vector<16xi32>
      %add3A_967 = arith.addi %xor3A_961, %add3A_966 : vector<16xi32>
      %select_n3A_968 = arith.select %lt3A_964, %add3A_967, %xor3A_961 : vector<16xi1>, vector<16xi32>
      %broadcast_in_dim3A_969 = vector.shape_cast %select_n3A_968 : vector<16xi32> to vector<16x1xi32>
      %gather3A_970 = vector.shape_cast %broadcast_in_dim3A_969 : vector<16x1xi32> to vector<16xi32>
      %gather3A_971 = tpu.dynamic_gather %add3A_958[%gather3A_970] in [0] : vector<16xf32>, vector<16xi32> -> vector<16xf32>
      %add3A_972 = arith.addf %add3A_958, %gather3A_971 : vector<16xf32>
      %xor3A_973 = arith.constant 1 : i32
      %xor3A_974 = vector.broadcast %xor3A_973 : i32 to vector<16xi32>
      %xor3A_975 = arith.xori %iota3A, %xor3A_974 : vector<16xi32>
      %lt3A_976 = arith.constant 0 : i32
      %lt3A_977 = vector.broadcast %lt3A_976 : i32 to vector<16xi32>
      %lt3A_978 = arith.cmpi slt, %xor3A_975, %lt3A_977 : vector<16xi32>
      %add3A_979 = arith.constant 16 : i32
      %add3A_980 = vector.broadcast %add3A_979 : i32 to vector<16xi32>
      %add3A_981 = arith.addi %xor3A_975, %add3A_980 : vector<16xi32>
      %select_n3A_982 = arith.select %lt3A_978, %add3A_981, %xor3A_975 : vector<16xi1>, vector<16xi32>
      %broadcast_in_dim3A_983 = vector.shape_cast %select_n3A_982 : vector<16xi32> to vector<16x1xi32>
      %gather3A_984 = vector.shape_cast %broadcast_in_dim3A_983 : vector<16x1xi32> to vector<16xi32>
      %gather3A_985 = tpu.dynamic_gather %add3A_972[%gather3A_984] in [0] : vector<16xf32>, vector<16xi32> -> vector<16xf32>
      %add3A_986 = arith.addf %add3A_972, %gather3A_985 : vector<16xf32>
      %select_n3A_987 = arith.select %eq3A_925, %add3A_986, %select_n3A_849 : vector<16xi1>, vector<16xf32>
      %mul3A_988 = arith.constant 16 : i32
      %mul3A_989 = arith.muli %scan3A_24, %mul3A_988 : i32
      %add3A_990 = arith.constant 7 : i32
      %add3A_991 = arith.addi %mul3A_989, %add3A_990 : i32
      %get3A_992 = arith.index_cast %add3A_991 : i32 to index
      %get3A_993 = arith.constant 0 : index
      %get3A_994 = tpu.vector_load %arg12[%get3A_992, %get3A_993] {strides = array<i32>} : memref<128x128xf32, #tpu.memory_space<vmem>>, vector<1x16xf32>,
      %get3A_995 = vector.shape_cast %get3A_994 : vector<1x16xf32> to vector<16xf32>
      %eq3A_996 = arith.constant 7 : i32
      %eq3A_997 = vector.broadcast %eq3A_996 : i32 to vector<16xi32>
      %eq3A_998 = arith.cmpi eq, %iota3A, %eq3A_997 : vector<16xi32>
      %get3A_999 = arith.index_cast %add3A_991 : i32 to index
      %get3A_1000 = arith.constant 0 : index
      %get3A_1001 = tpu.vector_load %arg13[%get3A_999, %get3A_1000] {strides = array<i32>} : memref<128x128xf32, #tpu.memory_space<vmem>>, vector<1x16xf32>,
      %get3A_1002 = vector.shape_cast %get3A_1001 : vector<1x16xf32> to vector<16xf32>
      %mul3A_1003 = arith.mulf %get3A_995, %get3A_1002 : vector<16xf32>
      %xor3A_1004 = arith.constant 8 : i32
      %xor3A_1005 = vector.broadcast %xor3A_1004 : i32 to vector<16xi32>
      %xor3A_1006 = arith.xori %iota3A, %xor3A_1005 : vector<16xi32>
      %lt3A_1007 = arith.constant 0 : i32
      %lt3A_1008 = vector.broadcast %lt3A_1007 : i32 to vector<16xi32>
      %lt3A_1009 = arith.cmpi slt, %xor3A_1006, %lt3A_1008 : vector<16xi32>
      %add3A_1010 = arith.constant 16 : i32
      %add3A_1011 = vector.broadcast %add3A_1010 : i32 to vector<16xi32>
      %add3A_1012 = arith.addi %xor3A_1006, %add3A_1011 : vector<16xi32>
      %select_n3A_1013 = arith.select %lt3A_1009, %add3A_1012, %xor3A_1006 : vector<16xi1>, vector<16xi32>
      %broadcast_in_dim3A_1014 = vector.shape_cast %select_n3A_1013 : vector<16xi32> to vector<16x1xi32>
      %gather3A_1015 = vector.shape_cast %broadcast_in_dim3A_1014 : vector<16x1xi32> to vector<16xi32>
      %gather3A_1016 = tpu.dynamic_gather %mul3A_1003[%gather3A_1015] in [0] : vector<16xf32>, vector<16xi32> -> vector<16xf32>
      %add3A_1017 = arith.addf %mul3A_1003, %gather3A_1016 : vector<16xf32>
      %xor3A_1018 = arith.constant 4 : i32
      %xor3A_1019 = vector.broadcast %xor3A_1018 : i32 to vector<16xi32>
      %xor3A_1020 = arith.xori %iota3A, %xor3A_1019 : vector<16xi32>
      %lt3A_1021 = arith.constant 0 : i32
      %lt3A_1022 = vector.broadcast %lt3A_1021 : i32 to vector<16xi32>
      %lt3A_1023 = arith.cmpi slt, %xor3A_1020, %lt3A_1022 : vector<16xi32>
      %add3A_1024 = arith.constant 16 : i32
      %add3A_1025 = vector.broadcast %add3A_1024 : i32 to vector<16xi32>
      %add3A_1026 = arith.addi %xor3A_1020, %add3A_1025 : vector<16xi32>
      %select_n3A_1027 = arith.select %lt3A_1023, %add3A_1026, %xor3A_1020 : vector<16xi1>, vector<16xi32>
      %broadcast_in_dim3A_1028 = vector.shape_cast %select_n3A_1027 : vector<16xi32> to vector<16x1xi32>
      %gather3A_1029 = vector.shape_cast %broadcast_in_dim3A_1028 : vector<16x1xi32> to vector<16xi32>
      %gather3A_1030 = tpu.dynamic_gather %add3A_1017[%gather3A_1029] in [0] : vector<16xf32>, vector<16xi32> -> vector<16xf32>
      %add3A_1031 = arith.addf %add3A_1017, %gather3A_1030 : vector<16xf32>
      %xor3A_1032 = arith.constant 2 : i32
      %xor3A_1033 = vector.broadcast %xor3A_1032 : i32 to vector<16xi32>
      %xor3A_1034 = arith.xori %iota3A, %xor3A_1033 : vector<16xi32>
      %lt3A_1035 = arith.constant 0 : i32
      %lt3A_1036 = vector.broadcast %lt3A_1035 : i32 to vector<16xi32>
      %lt3A_1037 = arith.cmpi slt, %xor3A_1034, %lt3A_1036 : vector<16xi32>
      %add3A_1038 = arith.constant 16 : i32
      %add3A_1039 = vector.broadcast %add3A_1038 : i32 to vector<16xi32>
      %add3A_1040 = arith.addi %xor3A_1034, %add3A_1039 : vector<16xi32>
      %select_n3A_1041 = arith.select %lt3A_1037, %add3A_1040, %xor3A_1034 : vector<16xi1>, vector<16xi32>
      %broadcast_in_dim3A_1042 = vector.shape_cast %select_n3A_1041 : vector<16xi32> to vector<16x1xi32>
      %gather3A_1043 = vector.shape_cast %broadcast_in_dim3A_1042 : vector<16x1xi32> to vector<16xi32>
      %gather3A_1044 = tpu.dynamic_gather %add3A_1031[%gather3A_1043] in [0] : vector<16xf32>, vector<16xi32> -> vector<16xf32>
      %add3A_1045 = arith.addf %add3A_1031, %gather3A_1044 : vector<16xf32>
      %xor3A_1046 = arith.constant 1 : i32
      %xor3A_1047 = vector.broadcast %xor3A_1046 : i32 to vector<16xi32>
      %xor3A_1048 = arith.xori %iota3A, %xor3A_1047 : vector<16xi32>
      %lt3A_1049 = arith.constant 0 : i32
      %lt3A_1050 = vector.broadcast %lt3A_1049 : i32 to vector<16xi32>
      %lt3A_1051 = arith.cmpi slt, %xor3A_1048, %lt3A_1050 : vector<16xi32>
      %add3A_1052 = arith.constant 16 : i32
      %add3A_1053 = vector.broadcast %add3A_1052 : i32 to vector<16xi32>
      %add3A_1054 = arith.addi %xor3A_1048, %add3A_1053 : vector<16xi32>
      %select_n3A_1055 = arith.select %lt3A_1051, %add3A_1054, %xor3A_1048 : vector<16xi1>, vector<16xi32>
      %broadcast_in_dim3A_1056 = vector.shape_cast %select_n3A_1055 : vector<16xi32> to vector<16x1xi32>
      %gather3A_1057 = vector.shape_cast %broadcast_in_dim3A_1056 : vector<16x1xi32> to vector<16xi32>
      %gather3A_1058 = tpu.dynamic_gather %add3A_1045[%gather3A_1057] in [0] : vector<16xf32>, vector<16xi32> -> vector<16xf32>
      %add3A_1059 = arith.addf %add3A_1045, %gather3A_1058 : vector<16xf32>
      %select_n3A_1060 = arith.select %eq3A_998, %add3A_1059, %select_n3A_922 : vector<16xi1>, vector<16xf32>
      %eq3A_1061 = arith.constant 7 : i32
      %eq3A_1062 = vector.broadcast %eq3A_1061 : i32 to vector<16xi32>
      %eq3A_1063 = arith.cmpi eq, %iota3A, %eq3A_1062 : vector<16xi32>
      %get3A_1064 = arith.index_cast %add3A_991 : i32 to index
      %get3A_1065 = arith.constant 0 : index
      %get3A_1066 = tpu.vector_load %arg14[%get3A_1064, %get3A_1065] {strides = array<i32>} : memref<128x128xf32, #tpu.memory_space<vmem>>, vector<1x16xf32>,
      %get3A_1067 = vector.shape_cast %get3A_1066 : vector<1x16xf32> to vector<16xf32>
      %mul3A_1068 = arith.mulf %get3A_995, %get3A_1067 : vector<16xf32>
      %xor3A_1069 = arith.constant 8 : i32
      %xor3A_1070 = vector.broadcast %xor3A_1069 : i32 to vector<16xi32>
      %xor3A_1071 = arith.xori %iota3A, %xor3A_1070 : vector<16xi32>
      %lt3A_1072 = arith.constant 0 : i32
      %lt3A_1073 = vector.broadcast %lt3A_1072 : i32 to vector<16xi32>
      %lt3A_1074 = arith.cmpi slt, %xor3A_1071, %lt3A_1073 : vector<16xi32>
      %add3A_1075 = arith.constant 16 : i32
      %add3A_1076 = vector.broadcast %add3A_1075 : i32 to vector<16xi32>
      %add3A_1077 = arith.addi %xor3A_1071, %add3A_1076 : vector<16xi32>
      %select_n3A_1078 = arith.select %lt3A_1074, %add3A_1077, %xor3A_1071 : vector<16xi1>, vector<16xi32>
      %broadcast_in_dim3A_1079 = vector.shape_cast %select_n3A_1078 : vector<16xi32> to vector<16x1xi32>
      %gather3A_1080 = vector.shape_cast %broadcast_in_dim3A_1079 : vector<16x1xi32> to vector<16xi32>
      %gather3A_1081 = tpu.dynamic_gather %mul3A_1068[%gather3A_1080] in [0] : vector<16xf32>, vector<16xi32> -> vector<16xf32>
      %add3A_1082 = arith.addf %mul3A_1068, %gather3A_1081 : vector<16xf32>
      %xor3A_1083 = arith.constant 4 : i32
      %xor3A_1084 = vector.broadcast %xor3A_1083 : i32 to vector<16xi32>
      %xor3A_1085 = arith.xori %iota3A, %xor3A_1084 : vector<16xi32>
      %lt3A_1086 = arith.constant 0 : i32
      %lt3A_1087 = vector.broadcast %lt3A_1086 : i32 to vector<16xi32>
      %lt3A_1088 = arith.cmpi slt, %xor3A_1085, %lt3A_1087 : vector<16xi32>
      %add3A_1089 = arith.constant 16 : i32
      %add3A_1090 = vector.broadcast %add3A_1089 : i32 to vector<16xi32>
      %add3A_1091 = arith.addi %xor3A_1085, %add3A_1090 : vector<16xi32>
      %select_n3A_1092 = arith.select %lt3A_1088, %add3A_1091, %xor3A_1085 : vector<16xi1>, vector<16xi32>
      %broadcast_in_dim3A_1093 = vector.shape_cast %select_n3A_1092 : vector<16xi32> to vector<16x1xi32>
      %gather3A_1094 = vector.shape_cast %broadcast_in_dim3A_1093 : vector<16x1xi32> to vector<16xi32>
      %gather3A_1095 = tpu.dynamic_gather %add3A_1082[%gather3A_1094] in [0] : vector<16xf32>, vector<16xi32> -> vector<16xf32>
      %add3A_1096 = arith.addf %add3A_1082, %gather3A_1095 : vector<16xf32>
      %xor3A_1097 = arith.constant 2 : i32
      %xor3A_1098 = vector.broadcast %xor3A_1097 : i32 to vector<16xi32>
      %xor3A_1099 = arith.xori %iota3A, %xor3A_1098 : vector<16xi32>
      %lt3A_1100 = arith.constant 0 : i32
      %lt3A_1101 = vector.broadcast %lt3A_1100 : i32 to vector<16xi32>
      %lt3A_1102 = arith.cmpi slt, %xor3A_1099, %lt3A_1101 : vector<16xi32>
      %add3A_1103 = arith.constant 16 : i32
      %add3A_1104 = vector.broadcast %add3A_1103 : i32 to vector<16xi32>
      %add3A_1105 = arith.addi %xor3A_1099, %add3A_1104 : vector<16xi32>
      %select_n3A_1106 = arith.select %lt3A_1102, %add3A_1105, %xor3A_1099 : vector<16xi1>, vector<16xi32>
      %broadcast_in_dim3A_1107 = vector.shape_cast %select_n3A_1106 : vector<16xi32> to vector<16x1xi32>
      %gather3A_1108 = vector.shape_cast %broadcast_in_dim3A_1107 : vector<16x1xi32> to vector<16xi32>
      %gather3A_1109 = tpu.dynamic_gather %add3A_1096[%gather3A_1108] in [0] : vector<16xf32>, vector<16xi32> -> vector<16xf32>
      %add3A_1110 = arith.addf %add3A_1096, %gather3A_1109 : vector<16xf32>
      %xor3A_1111 = arith.constant 1 : i32
      %xor3A_1112 = vector.broadcast %xor3A_1111 : i32 to vector<16xi32>
      %xor3A_1113 = arith.xori %iota3A, %xor3A_1112 : vector<16xi32>
      %lt3A_1114 = arith.constant 0 : i32
      %lt3A_1115 = vector.broadcast %lt3A_1114 : i32 to vector<16xi32>
      %lt3A_1116 = arith.cmpi slt, %xor3A_1113, %lt3A_1115 : vector<16xi32>
      %add3A_1117 = arith.constant 16 : i32
      %add3A_1118 = vector.broadcast %add3A_1117 : i32 to vector<16xi32>
      %add3A_1119 = arith.addi %xor3A_1113, %add3A_1118 : vector<16xi32>
      %select_n3A_1120 = arith.select %lt3A_1116, %add3A_1119, %xor3A_1113 : vector<16xi1>, vector<16xi32>
      %broadcast_in_dim3A_1121 = vector.shape_cast %select_n3A_1120 : vector<16xi32> to vector<16x1xi32>
      %gather3A_1122 = vector.shape_cast %broadcast_in_dim3A_1121 : vector<16x1xi32> to vector<16xi32>
      %gather3A_1123 = tpu.dynamic_gather %add3A_1110[%gather3A_1122] in [0] : vector<16xf32>, vector<16xi32> -> vector<16xf32>
      %add3A_1124 = arith.addf %add3A_1110, %gather3A_1123 : vector<16xf32>
      %select_n3A_1125 = arith.select %eq3A_1063, %add3A_1124, %select_n3A_987 : vector<16xi1>, vector<16xf32>
      %mul3A_1126 = arith.constant 16 : i32
      %mul3A_1127 = arith.muli %scan3A_24, %mul3A_1126 : i32
      %add3A_1128 = arith.constant 8 : i32
      %add3A_1129 = arith.addi %mul3A_1127, %add3A_1128 : i32
      %get3A_1130 = arith.index_cast %add3A_1129 : i32 to index
      %get3A_1131 = arith.constant 0 : index
      %get3A_1132 = tpu.vector_load %arg12[%get3A_1130, %get3A_1131] {strides = array<i32>} : memref<128x128xf32, #tpu.memory_space<vmem>>, vector<1x16xf32>,
      %get3A_1133 = vector.shape_cast %get3A_1132 : vector<1x16xf32> to vector<16xf32>
      %eq3A_1134 = arith.constant 8 : i32
      %eq3A_1135 = vector.broadcast %eq3A_1134 : i32 to vector<16xi32>
      %eq3A_1136 = arith.cmpi eq, %iota3A, %eq3A_1135 : vector<16xi32>
      %get3A_1137 = arith.index_cast %add3A_1129 : i32 to index
      %get3A_1138 = arith.constant 0 : index
      %get3A_1139 = tpu.vector_load %arg13[%get3A_1137, %get3A_1138] {strides = array<i32>} : memref<128x128xf32, #tpu.memory_space<vmem>>, vector<1x16xf32>,
      %get3A_1140 = vector.shape_cast %get3A_1139 : vector<1x16xf32> to vector<16xf32>
      %mul3A_1141 = arith.mulf %get3A_1133, %get3A_1140 : vector<16xf32>
      %xor3A_1142 = arith.constant 8 : i32
      %xor3A_1143 = vector.broadcast %xor3A_1142 : i32 to vector<16xi32>
      %xor3A_1144 = arith.xori %iota3A, %xor3A_1143 : vector<16xi32>
      %lt3A_1145 = arith.constant 0 : i32
      %lt3A_1146 = vector.broadcast %lt3A_1145 : i32 to vector<16xi32>
      %lt3A_1147 = arith.cmpi slt, %xor3A_1144, %lt3A_1146 : vector<16xi32>
      %add3A_1148 = arith.constant 16 : i32
      %add3A_1149 = vector.broadcast %add3A_1148 : i32 to vector<16xi32>
      %add3A_1150 = arith.addi %xor3A_1144, %add3A_1149 : vector<16xi32>
      %select_n3A_1151 = arith.select %lt3A_1147, %add3A_1150, %xor3A_1144 : vector<16xi1>, vector<16xi32>
      %broadcast_in_dim3A_1152 = vector.shape_cast %select_n3A_1151 : vector<16xi32> to vector<16x1xi32>
      %gather3A_1153 = vector.shape_cast %broadcast_in_dim3A_1152 : vector<16x1xi32> to vector<16xi32>
      %gather3A_1154 = tpu.dynamic_gather %mul3A_1141[%gather3A_1153] in [0] : vector<16xf32>, vector<16xi32> -> vector<16xf32>
      %add3A_1155 = arith.addf %mul3A_1141, %gather3A_1154 : vector<16xf32>
      %xor3A_1156 = arith.constant 4 : i32
      %xor3A_1157 = vector.broadcast %xor3A_1156 : i32 to vector<16xi32>
      %xor3A_1158 = arith.xori %iota3A, %xor3A_1157 : vector<16xi32>
      %lt3A_1159 = arith.constant 0 : i32
      %lt3A_1160 = vector.broadcast %lt3A_1159 : i32 to vector<16xi32>
      %lt3A_1161 = arith.cmpi slt, %xor3A_1158, %lt3A_1160 : vector<16xi32>
      %add3A_1162 = arith.constant 16 : i32
      %add3A_1163 = vector.broadcast %add3A_1162 : i32 to vector<16xi32>
      %add3A_1164 = arith.addi %xor3A_1158, %add3A_1163 : vector<16xi32>
      %select_n3A_1165 = arith.select %lt3A_1161, %add3A_1164, %xor3A_1158 : vector<16xi1>, vector<16xi32>
      %broadcast_in_dim3A_1166 = vector.shape_cast %select_n3A_1165 : vector<16xi32> to vector<16x1xi32>
      %gather3A_1167 = vector.shape_cast %broadcast_in_dim3A_1166 : vector<16x1xi32> to vector<16xi32>
      %gather3A_1168 = tpu.dynamic_gather %add3A_1155[%gather3A_1167] in [0] : vector<16xf32>, vector<16xi32> -> vector<16xf32>
      %add3A_1169 = arith.addf %add3A_1155, %gather3A_1168 : vector<16xf32>
      %xor3A_1170 = arith.constant 2 : i32
      %xor3A_1171 = vector.broadcast %xor3A_1170 : i32 to vector<16xi32>
      %xor3A_1172 = arith.xori %iota3A, %xor3A_1171 : vector<16xi32>
      %lt3A_1173 = arith.constant 0 : i32
      %lt3A_1174 = vector.broadcast %lt3A_1173 : i32 to vector<16xi32>
      %lt3A_1175 = arith.cmpi slt, %xor3A_1172, %lt3A_1174 : vector<16xi32>
      %add3A_1176 = arith.constant 16 : i32
      %add3A_1177 = vector.broadcast %add3A_1176 : i32 to vector<16xi32>
      %add3A_1178 = arith.addi %xor3A_1172, %add3A_1177 : vector<16xi32>
      %select_n3A_1179 = arith.select %lt3A_1175, %add3A_1178, %xor3A_1172 : vector<16xi1>, vector<16xi32>
      %broadcast_in_dim3A_1180 = vector.shape_cast %select_n3A_1179 : vector<16xi32> to vector<16x1xi32>
      %gather3A_1181 = vector.shape_cast %broadcast_in_dim3A_1180 : vector<16x1xi32> to vector<16xi32>
      %gather3A_1182 = tpu.dynamic_gather %add3A_1169[%gather3A_1181] in [0] : vector<16xf32>, vector<16xi32> -> vector<16xf32>
      %add3A_1183 = arith.addf %add3A_1169, %gather3A_1182 : vector<16xf32>
      %xor3A_1184 = arith.constant 1 : i32
      %xor3A_1185 = vector.broadcast %xor3A_1184 : i32 to vector<16xi32>
      %xor3A_1186 = arith.xori %iota3A, %xor3A_1185 : vector<16xi32>
      %lt3A_1187 = arith.constant 0 : i32
      %lt3A_1188 = vector.broadcast %lt3A_1187 : i32 to vector<16xi32>
      %lt3A_1189 = arith.cmpi slt, %xor3A_1186, %lt3A_1188 : vector<16xi32>
      %add3A_1190 = arith.constant 16 : i32
      %add3A_1191 = vector.broadcast %add3A_1190 : i32 to vector<16xi32>
      %add3A_1192 = arith.addi %xor3A_1186, %add3A_1191 : vector<16xi32>
      %select_n3A_1193 = arith.select %lt3A_1189, %add3A_1192, %xor3A_1186 : vector<16xi1>, vector<16xi32>
      %broadcast_in_dim3A_1194 = vector.shape_cast %select_n3A_1193 : vector<16xi32> to vector<16x1xi32>
      %gather3A_1195 = vector.shape_cast %broadcast_in_dim3A_1194 : vector<16x1xi32> to vector<16xi32>
      %gather3A_1196 = tpu.dynamic_gather %add3A_1183[%gather3A_1195] in [0] : vector<16xf32>, vector<16xi32> -> vector<16xf32>
      %add3A_1197 = arith.addf %add3A_1183, %gather3A_1196 : vector<16xf32>
      %select_n3A_1198 = arith.select %eq3A_1136, %add3A_1197, %select_n3A_1060 : vector<16xi1>, vector<16xf32>
      %eq3A_1199 = arith.constant 8 : i32
      %eq3A_1200 = vector.broadcast %eq3A_1199 : i32 to vector<16xi32>
      %eq3A_1201 = arith.cmpi eq, %iota3A, %eq3A_1200 : vector<16xi32>
      %get3A_1202 = arith.index_cast %add3A_1129 : i32 to index
      %get3A_1203 = arith.constant 0 : index
      %get3A_1204 = tpu.vector_load %arg14[%get3A_1202, %get3A_1203] {strides = array<i32>} : memref<128x128xf32, #tpu.memory_space<vmem>>, vector<1x16xf32>,
      %get3A_1205 = vector.shape_cast %get3A_1204 : vector<1x16xf32> to vector<16xf32>
      %mul3A_1206 = arith.mulf %get3A_1133, %get3A_1205 : vector<16xf32>
      %xor3A_1207 = arith.constant 8 : i32
      %xor3A_1208 = vector.broadcast %xor3A_1207 : i32 to vector<16xi32>
      %xor3A_1209 = arith.xori %iota3A, %xor3A_1208 : vector<16xi32>
      %lt3A_1210 = arith.constant 0 : i32
      %lt3A_1211 = vector.broadcast %lt3A_1210 : i32 to vector<16xi32>
      %lt3A_1212 = arith.cmpi slt, %xor3A_1209, %lt3A_1211 : vector<16xi32>
      %add3A_1213 = arith.constant 16 : i32
      %add3A_1214 = vector.broadcast %add3A_1213 : i32 to vector<16xi32>
      %add3A_1215 = arith.addi %xor3A_1209, %add3A_1214 : vector<16xi32>
      %select_n3A_1216 = arith.select %lt3A_1212, %add3A_1215, %xor3A_1209 : vector<16xi1>, vector<16xi32>
      %broadcast_in_dim3A_1217 = vector.shape_cast %select_n3A_1216 : vector<16xi32> to vector<16x1xi32>
      %gather3A_1218 = vector.shape_cast %broadcast_in_dim3A_1217 : vector<16x1xi32> to vector<16xi32>
      %gather3A_1219 = tpu.dynamic_gather %mul3A_1206[%gather3A_1218] in [0] : vector<16xf32>, vector<16xi32> -> vector<16xf32>
      %add3A_1220 = arith.addf %mul3A_1206, %gather3A_1219 : vector<16xf32>
      %xor3A_1221 = arith.constant 4 : i32
      %xor3A_1222 = vector.broadcast %xor3A_1221 : i32 to vector<16xi32>
      %xor3A_1223 = arith.xori %iota3A, %xor3A_1222 : vector<16xi32>
      %lt3A_1224 = arith.constant 0 : i32
      %lt3A_1225 = vector.broadcast %lt3A_1224 : i32 to vector<16xi32>
      %lt3A_1226 = arith.cmpi slt, %xor3A_1223, %lt3A_1225 : vector<16xi32>
      %add3A_1227 = arith.constant 16 : i32
      %add3A_1228 = vector.broadcast %add3A_1227 : i32 to vector<16xi32>
      %add3A_1229 = arith.addi %xor3A_1223, %add3A_1228 : vector<16xi32>
      %select_n3A_1230 = arith.select %lt3A_1226, %add3A_1229, %xor3A_1223 : vector<16xi1>, vector<16xi32>
      %broadcast_in_dim3A_1231 = vector.shape_cast %select_n3A_1230 : vector<16xi32> to vector<16x1xi32>
      %gather3A_1232 = vector.shape_cast %broadcast_in_dim3A_1231 : vector<16x1xi32> to vector<16xi32>
      %gather3A_1233 = tpu.dynamic_gather %add3A_1220[%gather3A_1232] in [0] : vector<16xf32>, vector<16xi32> -> vector<16xf32>
      %add3A_1234 = arith.addf %add3A_1220, %gather3A_1233 : vector<16xf32>
      %xor3A_1235 = arith.constant 2 : i32
      %xor3A_1236 = vector.broadcast %xor3A_1235 : i32 to vector<16xi32>
      %xor3A_1237 = arith.xori %iota3A, %xor3A_1236 : vector<16xi32>
      %lt3A_1238 = arith.constant 0 : i32
      %lt3A_1239 = vector.broadcast %lt3A_1238 : i32 to vector<16xi32>
      %lt3A_1240 = arith.cmpi slt, %xor3A_1237, %lt3A_1239 : vector<16xi32>
      %add3A_1241 = arith.constant 16 : i32
      %add3A_1242 = vector.broadcast %add3A_1241 : i32 to vector<16xi32>
      %add3A_1243 = arith.addi %xor3A_1237, %add3A_1242 : vector<16xi32>
      %select_n3A_1244 = arith.select %lt3A_1240, %add3A_1243, %xor3A_1237 : vector<16xi1>, vector<16xi32>
      %broadcast_in_dim3A_1245 = vector.shape_cast %select_n3A_1244 : vector<16xi32> to vector<16x1xi32>
      %gather3A_1246 = vector.shape_cast %broadcast_in_dim3A_1245 : vector<16x1xi32> to vector<16xi32>
      %gather3A_1247 = tpu.dynamic_gather %add3A_1234[%gather3A_1246] in [0] : vector<16xf32>, vector<16xi32> -> vector<16xf32>
      %add3A_1248 = arith.addf %add3A_1234, %gather3A_1247 : vector<16xf32>
      %xor3A_1249 = arith.constant 1 : i32
      %xor3A_1250 = vector.broadcast %xor3A_1249 : i32 to vector<16xi32>
      %xor3A_1251 = arith.xori %iota3A, %xor3A_1250 : vector<16xi32>
      %lt3A_1252 = arith.constant 0 : i32
      %lt3A_1253 = vector.broadcast %lt3A_1252 : i32 to vector<16xi32>
      %lt3A_1254 = arith.cmpi slt, %xor3A_1251, %lt3A_1253 : vector<16xi32>
      %add3A_1255 = arith.constant 16 : i32
      %add3A_1256 = vector.broadcast %add3A_1255 : i32 to vector<16xi32>
      %add3A_1257 = arith.addi %xor3A_1251, %add3A_1256 : vector<16xi32>
      %select_n3A_1258 = arith.select %lt3A_1254, %add3A_1257, %xor3A_1251 : vector<16xi1>, vector<16xi32>
      %broadcast_in_dim3A_1259 = vector.shape_cast %select_n3A_1258 : vector<16xi32> to vector<16x1xi32>
      %gather3A_1260 = vector.shape_cast %broadcast_in_dim3A_1259 : vector<16x1xi32> to vector<16xi32>
      %gather3A_1261 = tpu.dynamic_gather %add3A_1248[%gather3A_1260] in [0] : vector<16xf32>, vector<16xi32> -> vector<16xf32>
      %add3A_1262 = arith.addf %add3A_1248, %gather3A_1261 : vector<16xf32>
      %select_n3A_1263 = arith.select %eq3A_1201, %add3A_1262, %select_n3A_1125 : vector<16xi1>, vector<16xf32>
      %mul3A_1264 = arith.constant 16 : i32
      %mul3A_1265 = arith.muli %scan3A_24, %mul3A_1264 : i32
      %add3A_1266 = arith.constant 9 : i32
      %add3A_1267 = arith.addi %mul3A_1265, %add3A_1266 : i32
      %get3A_1268 = arith.index_cast %add3A_1267 : i32 to index
      %get3A_1269 = arith.constant 0 : index
      %get3A_1270 = tpu.vector_load %arg12[%get3A_1268, %get3A_1269] {strides = array<i32>} : memref<128x128xf32, #tpu.memory_space<vmem>>, vector<1x16xf32>,
      %get3A_1271 = vector.shape_cast %get3A_1270 : vector<1x16xf32> to vector<16xf32>
      %eq3A_1272 = arith.constant 9 : i32
      %eq3A_1273 = vector.broadcast %eq3A_1272 : i32 to vector<16xi32>
      %eq3A_1274 = arith.cmpi eq, %iota3A, %eq3A_1273 : vector<16xi32>
      %get3A_1275 = arith.index_cast %add3A_1267 : i32 to index
      %get3A_1276 = arith.constant 0 : index
      %get3A_1277 = tpu.vector_load %arg13[%get3A_1275, %get3A_1276] {strides = array<i32>} : memref<128x128xf32, #tpu.memory_space<vmem>>, vector<1x16xf32>,
      %get3A_1278 = vector.shape_cast %get3A_1277 : vector<1x16xf32> to vector<16xf32>
      %mul3A_1279 = arith.mulf %get3A_1271, %get3A_1278 : vector<16xf32>
      %xor3A_1280 = arith.constant 8 : i32
      %xor3A_1281 = vector.broadcast %xor3A_1280 : i32 to vector<16xi32>
      %xor3A_1282 = arith.xori %iota3A, %xor3A_1281 : vector<16xi32>
      %lt3A_1283 = arith.constant 0 : i32
      %lt3A_1284 = vector.broadcast %lt3A_1283 : i32 to vector<16xi32>
      %lt3A_1285 = arith.cmpi slt, %xor3A_1282, %lt3A_1284 : vector<16xi32>
      %add3A_1286 = arith.constant 16 : i32
      %add3A_1287 = vector.broadcast %add3A_1286 : i32 to vector<16xi32>
      %add3A_1288 = arith.addi %xor3A_1282, %add3A_1287 : vector<16xi32>
      %select_n3A_1289 = arith.select %lt3A_1285, %add3A_1288, %xor3A_1282 : vector<16xi1>, vector<16xi32>
      %broadcast_in_dim3A_1290 = vector.shape_cast %select_n3A_1289 : vector<16xi32> to vector<16x1xi32>
      %gather3A_1291 = vector.shape_cast %broadcast_in_dim3A_1290 : vector<16x1xi32> to vector<16xi32>
      %gather3A_1292 = tpu.dynamic_gather %mul3A_1279[%gather3A_1291] in [0] : vector<16xf32>, vector<16xi32> -> vector<16xf32>
      %add3A_1293 = arith.addf %mul3A_1279, %gather3A_1292 : vector<16xf32>
      %xor3A_1294 = arith.constant 4 : i32
      %xor3A_1295 = vector.broadcast %xor3A_1294 : i32 to vector<16xi32>
      %xor3A_1296 = arith.xori %iota3A, %xor3A_1295 : vector<16xi32>
      %lt3A_1297 = arith.constant 0 : i32
      %lt3A_1298 = vector.broadcast %lt3A_1297 : i32 to vector<16xi32>
      %lt3A_1299 = arith.cmpi slt, %xor3A_1296, %lt3A_1298 : vector<16xi32>
      %add3A_1300 = arith.constant 16 : i32
      %add3A_1301 = vector.broadcast %add3A_1300 : i32 to vector<16xi32>
      %add3A_1302 = arith.addi %xor3A_1296, %add3A_1301 : vector<16xi32>
      %select_n3A_1303 = arith.select %lt3A_1299, %add3A_1302, %xor3A_1296 : vector<16xi1>, vector<16xi32>
      %broadcast_in_dim3A_1304 = vector.shape_cast %select_n3A_1303 : vector<16xi32> to vector<16x1xi32>
      %gather3A_1305 = vector.shape_cast %broadcast_in_dim3A_1304 : vector<16x1xi32> to vector<16xi32>
      %gather3A_1306 = tpu.dynamic_gather %add3A_1293[%gather3A_1305] in [0] : vector<16xf32>, vector<16xi32> -> vector<16xf32>
      %add3A_1307 = arith.addf %add3A_1293, %gather3A_1306 : vector<16xf32>
      %xor3A_1308 = arith.constant 2 : i32
      %xor3A_1309 = vector.broadcast %xor3A_1308 : i32 to vector<16xi32>
      %xor3A_1310 = arith.xori %iota3A, %xor3A_1309 : vector<16xi32>
      %lt3A_1311 = arith.constant 0 : i32
      %lt3A_1312 = vector.broadcast %lt3A_1311 : i32 to vector<16xi32>
      %lt3A_1313 = arith.cmpi slt, %xor3A_1310, %lt3A_1312 : vector<16xi32>
      %add3A_1314 = arith.constant 16 : i32
      %add3A_1315 = vector.broadcast %add3A_1314 : i32 to vector<16xi32>
      %add3A_1316 = arith.addi %xor3A_1310, %add3A_1315 : vector<16xi32>
      %select_n3A_1317 = arith.select %lt3A_1313, %add3A_1316, %xor3A_1310 : vector<16xi1>, vector<16xi32>
      %broadcast_in_dim3A_1318 = vector.shape_cast %select_n3A_1317 : vector<16xi32> to vector<16x1xi32>
      %gather3A_1319 = vector.shape_cast %broadcast_in_dim3A_1318 : vector<16x1xi32> to vector<16xi32>
      %gather3A_1320 = tpu.dynamic_gather %add3A_1307[%gather3A_1319] in [0] : vector<16xf32>, vector<16xi32> -> vector<16xf32>
      %add3A_1321 = arith.addf %add3A_1307, %gather3A_1320 : vector<16xf32>
      %xor3A_1322 = arith.constant 1 : i32
      %xor3A_1323 = vector.broadcast %xor3A_1322 : i32 to vector<16xi32>
      %xor3A_1324 = arith.xori %iota3A, %xor3A_1323 : vector<16xi32>
      %lt3A_1325 = arith.constant 0 : i32
      %lt3A_1326 = vector.broadcast %lt3A_1325 : i32 to vector<16xi32>
      %lt3A_1327 = arith.cmpi slt, %xor3A_1324, %lt3A_1326 : vector<16xi32>
      %add3A_1328 = arith.constant 16 : i32
      %add3A_1329 = vector.broadcast %add3A_1328 : i32 to vector<16xi32>
      %add3A_1330 = arith.addi %xor3A_1324, %add3A_1329 : vector<16xi32>
      %select_n3A_1331 = arith.select %lt3A_1327, %add3A_1330, %xor3A_1324 : vector<16xi1>, vector<16xi32>
      %broadcast_in_dim3A_1332 = vector.shape_cast %select_n3A_1331 : vector<16xi32> to vector<16x1xi32>
      %gather3A_1333 = vector.shape_cast %broadcast_in_dim3A_1332 : vector<16x1xi32> to vector<16xi32>
      %gather3A_1334 = tpu.dynamic_gather %add3A_1321[%gather3A_1333] in [0] : vector<16xf32>, vector<16xi32> -> vector<16xf32>
      %add3A_1335 = arith.addf %add3A_1321, %gather3A_1334 : vector<16xf32>
      %select_n3A_1336 = arith.select %eq3A_1274, %add3A_1335, %select_n3A_1198 : vector<16xi1>, vector<16xf32>
      %eq3A_1337 = arith.constant 9 : i32
      %eq3A_1338 = vector.broadcast %eq3A_1337 : i32 to vector<16xi32>
      %eq3A_1339 = arith.cmpi eq, %iota3A, %eq3A_1338 : vector<16xi32>
      %get3A_1340 = arith.index_cast %add3A_1267 : i32 to index
      %get3A_1341 = arith.constant 0 : index
      %get3A_1342 = tpu.vector_load %arg14[%get3A_1340, %get3A_1341] {strides = array<i32>} : memref<128x128xf32, #tpu.memory_space<vmem>>, vector<1x16xf32>,
      %get3A_1343 = vector.shape_cast %get3A_1342 : vector<1x16xf32> to vector<16xf32>
      %mul3A_1344 = arith.mulf %get3A_1271, %get3A_1343 : vector<16xf32>
      %xor3A_1345 = arith.constant 8 : i32
      %xor3A_1346 = vector.broadcast %xor3A_1345 : i32 to vector<16xi32>
      %xor3A_1347 = arith.xori %iota3A, %xor3A_1346 : vector<16xi32>
      %lt3A_1348 = arith.constant 0 : i32
      %lt3A_1349 = vector.broadcast %lt3A_1348 : i32 to vector<16xi32>
      %lt3A_1350 = arith.cmpi slt, %xor3A_1347, %lt3A_1349 : vector<16xi32>
      %add3A_1351 = arith.constant 16 : i32
      %add3A_1352 = vector.broadcast %add3A_1351 : i32 to vector<16xi32>
      %add3A_1353 = arith.addi %xor3A_1347, %add3A_1352 : vector<16xi32>
      %select_n3A_1354 = arith.select %lt3A_1350, %add3A_1353, %xor3A_1347 : vector<16xi1>, vector<16xi32>
      %broadcast_in_dim3A_1355 = vector.shape_cast %select_n3A_1354 : vector<16xi32> to vector<16x1xi32>
      %gather3A_1356 = vector.shape_cast %broadcast_in_dim3A_1355 : vector<16x1xi32> to vector<16xi32>
      %gather3A_1357 = tpu.dynamic_gather %mul3A_1344[%gather3A_1356] in [0] : vector<16xf32>, vector<16xi32> -> vector<16xf32>
      %add3A_1358 = arith.addf %mul3A_1344, %gather3A_1357 : vector<16xf32>
      %xor3A_1359 = arith.constant 4 : i32
      %xor3A_1360 = vector.broadcast %xor3A_1359 : i32 to vector<16xi32>
      %xor3A_1361 = arith.xori %iota3A, %xor3A_1360 : vector<16xi32>
      %lt3A_1362 = arith.constant 0 : i32
      %lt3A_1363 = vector.broadcast %lt3A_1362 : i32 to vector<16xi32>
      %lt3A_1364 = arith.cmpi slt, %xor3A_1361, %lt3A_1363 : vector<16xi32>
      %add3A_1365 = arith.constant 16 : i32
      %add3A_1366 = vector.broadcast %add3A_1365 : i32 to vector<16xi32>
      %add3A_1367 = arith.addi %xor3A_1361, %add3A_1366 : vector<16xi32>
      %select_n3A_1368 = arith.select %lt3A_1364, %add3A_1367, %xor3A_1361 : vector<16xi1>, vector<16xi32>
      %broadcast_in_dim3A_1369 = vector.shape_cast %select_n3A_1368 : vector<16xi32> to vector<16x1xi32>
      %gather3A_1370 = vector.shape_cast %broadcast_in_dim3A_1369 : vector<16x1xi32> to vector<16xi32>
      %gather3A_1371 = tpu.dynamic_gather %add3A_1358[%gather3A_1370] in [0] : vector<16xf32>, vector<16xi32> -> vector<16xf32>
      %add3A_1372 = arith.addf %add3A_1358, %gather3A_1371 : vector<16xf32>
      %xor3A_1373 = arith.constant 2 : i32
      %xor3A_1374 = vector.broadcast %xor3A_1373 : i32 to vector<16xi32>
      %xor3A_1375 = arith.xori %iota3A, %xor3A_1374 : vector<16xi32>
      %lt3A_1376 = arith.constant 0 : i32
      %lt3A_1377 = vector.broadcast %lt3A_1376 : i32 to vector<16xi32>
      %lt3A_1378 = arith.cmpi slt, %xor3A_1375, %lt3A_1377 : vector<16xi32>
      %add3A_1379 = arith.constant 16 : i32
      %add3A_1380 = vector.broadcast %add3A_1379 : i32 to vector<16xi32>
      %add3A_1381 = arith.addi %xor3A_1375, %add3A_1380 : vector<16xi32>
      %select_n3A_1382 = arith.select %lt3A_1378, %add3A_1381, %xor3A_1375 : vector<16xi1>, vector<16xi32>
      %broadcast_in_dim3A_1383 = vector.shape_cast %select_n3A_1382 : vector<16xi32> to vector<16x1xi32>
      %gather3A_1384 = vector.shape_cast %broadcast_in_dim3A_1383 : vector<16x1xi32> to vector<16xi32>
      %gather3A_1385 = tpu.dynamic_gather %add3A_1372[%gather3A_1384] in [0] : vector<16xf32>, vector<16xi32> -> vector<16xf32>
      %add3A_1386 = arith.addf %add3A_1372, %gather3A_1385 : vector<16xf32>
      %xor3A_1387 = arith.constant 1 : i32
      %xor3A_1388 = vector.broadcast %xor3A_1387 : i32 to vector<16xi32>
      %xor3A_1389 = arith.xori %iota3A, %xor3A_1388 : vector<16xi32>
      %lt3A_1390 = arith.constant 0 : i32
      %lt3A_1391 = vector.broadcast %lt3A_1390 : i32 to vector<16xi32>
      %lt3A_1392 = arith.cmpi slt, %xor3A_1389, %lt3A_1391 : vector<16xi32>
      %add3A_1393 = arith.constant 16 : i32
      %add3A_1394 = vector.broadcast %add3A_1393 : i32 to vector<16xi32>
      %add3A_1395 = arith.addi %xor3A_1389, %add3A_1394 : vector<16xi32>
      %select_n3A_1396 = arith.select %lt3A_1392, %add3A_1395, %xor3A_1389 : vector<16xi1>, vector<16xi32>
      %broadcast_in_dim3A_1397 = vector.shape_cast %select_n3A_1396 : vector<16xi32> to vector<16x1xi32>
      %gather3A_1398 = vector.shape_cast %broadcast_in_dim3A_1397 : vector<16x1xi32> to vector<16xi32>
      %gather3A_1399 = tpu.dynamic_gather %add3A_1386[%gather3A_1398] in [0] : vector<16xf32>, vector<16xi32> -> vector<16xf32>
      %add3A_1400 = arith.addf %add3A_1386, %gather3A_1399 : vector<16xf32>
      %select_n3A_1401 = arith.select %eq3A_1339, %add3A_1400, %select_n3A_1263 : vector<16xi1>, vector<16xf32>
      %mul3A_1402 = arith.constant 16 : i32
      %mul3A_1403 = arith.muli %scan3A_24, %mul3A_1402 : i32
      %add3A_1404 = arith.constant 10 : i32
      %add3A_1405 = arith.addi %mul3A_1403, %add3A_1404 : i32
      %get3A_1406 = arith.index_cast %add3A_1405 : i32 to index
      %get3A_1407 = arith.constant 0 : index
      %get3A_1408 = tpu.vector_load %arg12[%get3A_1406, %get3A_1407] {strides = array<i32>} : memref<128x128xf32, #tpu.memory_space<vmem>>, vector<1x16xf32>,
      %get3A_1409 = vector.shape_cast %get3A_1408 : vector<1x16xf32> to vector<16xf32>
      %eq3A_1410 = arith.constant 10 : i32
      %eq3A_1411 = vector.broadcast %eq3A_1410 : i32 to vector<16xi32>
      %eq3A_1412 = arith.cmpi eq, %iota3A, %eq3A_1411 : vector<16xi32>
      %get3A_1413 = arith.index_cast %add3A_1405 : i32 to index
      %get3A_1414 = arith.constant 0 : index
      %get3A_1415 = tpu.vector_load %arg13[%get3A_1413, %get3A_1414] {strides = array<i32>} : memref<128x128xf32, #tpu.memory_space<vmem>>, vector<1x16xf32>,
      %get3A_1416 = vector.shape_cast %get3A_1415 : vector<1x16xf32> to vector<16xf32>
      %mul3A_1417 = arith.mulf %get3A_1409, %get3A_1416 : vector<16xf32>
      %xor3A_1418 = arith.constant 8 : i32
      %xor3A_1419 = vector.broadcast %xor3A_1418 : i32 to vector<16xi32>
      %xor3A_1420 = arith.xori %iota3A, %xor3A_1419 : vector<16xi32>
      %lt3A_1421 = arith.constant 0 : i32
      %lt3A_1422 = vector.broadcast %lt3A_1421 : i32 to vector<16xi32>
      %lt3A_1423 = arith.cmpi slt, %xor3A_1420, %lt3A_1422 : vector<16xi32>
      %add3A_1424 = arith.constant 16 : i32
      %add3A_1425 = vector.broadcast %add3A_1424 : i32 to vector<16xi32>
      %add3A_1426 = arith.addi %xor3A_1420, %add3A_1425 : vector<16xi32>
      %select_n3A_1427 = arith.select %lt3A_1423, %add3A_1426, %xor3A_1420 : vector<16xi1>, vector<16xi32>
      %broadcast_in_dim3A_1428 = vector.shape_cast %select_n3A_1427 : vector<16xi32> to vector<16x1xi32>
      %gather3A_1429 = vector.shape_cast %broadcast_in_dim3A_1428 : vector<16x1xi32> to vector<16xi32>
      %gather3A_1430 = tpu.dynamic_gather %mul3A_1417[%gather3A_1429] in [0] : vector<16xf32>, vector<16xi32> -> vector<16xf32>
      %add3A_1431 = arith.addf %mul3A_1417, %gather3A_1430 : vector<16xf32>
      %xor3A_1432 = arith.constant 4 : i32
      %xor3A_1433 = vector.broadcast %xor3A_1432 : i32 to vector<16xi32>
      %xor3A_1434 = arith.xori %iota3A, %xor3A_1433 : vector<16xi32>
      %lt3A_1435 = arith.constant 0 : i32
      %lt3A_1436 = vector.broadcast %lt3A_1435 : i32 to vector<16xi32>
      %lt3A_1437 = arith.cmpi slt, %xor3A_1434, %lt3A_1436 : vector<16xi32>
      %add3A_1438 = arith.constant 16 : i32
      %add3A_1439 = vector.broadcast %add3A_1438 : i32 to vector<16xi32>
      %add3A_1440 = arith.addi %xor3A_1434, %add3A_1439 : vector<16xi32>
      %select_n3A_1441 = arith.select %lt3A_1437, %add3A_1440, %xor3A_1434 : vector<16xi1>, vector<16xi32>
      %broadcast_in_dim3A_1442 = vector.shape_cast %select_n3A_1441 : vector<16xi32> to vector<16x1xi32>
      %gather3A_1443 = vector.shape_cast %broadcast_in_dim3A_1442 : vector<16x1xi32> to vector<16xi32>
      %gather3A_1444 = tpu.dynamic_gather %add3A_1431[%gather3A_1443] in [0] : vector<16xf32>, vector<16xi32> -> vector<16xf32>
      %add3A_1445 = arith.addf %add3A_1431, %gather3A_1444 : vector<16xf32>
      %xor3A_1446 = arith.constant 2 : i32
      %xor3A_1447 = vector.broadcast %xor3A_1446 : i32 to vector<16xi32>
      %xor3A_1448 = arith.xori %iota3A, %xor3A_1447 : vector<16xi32>
      %lt3A_1449 = arith.constant 0 : i32
      %lt3A_1450 = vector.broadcast %lt3A_1449 : i32 to vector<16xi32>
      %lt3A_1451 = arith.cmpi slt, %xor3A_1448, %lt3A_1450 : vector<16xi32>
      %add3A_1452 = arith.constant 16 : i32
      %add3A_1453 = vector.broadcast %add3A_1452 : i32 to vector<16xi32>
      %add3A_1454 = arith.addi %xor3A_1448, %add3A_1453 : vector<16xi32>
      %select_n3A_1455 = arith.select %lt3A_1451, %add3A_1454, %xor3A_1448 : vector<16xi1>, vector<16xi32>
      %broadcast_in_dim3A_1456 = vector.shape_cast %select_n3A_1455 : vector<16xi32> to vector<16x1xi32>
      %gather3A_1457 = vector.shape_cast %broadcast_in_dim3A_1456 : vector<16x1xi32> to vector<16xi32>
      %gather3A_1458 = tpu.dynamic_gather %add3A_1445[%gather3A_1457] in [0] : vector<16xf32>, vector<16xi32> -> vector<16xf32>
      %add3A_1459 = arith.addf %add3A_1445, %gather3A_1458 : vector<16xf32>
      %xor3A_1460 = arith.constant 1 : i32
      %xor3A_1461 = vector.broadcast %xor3A_1460 : i32 to vector<16xi32>
      %xor3A_1462 = arith.xori %iota3A, %xor3A_1461 : vector<16xi32>
      %lt3A_1463 = arith.constant 0 : i32
      %lt3A_1464 = vector.broadcast %lt3A_1463 : i32 to vector<16xi32>
      %lt3A_1465 = arith.cmpi slt, %xor3A_1462, %lt3A_1464 : vector<16xi32>
      %add3A_1466 = arith.constant 16 : i32
      %add3A_1467 = vector.broadcast %add3A_1466 : i32 to vector<16xi32>
      %add3A_1468 = arith.addi %xor3A_1462, %add3A_1467 : vector<16xi32>
      %select_n3A_1469 = arith.select %lt3A_1465, %add3A_1468, %xor3A_1462 : vector<16xi1>, vector<16xi32>
      %broadcast_in_dim3A_1470 = vector.shape_cast %select_n3A_1469 : vector<16xi32> to vector<16x1xi32>
      %gather3A_1471 = vector.shape_cast %broadcast_in_dim3A_1470 : vector<16x1xi32> to vector<16xi32>
      %gather3A_1472 = tpu.dynamic_gather %add3A_1459[%gather3A_1471] in [0] : vector<16xf32>, vector<16xi32> -> vector<16xf32>
      %add3A_1473 = arith.addf %add3A_1459, %gather3A_1472 : vector<16xf32>
      %select_n3A_1474 = arith.select %eq3A_1412, %add3A_1473, %select_n3A_1336 : vector<16xi1>, vector<16xf32>
      %eq3A_1475 = arith.constant 10 : i32
      %eq3A_1476 = vector.broadcast %eq3A_1475 : i32 to vector<16xi32>
      %eq3A_1477 = arith.cmpi eq, %iota3A, %eq3A_1476 : vector<16xi32>
      %get3A_1478 = arith.index_cast %add3A_1405 : i32 to index
      %get3A_1479 = arith.constant 0 : index
      %get3A_1480 = tpu.vector_load %arg14[%get3A_1478, %get3A_1479] {strides = array<i32>} : memref<128x128xf32, #tpu.memory_space<vmem>>, vector<1x16xf32>,
      %get3A_1481 = vector.shape_cast %get3A_1480 : vector<1x16xf32> to vector<16xf32>
      %mul3A_1482 = arith.mulf %get3A_1409, %get3A_1481 : vector<16xf32>
      %xor3A_1483 = arith.constant 8 : i32
      %xor3A_1484 = vector.broadcast %xor3A_1483 : i32 to vector<16xi32>
      %xor3A_1485 = arith.xori %iota3A, %xor3A_1484 : vector<16xi32>
      %lt3A_1486 = arith.constant 0 : i32
      %lt3A_1487 = vector.broadcast %lt3A_1486 : i32 to vector<16xi32>
      %lt3A_1488 = arith.cmpi slt, %xor3A_1485, %lt3A_1487 : vector<16xi32>
      %add3A_1489 = arith.constant 16 : i32
      %add3A_1490 = vector.broadcast %add3A_1489 : i32 to vector<16xi32>
      %add3A_1491 = arith.addi %xor3A_1485, %add3A_1490 : vector<16xi32>
      %select_n3A_1492 = arith.select %lt3A_1488, %add3A_1491, %xor3A_1485 : vector<16xi1>, vector<16xi32>
      %broadcast_in_dim3A_1493 = vector.shape_cast %select_n3A_1492 : vector<16xi32> to vector<16x1xi32>
      %gather3A_1494 = vector.shape_cast %broadcast_in_dim3A_1493 : vector<16x1xi32> to vector<16xi32>
      %gather3A_1495 = tpu.dynamic_gather %mul3A_1482[%gather3A_1494] in [0] : vector<16xf32>, vector<16xi32> -> vector<16xf32>
      %add3A_1496 = arith.addf %mul3A_1482, %gather3A_1495 : vector<16xf32>
      %xor3A_1497 = arith.constant 4 : i32
      %xor3A_1498 = vector.broadcast %xor3A_1497 : i32 to vector<16xi32>
      %xor3A_1499 = arith.xori %iota3A, %xor3A_1498 : vector<16xi32>
      %lt3A_1500 = arith.constant 0 : i32
      %lt3A_1501 = vector.broadcast %lt3A_1500 : i32 to vector<16xi32>
      %lt3A_1502 = arith.cmpi slt, %xor3A_1499, %lt3A_1501 : vector<16xi32>
      %add3A_1503 = arith.constant 16 : i32
      %add3A_1504 = vector.broadcast %add3A_1503 : i32 to vector<16xi32>
      %add3A_1505 = arith.addi %xor3A_1499, %add3A_1504 : vector<16xi32>
      %select_n3A_1506 = arith.select %lt3A_1502, %add3A_1505, %xor3A_1499 : vector<16xi1>, vector<16xi32>
      %broadcast_in_dim3A_1507 = vector.shape_cast %select_n3A_1506 : vector<16xi32> to vector<16x1xi32>
      %gather3A_1508 = vector.shape_cast %broadcast_in_dim3A_1507 : vector<16x1xi32> to vector<16xi32>
      %gather3A_1509 = tpu.dynamic_gather %add3A_1496[%gather3A_1508] in [0] : vector<16xf32>, vector<16xi32> -> vector<16xf32>
      %add3A_1510 = arith.addf %add3A_1496, %gather3A_1509 : vector<16xf32>
      %xor3A_1511 = arith.constant 2 : i32
      %xor3A_1512 = vector.broadcast %xor3A_1511 : i32 to vector<16xi32>
      %xor3A_1513 = arith.xori %iota3A, %xor3A_1512 : vector<16xi32>
      %lt3A_1514 = arith.constant 0 : i32
      %lt3A_1515 = vector.broadcast %lt3A_1514 : i32 to vector<16xi32>
      %lt3A_1516 = arith.cmpi slt, %xor3A_1513, %lt3A_1515 : vector<16xi32>
      %add3A_1517 = arith.constant 16 : i32
      %add3A_1518 = vector.broadcast %add3A_1517 : i32 to vector<16xi32>
      %add3A_1519 = arith.addi %xor3A_1513, %add3A_1518 : vector<16xi32>
      %select_n3A_1520 = arith.select %lt3A_1516, %add3A_1519, %xor3A_1513 : vector<16xi1>, vector<16xi32>
      %broadcast_in_dim3A_1521 = vector.shape_cast %select_n3A_1520 : vector<16xi32> to vector<16x1xi32>
      %gather3A_1522 = vector.shape_cast %broadcast_in_dim3A_1521 : vector<16x1xi32> to vector<16xi32>
      %gather3A_1523 = tpu.dynamic_gather %add3A_1510[%gather3A_1522] in [0] : vector<16xf32>, vector<16xi32> -> vector<16xf32>
      %add3A_1524 = arith.addf %add3A_1510, %gather3A_1523 : vector<16xf32>
      %xor3A_1525 = arith.constant 1 : i32
      %xor3A_1526 = vector.broadcast %xor3A_1525 : i32 to vector<16xi32>
      %xor3A_1527 = arith.xori %iota3A, %xor3A_1526 : vector<16xi32>
      %lt3A_1528 = arith.constant 0 : i32
      %lt3A_1529 = vector.broadcast %lt3A_1528 : i32 to vector<16xi32>
      %lt3A_1530 = arith.cmpi slt, %xor3A_1527, %lt3A_1529 : vector<16xi32>
      %add3A_1531 = arith.constant 16 : i32
      %add3A_1532 = vector.broadcast %add3A_1531 : i32 to vector<16xi32>
      %add3A_1533 = arith.addi %xor3A_1527, %add3A_1532 : vector<16xi32>
      %select_n3A_1534 = arith.select %lt3A_1530, %add3A_1533, %xor3A_1527 : vector<16xi1>, vector<16xi32>
      %broadcast_in_dim3A_1535 = vector.shape_cast %select_n3A_1534 : vector<16xi32> to vector<16x1xi32>
      %gather3A_1536 = vector.shape_cast %broadcast_in_dim3A_1535 : vector<16x1xi32> to vector<16xi32>
      %gather3A_1537 = tpu.dynamic_gather %add3A_1524[%gather3A_1536] in [0] : vector<16xf32>, vector<16xi32> -> vector<16xf32>
      %add3A_1538 = arith.addf %add3A_1524, %gather3A_1537 : vector<16xf32>
      %select_n3A_1539 = arith.select %eq3A_1477, %add3A_1538, %select_n3A_1401 : vector<16xi1>, vector<16xf32>
      %mul3A_1540 = arith.constant 16 : i32
      %mul3A_1541 = arith.muli %scan3A_24, %mul3A_1540 : i32
      %add3A_1542 = arith.constant 11 : i32
      %add3A_1543 = arith.addi %mul3A_1541, %add3A_1542 : i32
      %get3A_1544 = arith.index_cast %add3A_1543 : i32 to index
      %get3A_1545 = arith.constant 0 : index
      %get3A_1546 = tpu.vector_load %arg12[%get3A_1544, %get3A_1545] {strides = array<i32>} : memref<128x128xf32, #tpu.memory_space<vmem>>, vector<1x16xf32>,
      %get3A_1547 = vector.shape_cast %get3A_1546 : vector<1x16xf32> to vector<16xf32>
      %eq3A_1548 = arith.constant 11 : i32
      %eq3A_1549 = vector.broadcast %eq3A_1548 : i32 to vector<16xi32>
      %eq3A_1550 = arith.cmpi eq, %iota3A, %eq3A_1549 : vector<16xi32>
      %get3A_1551 = arith.index_cast %add3A_1543 : i32 to index
      %get3A_1552 = arith.constant 0 : index
      %get3A_1553 = tpu.vector_load %arg13[%get3A_1551, %get3A_1552] {strides = array<i32>} : memref<128x128xf32, #tpu.memory_space<vmem>>, vector<1x16xf32>,
      %get3A_1554 = vector.shape_cast %get3A_1553 : vector<1x16xf32> to vector<16xf32>
      %mul3A_1555 = arith.mulf %get3A_1547, %get3A_1554 : vector<16xf32>
      %xor3A_1556 = arith.constant 8 : i32
      %xor3A_1557 = vector.broadcast %xor3A_1556 : i32 to vector<16xi32>
      %xor3A_1558 = arith.xori %iota3A, %xor3A_1557 : vector<16xi32>
      %lt3A_1559 = arith.constant 0 : i32
      %lt3A_1560 = vector.broadcast %lt3A_1559 : i32 to vector<16xi32>
      %lt3A_1561 = arith.cmpi slt, %xor3A_1558, %lt3A_1560 : vector<16xi32>
      %add3A_1562 = arith.constant 16 : i32
      %add3A_1563 = vector.broadcast %add3A_1562 : i32 to vector<16xi32>
      %add3A_1564 = arith.addi %xor3A_1558, %add3A_1563 : vector<16xi32>
      %select_n3A_1565 = arith.select %lt3A_1561, %add3A_1564, %xor3A_1558 : vector<16xi1>, vector<16xi32>
      %broadcast_in_dim3A_1566 = vector.shape_cast %select_n3A_1565 : vector<16xi32> to vector<16x1xi32>
      %gather3A_1567 = vector.shape_cast %broadcast_in_dim3A_1566 : vector<16x1xi32> to vector<16xi32>
      %gather3A_1568 = tpu.dynamic_gather %mul3A_1555[%gather3A_1567] in [0] : vector<16xf32>, vector<16xi32> -> vector<16xf32>
      %add3A_1569 = arith.addf %mul3A_1555, %gather3A_1568 : vector<16xf32>
      %xor3A_1570 = arith.constant 4 : i32
      %xor3A_1571 = vector.broadcast %xor3A_1570 : i32 to vector<16xi32>
      %xor3A_1572 = arith.xori %iota3A, %xor3A_1571 : vector<16xi32>
      %lt3A_1573 = arith.constant 0 : i32
      %lt3A_1574 = vector.broadcast %lt3A_1573 : i32 to vector<16xi32>
      %lt3A_1575 = arith.cmpi slt, %xor3A_1572, %lt3A_1574 : vector<16xi32>
      %add3A_1576 = arith.constant 16 : i32
      %add3A_1577 = vector.broadcast %add3A_1576 : i32 to vector<16xi32>
      %add3A_1578 = arith.addi %xor3A_1572, %add3A_1577 : vector<16xi32>
      %select_n3A_1579 = arith.select %lt3A_1575, %add3A_1578, %xor3A_1572 : vector<16xi1>, vector<16xi32>
      %broadcast_in_dim3A_1580 = vector.shape_cast %select_n3A_1579 : vector<16xi32> to vector<16x1xi32>
      %gather3A_1581 = vector.shape_cast %broadcast_in_dim3A_1580 : vector<16x1xi32> to vector<16xi32>
      %gather3A_1582 = tpu.dynamic_gather %add3A_1569[%gather3A_1581] in [0] : vector<16xf32>, vector<16xi32> -> vector<16xf32>
      %add3A_1583 = arith.addf %add3A_1569, %gather3A_1582 : vector<16xf32>
      %xor3A_1584 = arith.constant 2 : i32
      %xor3A_1585 = vector.broadcast %xor3A_1584 : i32 to vector<16xi32>
      %xor3A_1586 = arith.xori %iota3A, %xor3A_1585 : vector<16xi32>
      %lt3A_1587 = arith.constant 0 : i32
      %lt3A_1588 = vector.broadcast %lt3A_1587 : i32 to vector<16xi32>
      %lt3A_1589 = arith.cmpi slt, %xor3A_1586, %lt3A_1588 : vector<16xi32>
      %add3A_1590 = arith.constant 16 : i32
      %add3A_1591 = vector.broadcast %add3A_1590 : i32 to vector<16xi32>
      %add3A_1592 = arith.addi %xor3A_1586, %add3A_1591 : vector<16xi32>
      %select_n3A_1593 = arith.select %lt3A_1589, %add3A_1592, %xor3A_1586 : vector<16xi1>, vector<16xi32>
      %broadcast_in_dim3A_1594 = vector.shape_cast %select_n3A_1593 : vector<16xi32> to vector<16x1xi32>
      %gather3A_1595 = vector.shape_cast %broadcast_in_dim3A_1594 : vector<16x1xi32> to vector<16xi32>
      %gather3A_1596 = tpu.dynamic_gather %add3A_1583[%gather3A_1595] in [0] : vector<16xf32>, vector<16xi32> -> vector<16xf32>
      %add3A_1597 = arith.addf %add3A_1583, %gather3A_1596 : vector<16xf32>
      %xor3A_1598 = arith.constant 1 : i32
      %xor3A_1599 = vector.broadcast %xor3A_1598 : i32 to vector<16xi32>
      %xor3A_1600 = arith.xori %iota3A, %xor3A_1599 : vector<16xi32>
      %lt3A_1601 = arith.constant 0 : i32
      %lt3A_1602 = vector.broadcast %lt3A_1601 : i32 to vector<16xi32>
      %lt3A_1603 = arith.cmpi slt, %xor3A_1600, %lt3A_1602 : vector<16xi32>
      %add3A_1604 = arith.constant 16 : i32
      %add3A_1605 = vector.broadcast %add3A_1604 : i32 to vector<16xi32>
      %add3A_1606 = arith.addi %xor3A_1600, %add3A_1605 : vector<16xi32>
      %select_n3A_1607 = arith.select %lt3A_1603, %add3A_1606, %xor3A_1600 : vector<16xi1>, vector<16xi32>
      %broadcast_in_dim3A_1608 = vector.shape_cast %select_n3A_1607 : vector<16xi32> to vector<16x1xi32>
      %gather3A_1609 = vector.shape_cast %broadcast_in_dim3A_1608 : vector<16x1xi32> to vector<16xi32>
      %gather3A_1610 = tpu.dynamic_gather %add3A_1597[%gather3A_1609] in [0] : vector<16xf32>, vector<16xi32> -> vector<16xf32>
      %add3A_1611 = arith.addf %add3A_1597, %gather3A_1610 : vector<16xf32>
      %select_n3A_1612 = arith.select %eq3A_1550, %add3A_1611, %select_n3A_1474 : vector<16xi1>, vector<16xf32>
      %eq3A_1613 = arith.constant 11 : i32
      %eq3A_1614 = vector.broadcast %eq3A_1613 : i32 to vector<16xi32>
      %eq3A_1615 = arith.cmpi eq, %iota3A, %eq3A_1614 : vector<16xi32>
      %get3A_1616 = arith.index_cast %add3A_1543 : i32 to index
      %get3A_1617 = arith.constant 0 : index
      %get3A_1618 = tpu.vector_load %arg14[%get3A_1616, %get3A_1617] {strides = array<i32>} : memref<128x128xf32, #tpu.memory_space<vmem>>, vector<1x16xf32>,
      %get3A_1619 = vector.shape_cast %get3A_1618 : vector<1x16xf32> to vector<16xf32>
      %mul3A_1620 = arith.mulf %get3A_1547, %get3A_1619 : vector<16xf32>
      %xor3A_1621 = arith.constant 8 : i32
      %xor3A_1622 = vector.broadcast %xor3A_1621 : i32 to vector<16xi32>
      %xor3A_1623 = arith.xori %iota3A, %xor3A_1622 : vector<16xi32>
      %lt3A_1624 = arith.constant 0 : i32
      %lt3A_1625 = vector.broadcast %lt3A_1624 : i32 to vector<16xi32>
      %lt3A_1626 = arith.cmpi slt, %xor3A_1623, %lt3A_1625 : vector<16xi32>
      %add3A_1627 = arith.constant 16 : i32
      %add3A_1628 = vector.broadcast %add3A_1627 : i32 to vector<16xi32>
      %add3A_1629 = arith.addi %xor3A_1623, %add3A_1628 : vector<16xi32>
      %select_n3A_1630 = arith.select %lt3A_1626, %add3A_1629, %xor3A_1623 : vector<16xi1>, vector<16xi32>
      %broadcast_in_dim3A_1631 = vector.shape_cast %select_n3A_1630 : vector<16xi32> to vector<16x1xi32>
      %gather3A_1632 = vector.shape_cast %broadcast_in_dim3A_1631 : vector<16x1xi32> to vector<16xi32>
      %gather3A_1633 = tpu.dynamic_gather %mul3A_1620[%gather3A_1632] in [0] : vector<16xf32>, vector<16xi32> -> vector<16xf32>
      %add3A_1634 = arith.addf %mul3A_1620, %gather3A_1633 : vector<16xf32>
      %xor3A_1635 = arith.constant 4 : i32
      %xor3A_1636 = vector.broadcast %xor3A_1635 : i32 to vector<16xi32>
      %xor3A_1637 = arith.xori %iota3A, %xor3A_1636 : vector<16xi32>
      %lt3A_1638 = arith.constant 0 : i32
      %lt3A_1639 = vector.broadcast %lt3A_1638 : i32 to vector<16xi32>
      %lt3A_1640 = arith.cmpi slt, %xor3A_1637, %lt3A_1639 : vector<16xi32>
      %add3A_1641 = arith.constant 16 : i32
      %add3A_1642 = vector.broadcast %add3A_1641 : i32 to vector<16xi32>
      %add3A_1643 = arith.addi %xor3A_1637, %add3A_1642 : vector<16xi32>
      %select_n3A_1644 = arith.select %lt3A_1640, %add3A_1643, %xor3A_1637 : vector<16xi1>, vector<16xi32>
      %broadcast_in_dim3A_1645 = vector.shape_cast %select_n3A_1644 : vector<16xi32> to vector<16x1xi32>
      %gather3A_1646 = vector.shape_cast %broadcast_in_dim3A_1645 : vector<16x1xi32> to vector<16xi32>
      %gather3A_1647 = tpu.dynamic_gather %add3A_1634[%gather3A_1646] in [0] : vector<16xf32>, vector<16xi32> -> vector<16xf32>
      %add3A_1648 = arith.addf %add3A_1634, %gather3A_1647 : vector<16xf32>
      %xor3A_1649 = arith.constant 2 : i32
      %xor3A_1650 = vector.broadcast %xor3A_1649 : i32 to vector<16xi32>
      %xor3A_1651 = arith.xori %iota3A, %xor3A_1650 : vector<16xi32>
      %lt3A_1652 = arith.constant 0 : i32
      %lt3A_1653 = vector.broadcast %lt3A_1652 : i32 to vector<16xi32>
      %lt3A_1654 = arith.cmpi slt, %xor3A_1651, %lt3A_1653 : vector<16xi32>
      %add3A_1655 = arith.constant 16 : i32
      %add3A_1656 = vector.broadcast %add3A_1655 : i32 to vector<16xi32>
      %add3A_1657 = arith.addi %xor3A_1651, %add3A_1656 : vector<16xi32>
      %select_n3A_1658 = arith.select %lt3A_1654, %add3A_1657, %xor3A_1651 : vector<16xi1>, vector<16xi32>
      %broadcast_in_dim3A_1659 = vector.shape_cast %select_n3A_1658 : vector<16xi32> to vector<16x1xi32>
      %gather3A_1660 = vector.shape_cast %broadcast_in_dim3A_1659 : vector<16x1xi32> to vector<16xi32>
      %gather3A_1661 = tpu.dynamic_gather %add3A_1648[%gather3A_1660] in [0] : vector<16xf32>, vector<16xi32> -> vector<16xf32>
      %add3A_1662 = arith.addf %add3A_1648, %gather3A_1661 : vector<16xf32>
      %xor3A_1663 = arith.constant 1 : i32
      %xor3A_1664 = vector.broadcast %xor3A_1663 : i32 to vector<16xi32>
      %xor3A_1665 = arith.xori %iota3A, %xor3A_1664 : vector<16xi32>
      %lt3A_1666 = arith.constant 0 : i32
      %lt3A_1667 = vector.broadcast %lt3A_1666 : i32 to vector<16xi32>
      %lt3A_1668 = arith.cmpi slt, %xor3A_1665, %lt3A_1667 : vector<16xi32>
      %add3A_1669 = arith.constant 16 : i32
      %add3A_1670 = vector.broadcast %add3A_1669 : i32 to vector<16xi32>
      %add3A_1671 = arith.addi %xor3A_1665, %add3A_1670 : vector<16xi32>
      %select_n3A_1672 = arith.select %lt3A_1668, %add3A_1671, %xor3A_1665 : vector<16xi1>, vector<16xi32>
      %broadcast_in_dim3A_1673 = vector.shape_cast %select_n3A_1672 : vector<16xi32> to vector<16x1xi32>
      %gather3A_1674 = vector.shape_cast %broadcast_in_dim3A_1673 : vector<16x1xi32> to vector<16xi32>
      %gather3A_1675 = tpu.dynamic_gather %add3A_1662[%gather3A_1674] in [0] : vector<16xf32>, vector<16xi32> -> vector<16xf32>
      %add3A_1676 = arith.addf %add3A_1662, %gather3A_1675 : vector<16xf32>
      %select_n3A_1677 = arith.select %eq3A_1615, %add3A_1676, %select_n3A_1539 : vector<16xi1>, vector<16xf32>
      %mul3A_1678 = arith.constant 16 : i32
      %mul3A_1679 = arith.muli %scan3A_24, %mul3A_1678 : i32
      %add3A_1680 = arith.constant 12 : i32
      %add3A_1681 = arith.addi %mul3A_1679, %add3A_1680 : i32
      %get3A_1682 = arith.index_cast %add3A_1681 : i32 to index
      %get3A_1683 = arith.constant 0 : index
      %get3A_1684 = tpu.vector_load %arg12[%get3A_1682, %get3A_1683] {strides = array<i32>} : memref<128x128xf32, #tpu.memory_space<vmem>>, vector<1x16xf32>,
      %get3A_1685 = vector.shape_cast %get3A_1684 : vector<1x16xf32> to vector<16xf32>
      %eq3A_1686 = arith.constant 12 : i32
      %eq3A_1687 = vector.broadcast %eq3A_1686 : i32 to vector<16xi32>
      %eq3A_1688 = arith.cmpi eq, %iota3A, %eq3A_1687 : vector<16xi32>
      %get3A_1689 = arith.index_cast %add3A_1681 : i32 to index
      %get3A_1690 = arith.constant 0 : index
      %get3A_1691 = tpu.vector_load %arg13[%get3A_1689, %get3A_1690] {strides = array<i32>} : memref<128x128xf32, #tpu.memory_space<vmem>>, vector<1x16xf32>,
      %get3A_1692 = vector.shape_cast %get3A_1691 : vector<1x16xf32> to vector<16xf32>
      %mul3A_1693 = arith.mulf %get3A_1685, %get3A_1692 : vector<16xf32>
      %xor3A_1694 = arith.constant 8 : i32
      %xor3A_1695 = vector.broadcast %xor3A_1694 : i32 to vector<16xi32>
      %xor3A_1696 = arith.xori %iota3A, %xor3A_1695 : vector<16xi32>
      %lt3A_1697 = arith.constant 0 : i32
      %lt3A_1698 = vector.broadcast %lt3A_1697 : i32 to vector<16xi32>
      %lt3A_1699 = arith.cmpi slt, %xor3A_1696, %lt3A_1698 : vector<16xi32>
      %add3A_1700 = arith.constant 16 : i32
      %add3A_1701 = vector.broadcast %add3A_1700 : i32 to vector<16xi32>
      %add3A_1702 = arith.addi %xor3A_1696, %add3A_1701 : vector<16xi32>
      %select_n3A_1703 = arith.select %lt3A_1699, %add3A_1702, %xor3A_1696 : vector<16xi1>, vector<16xi32>
      %broadcast_in_dim3A_1704 = vector.shape_cast %select_n3A_1703 : vector<16xi32> to vector<16x1xi32>
      %gather3A_1705 = vector.shape_cast %broadcast_in_dim3A_1704 : vector<16x1xi32> to vector<16xi32>
      %gather3A_1706 = tpu.dynamic_gather %mul3A_1693[%gather3A_1705] in [0] : vector<16xf32>, vector<16xi32> -> vector<16xf32>
      %add3A_1707 = arith.addf %mul3A_1693, %gather3A_1706 : vector<16xf32>
      %xor3A_1708 = arith.constant 4 : i32
      %xor3A_1709 = vector.broadcast %xor3A_1708 : i32 to vector<16xi32>
      %xor3A_1710 = arith.xori %iota3A, %xor3A_1709 : vector<16xi32>
      %lt3A_1711 = arith.constant 0 : i32
      %lt3A_1712 = vector.broadcast %lt3A_1711 : i32 to vector<16xi32>
      %lt3A_1713 = arith.cmpi slt, %xor3A_1710, %lt3A_1712 : vector<16xi32>
      %add3A_1714 = arith.constant 16 : i32
      %add3A_1715 = vector.broadcast %add3A_1714 : i32 to vector<16xi32>
      %add3A_1716 = arith.addi %xor3A_1710, %add3A_1715 : vector<16xi32>
      %select_n3A_1717 = arith.select %lt3A_1713, %add3A_1716, %xor3A_1710 : vector<16xi1>, vector<16xi32>
      %broadcast_in_dim3A_1718 = vector.shape_cast %select_n3A_1717 : vector<16xi32> to vector<16x1xi32>
      %gather3A_1719 = vector.shape_cast %broadcast_in_dim3A_1718 : vector<16x1xi32> to vector<16xi32>
      %gather3A_1720 = tpu.dynamic_gather %add3A_1707[%gather3A_1719] in [0] : vector<16xf32>, vector<16xi32> -> vector<16xf32>
      %add3A_1721 = arith.addf %add3A_1707, %gather3A_1720 : vector<16xf32>
      %xor3A_1722 = arith.constant 2 : i32
      %xor3A_1723 = vector.broadcast %xor3A_1722 : i32 to vector<16xi32>
      %xor3A_1724 = arith.xori %iota3A, %xor3A_1723 : vector<16xi32>
      %lt3A_1725 = arith.constant 0 : i32
      %lt3A_1726 = vector.broadcast %lt3A_1725 : i32 to vector<16xi32>
      %lt3A_1727 = arith.cmpi slt, %xor3A_1724, %lt3A_1726 : vector<16xi32>
      %add3A_1728 = arith.constant 16 : i32
      %add3A_1729 = vector.broadcast %add3A_1728 : i32 to vector<16xi32>
      %add3A_1730 = arith.addi %xor3A_1724, %add3A_1729 : vector<16xi32>
      %select_n3A_1731 = arith.select %lt3A_1727, %add3A_1730, %xor3A_1724 : vector<16xi1>, vector<16xi32>
      %broadcast_in_dim3A_1732 = vector.shape_cast %select_n3A_1731 : vector<16xi32> to vector<16x1xi32>
      %gather3A_1733 = vector.shape_cast %broadcast_in_dim3A_1732 : vector<16x1xi32> to vector<16xi32>
      %gather3A_1734 = tpu.dynamic_gather %add3A_1721[%gather3A_1733] in [0] : vector<16xf32>, vector<16xi32> -> vector<16xf32>
      %add3A_1735 = arith.addf %add3A_1721, %gather3A_1734 : vector<16xf32>
      %xor3A_1736 = arith.constant 1 : i32
      %xor3A_1737 = vector.broadcast %xor3A_1736 : i32 to vector<16xi32>
      %xor3A_1738 = arith.xori %iota3A, %xor3A_1737 : vector<16xi32>
      %lt3A_1739 = arith.constant 0 : i32
      %lt3A_1740 = vector.broadcast %lt3A_1739 : i32 to vector<16xi32>
      %lt3A_1741 = arith.cmpi slt, %xor3A_1738, %lt3A_1740 : vector<16xi32>
      %add3A_1742 = arith.constant 16 : i32
      %add3A_1743 = vector.broadcast %add3A_1742 : i32 to vector<16xi32>
      %add3A_1744 = arith.addi %xor3A_1738, %add3A_1743 : vector<16xi32>
      %select_n3A_1745 = arith.select %lt3A_1741, %add3A_1744, %xor3A_1738 : vector<16xi1>, vector<16xi32>
      %broadcast_in_dim3A_1746 = vector.shape_cast %select_n3A_1745 : vector<16xi32> to vector<16x1xi32>
      %gather3A_1747 = vector.shape_cast %broadcast_in_dim3A_1746 : vector<16x1xi32> to vector<16xi32>
      %gather3A_1748 = tpu.dynamic_gather %add3A_1735[%gather3A_1747] in [0] : vector<16xf32>, vector<16xi32> -> vector<16xf32>
      %add3A_1749 = arith.addf %add3A_1735, %gather3A_1748 : vector<16xf32>
      %select_n3A_1750 = arith.select %eq3A_1688, %add3A_1749, %select_n3A_1612 : vector<16xi1>, vector<16xf32>
      %eq3A_1751 = arith.constant 12 : i32
      %eq3A_1752 = vector.broadcast %eq3A_1751 : i32 to vector<16xi32>
      %eq3A_1753 = arith.cmpi eq, %iota3A, %eq3A_1752 : vector<16xi32>
      %get3A_1754 = arith.index_cast %add3A_1681 : i32 to index
      %get3A_1755 = arith.constant 0 : index
      %get3A_1756 = tpu.vector_load %arg14[%get3A_1754, %get3A_1755] {strides = array<i32>} : memref<128x128xf32, #tpu.memory_space<vmem>>, vector<1x16xf32>,
      %get3A_1757 = vector.shape_cast %get3A_1756 : vector<1x16xf32> to vector<16xf32>
      %mul3A_1758 = arith.mulf %get3A_1685, %get3A_1757 : vector<16xf32>
      %xor3A_1759 = arith.constant 8 : i32
      %xor3A_1760 = vector.broadcast %xor3A_1759 : i32 to vector<16xi32>
      %xor3A_1761 = arith.xori %iota3A, %xor3A_1760 : vector<16xi32>
      %lt3A_1762 = arith.constant 0 : i32
      %lt3A_1763 = vector.broadcast %lt3A_1762 : i32 to vector<16xi32>
      %lt3A_1764 = arith.cmpi slt, %xor3A_1761, %lt3A_1763 : vector<16xi32>
      %add3A_1765 = arith.constant 16 : i32
      %add3A_1766 = vector.broadcast %add3A_1765 : i32 to vector<16xi32>
      %add3A_1767 = arith.addi %xor3A_1761, %add3A_1766 : vector<16xi32>
      %select_n3A_1768 = arith.select %lt3A_1764, %add3A_1767, %xor3A_1761 : vector<16xi1>, vector<16xi32>
      %broadcast_in_dim3A_1769 = vector.shape_cast %select_n3A_1768 : vector<16xi32> to vector<16x1xi32>
      %gather3A_1770 = vector.shape_cast %broadcast_in_dim3A_1769 : vector<16x1xi32> to vector<16xi32>
      %gather3A_1771 = tpu.dynamic_gather %mul3A_1758[%gather3A_1770] in [0] : vector<16xf32>, vector<16xi32> -> vector<16xf32>
      %add3A_1772 = arith.addf %mul3A_1758, %gather3A_1771 : vector<16xf32>
      %xor3A_1773 = arith.constant 4 : i32
      %xor3A_1774 = vector.broadcast %xor3A_1773 : i32 to vector<16xi32>
      %xor3A_1775 = arith.xori %iota3A, %xor3A_1774 : vector<16xi32>
      %lt3A_1776 = arith.constant 0 : i32
      %lt3A_1777 = vector.broadcast %lt3A_1776 : i32 to vector<16xi32>
      %lt3A_1778 = arith.cmpi slt, %xor3A_1775, %lt3A_1777 : vector<16xi32>
      %add3A_1779 = arith.constant 16 : i32
      %add3A_1780 = vector.broadcast %add3A_1779 : i32 to vector<16xi32>
      %add3A_1781 = arith.addi %xor3A_1775, %add3A_1780 : vector<16xi32>
      %select_n3A_1782 = arith.select %lt3A_1778, %add3A_1781, %xor3A_1775 : vector<16xi1>, vector<16xi32>
      %broadcast_in_dim3A_1783 = vector.shape_cast %select_n3A_1782 : vector<16xi32> to vector<16x1xi32>
      %gather3A_1784 = vector.shape_cast %broadcast_in_dim3A_1783 : vector<16x1xi32> to vector<16xi32>
      %gather3A_1785 = tpu.dynamic_gather %add3A_1772[%gather3A_1784] in [0] : vector<16xf32>, vector<16xi32> -> vector<16xf32>
      %add3A_1786 = arith.addf %add3A_1772, %gather3A_1785 : vector<16xf32>
      %xor3A_1787 = arith.constant 2 : i32
      %xor3A_1788 = vector.broadcast %xor3A_1787 : i32 to vector<16xi32>
      %xor3A_1789 = arith.xori %iota3A, %xor3A_1788 : vector<16xi32>
      %lt3A_1790 = arith.constant 0 : i32
      %lt3A_1791 = vector.broadcast %lt3A_1790 : i32 to vector<16xi32>
      %lt3A_1792 = arith.cmpi slt, %xor3A_1789, %lt3A_1791 : vector<16xi32>
      %add3A_1793 = arith.constant 16 : i32
      %add3A_1794 = vector.broadcast %add3A_1793 : i32 to vector<16xi32>
      %add3A_1795 = arith.addi %xor3A_1789, %add3A_1794 : vector<16xi32>
      %select_n3A_1796 = arith.select %lt3A_1792, %add3A_1795, %xor3A_1789 : vector<16xi1>, vector<16xi32>
      %broadcast_in_dim3A_1797 = vector.shape_cast %select_n3A_1796 : vector<16xi32> to vector<16x1xi32>
      %gather3A_1798 = vector.shape_cast %broadcast_in_dim3A_1797 : vector<16x1xi32> to vector<16xi32>
      %gather3A_1799 = tpu.dynamic_gather %add3A_1786[%gather3A_1798] in [0] : vector<16xf32>, vector<16xi32> -> vector<16xf32>
      %add3A_1800 = arith.addf %add3A_1786, %gather3A_1799 : vector<16xf32>
      %xor3A_1801 = arith.constant 1 : i32
      %xor3A_1802 = vector.broadcast %xor3A_1801 : i32 to vector<16xi32>
      %xor3A_1803 = arith.xori %iota3A, %xor3A_1802 : vector<16xi32>
      %lt3A_1804 = arith.constant 0 : i32
      %lt3A_1805 = vector.broadcast %lt3A_1804 : i32 to vector<16xi32>
      %lt3A_1806 = arith.cmpi slt, %xor3A_1803, %lt3A_1805 : vector<16xi32>
      %add3A_1807 = arith.constant 16 : i32
      %add3A_1808 = vector.broadcast %add3A_1807 : i32 to vector<16xi32>
      %add3A_1809 = arith.addi %xor3A_1803, %add3A_1808 : vector<16xi32>
      %select_n3A_1810 = arith.select %lt3A_1806, %add3A_1809, %xor3A_1803 : vector<16xi1>, vector<16xi32>
      %broadcast_in_dim3A_1811 = vector.shape_cast %select_n3A_1810 : vector<16xi32> to vector<16x1xi32>
      %gather3A_1812 = vector.shape_cast %broadcast_in_dim3A_1811 : vector<16x1xi32> to vector<16xi32>
      %gather3A_1813 = tpu.dynamic_gather %add3A_1800[%gather3A_1812] in [0] : vector<16xf32>, vector<16xi32> -> vector<16xf32>
      %add3A_1814 = arith.addf %add3A_1800, %gather3A_1813 : vector<16xf32>
      %select_n3A_1815 = arith.select %eq3A_1753, %add3A_1814, %select_n3A_1677 : vector<16xi1>, vector<16xf32>
      %mul3A_1816 = arith.constant 16 : i32
      %mul3A_1817 = arith.muli %scan3A_24, %mul3A_1816 : i32
      %add3A_1818 = arith.constant 13 : i32
      %add3A_1819 = arith.addi %mul3A_1817, %add3A_1818 : i32
      %get3A_1820 = arith.index_cast %add3A_1819 : i32 to index
      %get3A_1821 = arith.constant 0 : index
      %get3A_1822 = tpu.vector_load %arg12[%get3A_1820, %get3A_1821] {strides = array<i32>} : memref<128x128xf32, #tpu.memory_space<vmem>>, vector<1x16xf32>,
      %get3A_1823 = vector.shape_cast %get3A_1822 : vector<1x16xf32> to vector<16xf32>
      %eq3A_1824 = arith.constant 13 : i32
      %eq3A_1825 = vector.broadcast %eq3A_1824 : i32 to vector<16xi32>
      %eq3A_1826 = arith.cmpi eq, %iota3A, %eq3A_1825 : vector<16xi32>
      %get3A_1827 = arith.index_cast %add3A_1819 : i32 to index
      %get3A_1828 = arith.constant 0 : index
      %get3A_1829 = tpu.vector_load %arg13[%get3A_1827, %get3A_1828] {strides = array<i32>} : memref<128x128xf32, #tpu.memory_space<vmem>>, vector<1x16xf32>,
      %get3A_1830 = vector.shape_cast %get3A_1829 : vector<1x16xf32> to vector<16xf32>
      %mul3A_1831 = arith.mulf %get3A_1823, %get3A_1830 : vector<16xf32>
      %xor3A_1832 = arith.constant 8 : i32
      %xor3A_1833 = vector.broadcast %xor3A_1832 : i32 to vector<16xi32>
      %xor3A_1834 = arith.xori %iota3A, %xor3A_1833 : vector<16xi32>
      %lt3A_1835 = arith.constant 0 : i32
      %lt3A_1836 = vector.broadcast %lt3A_1835 : i32 to vector<16xi32>
      %lt3A_1837 = arith.cmpi slt, %xor3A_1834, %lt3A_1836 : vector<16xi32>
      %add3A_1838 = arith.constant 16 : i32
      %add3A_1839 = vector.broadcast %add3A_1838 : i32 to vector<16xi32>
      %add3A_1840 = arith.addi %xor3A_1834, %add3A_1839 : vector<16xi32>
      %select_n3A_1841 = arith.select %lt3A_1837, %add3A_1840, %xor3A_1834 : vector<16xi1>, vector<16xi32>
      %broadcast_in_dim3A_1842 = vector.shape_cast %select_n3A_1841 : vector<16xi32> to vector<16x1xi32>
      %gather3A_1843 = vector.shape_cast %broadcast_in_dim3A_1842 : vector<16x1xi32> to vector<16xi32>
      %gather3A_1844 = tpu.dynamic_gather %mul3A_1831[%gather3A_1843] in [0] : vector<16xf32>, vector<16xi32> -> vector<16xf32>
      %add3A_1845 = arith.addf %mul3A_1831, %gather3A_1844 : vector<16xf32>
      %xor3A_1846 = arith.constant 4 : i32
      %xor3A_1847 = vector.broadcast %xor3A_1846 : i32 to vector<16xi32>
      %xor3A_1848 = arith.xori %iota3A, %xor3A_1847 : vector<16xi32>
      %lt3A_1849 = arith.constant 0 : i32
      %lt3A_1850 = vector.broadcast %lt3A_1849 : i32 to vector<16xi32>
      %lt3A_1851 = arith.cmpi slt, %xor3A_1848, %lt3A_1850 : vector<16xi32>
      %add3A_1852 = arith.constant 16 : i32
      %add3A_1853 = vector.broadcast %add3A_1852 : i32 to vector<16xi32>
      %add3A_1854 = arith.addi %xor3A_1848, %add3A_1853 : vector<16xi32>
      %select_n3A_1855 = arith.select %lt3A_1851, %add3A_1854, %xor3A_1848 : vector<16xi1>, vector<16xi32>
      %broadcast_in_dim3A_1856 = vector.shape_cast %select_n3A_1855 : vector<16xi32> to vector<16x1xi32>
      %gather3A_1857 = vector.shape_cast %broadcast_in_dim3A_1856 : vector<16x1xi32> to vector<16xi32>
      %gather3A_1858 = tpu.dynamic_gather %add3A_1845[%gather3A_1857] in [0] : vector<16xf32>, vector<16xi32> -> vector<16xf32>
      %add3A_1859 = arith.addf %add3A_1845, %gather3A_1858 : vector<16xf32>
      %xor3A_1860 = arith.constant 2 : i32
      %xor3A_1861 = vector.broadcast %xor3A_1860 : i32 to vector<16xi32>
      %xor3A_1862 = arith.xori %iota3A, %xor3A_1861 : vector<16xi32>
      %lt3A_1863 = arith.constant 0 : i32
      %lt3A_1864 = vector.broadcast %lt3A_1863 : i32 to vector<16xi32>
      %lt3A_1865 = arith.cmpi slt, %xor3A_1862, %lt3A_1864 : vector<16xi32>
      %add3A_1866 = arith.constant 16 : i32
      %add3A_1867 = vector.broadcast %add3A_1866 : i32 to vector<16xi32>
      %add3A_1868 = arith.addi %xor3A_1862, %add3A_1867 : vector<16xi32>
      %select_n3A_1869 = arith.select %lt3A_1865, %add3A_1868, %xor3A_1862 : vector<16xi1>, vector<16xi32>
      %broadcast_in_dim3A_1870 = vector.shape_cast %select_n3A_1869 : vector<16xi32> to vector<16x1xi32>
      %gather3A_1871 = vector.shape_cast %broadcast_in_dim3A_1870 : vector<16x1xi32> to vector<16xi32>
      %gather3A_1872 = tpu.dynamic_gather %add3A_1859[%gather3A_1871] in [0] : vector<16xf32>, vector<16xi32> -> vector<16xf32>
      %add3A_1873 = arith.addf %add3A_1859, %gather3A_1872 : vector<16xf32>
      %xor3A_1874 = arith.constant 1 : i32
      %xor3A_1875 = vector.broadcast %xor3A_1874 : i32 to vector<16xi32>
      %xor3A_1876 = arith.xori %iota3A, %xor3A_1875 : vector<16xi32>
      %lt3A_1877 = arith.constant 0 : i32
      %lt3A_1878 = vector.broadcast %lt3A_1877 : i32 to vector<16xi32>
      %lt3A_1879 = arith.cmpi slt, %xor3A_1876, %lt3A_1878 : vector<16xi32>
      %add3A_1880 = arith.constant 16 : i32
      %add3A_1881 = vector.broadcast %add3A_1880 : i32 to vector<16xi32>
      %add3A_1882 = arith.addi %xor3A_1876, %add3A_1881 : vector<16xi32>
      %select_n3A_1883 = arith.select %lt3A_1879, %add3A_1882, %xor3A_1876 : vector<16xi1>, vector<16xi32>
      %broadcast_in_dim3A_1884 = vector.shape_cast %select_n3A_1883 : vector<16xi32> to vector<16x1xi32>
      %gather3A_1885 = vector.shape_cast %broadcast_in_dim3A_1884 : vector<16x1xi32> to vector<16xi32>
      %gather3A_1886 = tpu.dynamic_gather %add3A_1873[%gather3A_1885] in [0] : vector<16xf32>, vector<16xi32> -> vector<16xf32>
      %add3A_1887 = arith.addf %add3A_1873, %gather3A_1886 : vector<16xf32>
      %select_n3A_1888 = arith.select %eq3A_1826, %add3A_1887, %select_n3A_1750 : vector<16xi1>, vector<16xf32>
      %eq3A_1889 = arith.constant 13 : i32
      %eq3A_1890 = vector.broadcast %eq3A_1889 : i32 to vector<16xi32>
      %eq3A_1891 = arith.cmpi eq, %iota3A, %eq3A_1890 : vector<16xi32>
      %get3A_1892 = arith.index_cast %add3A_1819 : i32 to index
      %get3A_1893 = arith.constant 0 : index
      %get3A_1894 = tpu.vector_load %arg14[%get3A_1892, %get3A_1893] {strides = array<i32>} : memref<128x128xf32, #tpu.memory_space<vmem>>, vector<1x16xf32>,
      %get3A_1895 = vector.shape_cast %get3A_1894 : vector<1x16xf32> to vector<16xf32>
      %mul3A_1896 = arith.mulf %get3A_1823, %get3A_1895 : vector<16xf32>
      %xor3A_1897 = arith.constant 8 : i32
      %xor3A_1898 = vector.broadcast %xor3A_1897 : i32 to vector<16xi32>
      %xor3A_1899 = arith.xori %iota3A, %xor3A_1898 : vector<16xi32>
      %lt3A_1900 = arith.constant 0 : i32
      %lt3A_1901 = vector.broadcast %lt3A_1900 : i32 to vector<16xi32>
      %lt3A_1902 = arith.cmpi slt, %xor3A_1899, %lt3A_1901 : vector<16xi32>
      %add3A_1903 = arith.constant 16 : i32
      %add3A_1904 = vector.broadcast %add3A_1903 : i32 to vector<16xi32>
      %add3A_1905 = arith.addi %xor3A_1899, %add3A_1904 : vector<16xi32>
      %select_n3A_1906 = arith.select %lt3A_1902, %add3A_1905, %xor3A_1899 : vector<16xi1>, vector<16xi32>
      %broadcast_in_dim3A_1907 = vector.shape_cast %select_n3A_1906 : vector<16xi32> to vector<16x1xi32>
      %gather3A_1908 = vector.shape_cast %broadcast_in_dim3A_1907 : vector<16x1xi32> to vector<16xi32>
      %gather3A_1909 = tpu.dynamic_gather %mul3A_1896[%gather3A_1908] in [0] : vector<16xf32>, vector<16xi32> -> vector<16xf32>
      %add3A_1910 = arith.addf %mul3A_1896, %gather3A_1909 : vector<16xf32>
      %xor3A_1911 = arith.constant 4 : i32
      %xor3A_1912 = vector.broadcast %xor3A_1911 : i32 to vector<16xi32>
      %xor3A_1913 = arith.xori %iota3A, %xor3A_1912 : vector<16xi32>
      %lt3A_1914 = arith.constant 0 : i32
      %lt3A_1915 = vector.broadcast %lt3A_1914 : i32 to vector<16xi32>
      %lt3A_1916 = arith.cmpi slt, %xor3A_1913, %lt3A_1915 : vector<16xi32>
      %add3A_1917 = arith.constant 16 : i32
      %add3A_1918 = vector.broadcast %add3A_1917 : i32 to vector<16xi32>
      %add3A_1919 = arith.addi %xor3A_1913, %add3A_1918 : vector<16xi32>
      %select_n3A_1920 = arith.select %lt3A_1916, %add3A_1919, %xor3A_1913 : vector<16xi1>, vector<16xi32>
      %broadcast_in_dim3A_1921 = vector.shape_cast %select_n3A_1920 : vector<16xi32> to vector<16x1xi32>
      %gather3A_1922 = vector.shape_cast %broadcast_in_dim3A_1921 : vector<16x1xi32> to vector<16xi32>
      %gather3A_1923 = tpu.dynamic_gather %add3A_1910[%gather3A_1922] in [0] : vector<16xf32>, vector<16xi32> -> vector<16xf32>
      %add3A_1924 = arith.addf %add3A_1910, %gather3A_1923 : vector<16xf32>
      %xor3A_1925 = arith.constant 2 : i32
      %xor3A_1926 = vector.broadcast %xor3A_1925 : i32 to vector<16xi32>
      %xor3A_1927 = arith.xori %iota3A, %xor3A_1926 : vector<16xi32>
      %lt3A_1928 = arith.constant 0 : i32
      %lt3A_1929 = vector.broadcast %lt3A_1928 : i32 to vector<16xi32>
      %lt3A_1930 = arith.cmpi slt, %xor3A_1927, %lt3A_1929 : vector<16xi32>
      %add3A_1931 = arith.constant 16 : i32
      %add3A_1932 = vector.broadcast %add3A_1931 : i32 to vector<16xi32>
      %add3A_1933 = arith.addi %xor3A_1927, %add3A_1932 : vector<16xi32>
      %select_n3A_1934 = arith.select %lt3A_1930, %add3A_1933, %xor3A_1927 : vector<16xi1>, vector<16xi32>
      %broadcast_in_dim3A_1935 = vector.shape_cast %select_n3A_1934 : vector<16xi32> to vector<16x1xi32>
      %gather3A_1936 = vector.shape_cast %broadcast_in_dim3A_1935 : vector<16x1xi32> to vector<16xi32>
      %gather3A_1937 = tpu.dynamic_gather %add3A_1924[%gather3A_1936] in [0] : vector<16xf32>, vector<16xi32> -> vector<16xf32>
      %add3A_1938 = arith.addf %add3A_1924, %gather3A_1937 : vector<16xf32>
      %xor3A_1939 = arith.constant 1 : i32
      %xor3A_1940 = vector.broadcast %xor3A_1939 : i32 to vector<16xi32>
      %xor3A_1941 = arith.xori %iota3A, %xor3A_1940 : vector<16xi32>
      %lt3A_1942 = arith.constant 0 : i32
      %lt3A_1943 = vector.broadcast %lt3A_1942 : i32 to vector<16xi32>
      %lt3A_1944 = arith.cmpi slt, %xor3A_1941, %lt3A_1943 : vector<16xi32>
      %add3A_1945 = arith.constant 16 : i32
      %add3A_1946 = vector.broadcast %add3A_1945 : i32 to vector<16xi32>
      %add3A_1947 = arith.addi %xor3A_1941, %add3A_1946 : vector<16xi32>
      %select_n3A_1948 = arith.select %lt3A_1944, %add3A_1947, %xor3A_1941 : vector<16xi1>, vector<16xi32>
      %broadcast_in_dim3A_1949 = vector.shape_cast %select_n3A_1948 : vector<16xi32> to vector<16x1xi32>
      %gather3A_1950 = vector.shape_cast %broadcast_in_dim3A_1949 : vector<16x1xi32> to vector<16xi32>
      %gather3A_1951 = tpu.dynamic_gather %add3A_1938[%gather3A_1950] in [0] : vector<16xf32>, vector<16xi32> -> vector<16xf32>
      %add3A_1952 = arith.addf %add3A_1938, %gather3A_1951 : vector<16xf32>
      %select_n3A_1953 = arith.select %eq3A_1891, %add3A_1952, %select_n3A_1815 : vector<16xi1>, vector<16xf32>
      %mul3A_1954 = arith.constant 16 : i32
      %mul3A_1955 = arith.muli %scan3A_24, %mul3A_1954 : i32
      %add3A_1956 = arith.constant 14 : i32
      %add3A_1957 = arith.addi %mul3A_1955, %add3A_1956 : i32
      %get3A_1958 = arith.index_cast %add3A_1957 : i32 to index
      %get3A_1959 = arith.constant 0 : index
      %get3A_1960 = tpu.vector_load %arg12[%get3A_1958, %get3A_1959] {strides = array<i32>} : memref<128x128xf32, #tpu.memory_space<vmem>>, vector<1x16xf32>,
      %get3A_1961 = vector.shape_cast %get3A_1960 : vector<1x16xf32> to vector<16xf32>
      %eq3A_1962 = arith.constant 14 : i32
      %eq3A_1963 = vector.broadcast %eq3A_1962 : i32 to vector<16xi32>
      %eq3A_1964 = arith.cmpi eq, %iota3A, %eq3A_1963 : vector<16xi32>
      %get3A_1965 = arith.index_cast %add3A_1957 : i32 to index
      %get3A_1966 = arith.constant 0 : index
      %get3A_1967 = tpu.vector_load %arg13[%get3A_1965, %get3A_1966] {strides = array<i32>} : memref<128x128xf32, #tpu.memory_space<vmem>>, vector<1x16xf32>,
      %get3A_1968 = vector.shape_cast %get3A_1967 : vector<1x16xf32> to vector<16xf32>
      %mul3A_1969 = arith.mulf %get3A_1961, %get3A_1968 : vector<16xf32>
      %xor3A_1970 = arith.constant 8 : i32
      %xor3A_1971 = vector.broadcast %xor3A_1970 : i32 to vector<16xi32>
      %xor3A_1972 = arith.xori %iota3A, %xor3A_1971 : vector<16xi32>
      %lt3A_1973 = arith.constant 0 : i32
      %lt3A_1974 = vector.broadcast %lt3A_1973 : i32 to vector<16xi32>
      %lt3A_1975 = arith.cmpi slt, %xor3A_1972, %lt3A_1974 : vector<16xi32>
      %add3A_1976 = arith.constant 16 : i32
      %add3A_1977 = vector.broadcast %add3A_1976 : i32 to vector<16xi32>
      %add3A_1978 = arith.addi %xor3A_1972, %add3A_1977 : vector<16xi32>
      %select_n3A_1979 = arith.select %lt3A_1975, %add3A_1978, %xor3A_1972 : vector<16xi1>, vector<16xi32>
      %broadcast_in_dim3A_1980 = vector.shape_cast %select_n3A_1979 : vector<16xi32> to vector<16x1xi32>
      %gather3A_1981 = vector.shape_cast %broadcast_in_dim3A_1980 : vector<16x1xi32> to vector<16xi32>
      %gather3A_1982 = tpu.dynamic_gather %mul3A_1969[%gather3A_1981] in [0] : vector<16xf32>, vector<16xi32> -> vector<16xf32>
      %add3A_1983 = arith.addf %mul3A_1969, %gather3A_1982 : vector<16xf32>
      %xor3A_1984 = arith.constant 4 : i32
      %xor3A_1985 = vector.broadcast %xor3A_1984 : i32 to vector<16xi32>
      %xor3A_1986 = arith.xori %iota3A, %xor3A_1985 : vector<16xi32>
      %lt3A_1987 = arith.constant 0 : i32
      %lt3A_1988 = vector.broadcast %lt3A_1987 : i32 to vector<16xi32>
      %lt3A_1989 = arith.cmpi slt, %xor3A_1986, %lt3A_1988 : vector<16xi32>
      %add3A_1990 = arith.constant 16 : i32
      %add3A_1991 = vector.broadcast %add3A_1990 : i32 to vector<16xi32>
      %add3A_1992 = arith.addi %xor3A_1986, %add3A_1991 : vector<16xi32>
      %select_n3A_1993 = arith.select %lt3A_1989, %add3A_1992, %xor3A_1986 : vector<16xi1>, vector<16xi32>
      %broadcast_in_dim3A_1994 = vector.shape_cast %select_n3A_1993 : vector<16xi32> to vector<16x1xi32>
      %gather3A_1995 = vector.shape_cast %broadcast_in_dim3A_1994 : vector<16x1xi32> to vector<16xi32>
      %gather3A_1996 = tpu.dynamic_gather %add3A_1983[%gather3A_1995] in [0] : vector<16xf32>, vector<16xi32> -> vector<16xf32>
      %add3A_1997 = arith.addf %add3A_1983, %gather3A_1996 : vector<16xf32>
      %xor3A_1998 = arith.constant 2 : i32
      %xor3A_1999 = vector.broadcast %xor3A_1998 : i32 to vector<16xi32>
      %xor3A_2000 = arith.xori %iota3A, %xor3A_1999 : vector<16xi32>
      %lt3A_2001 = arith.constant 0 : i32
      %lt3A_2002 = vector.broadcast %lt3A_2001 : i32 to vector<16xi32>
      %lt3A_2003 = arith.cmpi slt, %xor3A_2000, %lt3A_2002 : vector<16xi32>
      %add3A_2004 = arith.constant 16 : i32
      %add3A_2005 = vector.broadcast %add3A_2004 : i32 to vector<16xi32>
      %add3A_2006 = arith.addi %xor3A_2000, %add3A_2005 : vector<16xi32>
      %select_n3A_2007 = arith.select %lt3A_2003, %add3A_2006, %xor3A_2000 : vector<16xi1>, vector<16xi32>
      %broadcast_in_dim3A_2008 = vector.shape_cast %select_n3A_2007 : vector<16xi32> to vector<16x1xi32>
      %gather3A_2009 = vector.shape_cast %broadcast_in_dim3A_2008 : vector<16x1xi32> to vector<16xi32>
      %gather3A_2010 = tpu.dynamic_gather %add3A_1997[%gather3A_2009] in [0] : vector<16xf32>, vector<16xi32> -> vector<16xf32>
      %add3A_2011 = arith.addf %add3A_1997, %gather3A_2010 : vector<16xf32>
      %xor3A_2012 = arith.constant 1 : i32
      %xor3A_2013 = vector.broadcast %xor3A_2012 : i32 to vector<16xi32>
      %xor3A_2014 = arith.xori %iota3A, %xor3A_2013 : vector<16xi32>
      %lt3A_2015 = arith.constant 0 : i32
      %lt3A_2016 = vector.broadcast %lt3A_2015 : i32 to vector<16xi32>
      %lt3A_2017 = arith.cmpi slt, %xor3A_2014, %lt3A_2016 : vector<16xi32>
      %add3A_2018 = arith.constant 16 : i32
      %add3A_2019 = vector.broadcast %add3A_2018 : i32 to vector<16xi32>
      %add3A_2020 = arith.addi %xor3A_2014, %add3A_2019 : vector<16xi32>
      %select_n3A_2021 = arith.select %lt3A_2017, %add3A_2020, %xor3A_2014 : vector<16xi1>, vector<16xi32>
      %broadcast_in_dim3A_2022 = vector.shape_cast %select_n3A_2021 : vector<16xi32> to vector<16x1xi32>
      %gather3A_2023 = vector.shape_cast %broadcast_in_dim3A_2022 : vector<16x1xi32> to vector<16xi32>
      %gather3A_2024 = tpu.dynamic_gather %add3A_2011[%gather3A_2023] in [0] : vector<16xf32>, vector<16xi32> -> vector<16xf32>
      %add3A_2025 = arith.addf %add3A_2011, %gather3A_2024 : vector<16xf32>
      %select_n3A_2026 = arith.select %eq3A_1964, %add3A_2025, %select_n3A_1888 : vector<16xi1>, vector<16xf32>
      %eq3A_2027 = arith.constant 14 : i32
      %eq3A_2028 = vector.broadcast %eq3A_2027 : i32 to vector<16xi32>
      %eq3A_2029 = arith.cmpi eq, %iota3A, %eq3A_2028 : vector<16xi32>
      %get3A_2030 = arith.index_cast %add3A_1957 : i32 to index
      %get3A_2031 = arith.constant 0 : index
      %get3A_2032 = tpu.vector_load %arg14[%get3A_2030, %get3A_2031] {strides = array<i32>} : memref<128x128xf32, #tpu.memory_space<vmem>>, vector<1x16xf32>,
      %get3A_2033 = vector.shape_cast %get3A_2032 : vector<1x16xf32> to vector<16xf32>
      %mul3A_2034 = arith.mulf %get3A_1961, %get3A_2033 : vector<16xf32>
      %xor3A_2035 = arith.constant 8 : i32
      %xor3A_2036 = vector.broadcast %xor3A_2035 : i32 to vector<16xi32>
      %xor3A_2037 = arith.xori %iota3A, %xor3A_2036 : vector<16xi32>
      %lt3A_2038 = arith.constant 0 : i32
      %lt3A_2039 = vector.broadcast %lt3A_2038 : i32 to vector<16xi32>
      %lt3A_2040 = arith.cmpi slt, %xor3A_2037, %lt3A_2039 : vector<16xi32>
      %add3A_2041 = arith.constant 16 : i32
      %add3A_2042 = vector.broadcast %add3A_2041 : i32 to vector<16xi32>
      %add3A_2043 = arith.addi %xor3A_2037, %add3A_2042 : vector<16xi32>
      %select_n3A_2044 = arith.select %lt3A_2040, %add3A_2043, %xor3A_2037 : vector<16xi1>, vector<16xi32>
      %broadcast_in_dim3A_2045 = vector.shape_cast %select_n3A_2044 : vector<16xi32> to vector<16x1xi32>
      %gather3A_2046 = vector.shape_cast %broadcast_in_dim3A_2045 : vector<16x1xi32> to vector<16xi32>
      %gather3A_2047 = tpu.dynamic_gather %mul3A_2034[%gather3A_2046] in [0] : vector<16xf32>, vector<16xi32> -> vector<16xf32>
      %add3A_2048 = arith.addf %mul3A_2034, %gather3A_2047 : vector<16xf32>
      %xor3A_2049 = arith.constant 4 : i32
      %xor3A_2050 = vector.broadcast %xor3A_2049 : i32 to vector<16xi32>
      %xor3A_2051 = arith.xori %iota3A, %xor3A_2050 : vector<16xi32>
      %lt3A_2052 = arith.constant 0 : i32
      %lt3A_2053 = vector.broadcast %lt3A_2052 : i32 to vector<16xi32>
      %lt3A_2054 = arith.cmpi slt, %xor3A_2051, %lt3A_2053 : vector<16xi32>
      %add3A_2055 = arith.constant 16 : i32
      %add3A_2056 = vector.broadcast %add3A_2055 : i32 to vector<16xi32>
      %add3A_2057 = arith.addi %xor3A_2051, %add3A_2056 : vector<16xi32>
      %select_n3A_2058 = arith.select %lt3A_2054, %add3A_2057, %xor3A_2051 : vector<16xi1>, vector<16xi32>
      %broadcast_in_dim3A_2059 = vector.shape_cast %select_n3A_2058 : vector<16xi32> to vector<16x1xi32>
      %gather3A_2060 = vector.shape_cast %broadcast_in_dim3A_2059 : vector<16x1xi32> to vector<16xi32>
      %gather3A_2061 = tpu.dynamic_gather %add3A_2048[%gather3A_2060] in [0] : vector<16xf32>, vector<16xi32> -> vector<16xf32>
      %add3A_2062 = arith.addf %add3A_2048, %gather3A_2061 : vector<16xf32>
      %xor3A_2063 = arith.constant 2 : i32
      %xor3A_2064 = vector.broadcast %xor3A_2063 : i32 to vector<16xi32>
      %xor3A_2065 = arith.xori %iota3A, %xor3A_2064 : vector<16xi32>
      %lt3A_2066 = arith.constant 0 : i32
      %lt3A_2067 = vector.broadcast %lt3A_2066 : i32 to vector<16xi32>
      %lt3A_2068 = arith.cmpi slt, %xor3A_2065, %lt3A_2067 : vector<16xi32>
      %add3A_2069 = arith.constant 16 : i32
      %add3A_2070 = vector.broadcast %add3A_2069 : i32 to vector<16xi32>
      %add3A_2071 = arith.addi %xor3A_2065, %add3A_2070 : vector<16xi32>
      %select_n3A_2072 = arith.select %lt3A_2068, %add3A_2071, %xor3A_2065 : vector<16xi1>, vector<16xi32>
      %broadcast_in_dim3A_2073 = vector.shape_cast %select_n3A_2072 : vector<16xi32> to vector<16x1xi32>
      %gather3A_2074 = vector.shape_cast %broadcast_in_dim3A_2073 : vector<16x1xi32> to vector<16xi32>
      %gather3A_2075 = tpu.dynamic_gather %add3A_2062[%gather3A_2074] in [0] : vector<16xf32>, vector<16xi32> -> vector<16xf32>
      %add3A_2076 = arith.addf %add3A_2062, %gather3A_2075 : vector<16xf32>
      %xor3A_2077 = arith.constant 1 : i32
      %xor3A_2078 = vector.broadcast %xor3A_2077 : i32 to vector<16xi32>
      %xor3A_2079 = arith.xori %iota3A, %xor3A_2078 : vector<16xi32>
      %lt3A_2080 = arith.constant 0 : i32
      %lt3A_2081 = vector.broadcast %lt3A_2080 : i32 to vector<16xi32>
      %lt3A_2082 = arith.cmpi slt, %xor3A_2079, %lt3A_2081 : vector<16xi32>
      %add3A_2083 = arith.constant 16 : i32
      %add3A_2084 = vector.broadcast %add3A_2083 : i32 to vector<16xi32>
      %add3A_2085 = arith.addi %xor3A_2079, %add3A_2084 : vector<16xi32>
      %select_n3A_2086 = arith.select %lt3A_2082, %add3A_2085, %xor3A_2079 : vector<16xi1>, vector<16xi32>
      %broadcast_in_dim3A_2087 = vector.shape_cast %select_n3A_2086 : vector<16xi32> to vector<16x1xi32>
      %gather3A_2088 = vector.shape_cast %broadcast_in_dim3A_2087 : vector<16x1xi32> to vector<16xi32>
      %gather3A_2089 = tpu.dynamic_gather %add3A_2076[%gather3A_2088] in [0] : vector<16xf32>, vector<16xi32> -> vector<16xf32>
      %add3A_2090 = arith.addf %add3A_2076, %gather3A_2089 : vector<16xf32>
      %select_n3A_2091 = arith.select %eq3A_2029, %add3A_2090, %select_n3A_1953 : vector<16xi1>, vector<16xf32>
      %mul3A_2092 = arith.constant 16 : i32
      %mul3A_2093 = arith.muli %scan3A_24, %mul3A_2092 : i32
      %add3A_2094 = arith.constant 15 : i32
      %add3A_2095 = arith.addi %mul3A_2093, %add3A_2094 : i32
      %get3A_2096 = arith.index_cast %add3A_2095 : i32 to index
      %get3A_2097 = arith.constant 0 : index
      %get3A_2098 = tpu.vector_load %arg12[%get3A_2096, %get3A_2097] {strides = array<i32>} : memref<128x128xf32, #tpu.memory_space<vmem>>, vector<1x16xf32>,
      %get3A_2099 = vector.shape_cast %get3A_2098 : vector<1x16xf32> to vector<16xf32>
      %eq3A_2100 = arith.constant 15 : i32
      %eq3A_2101 = vector.broadcast %eq3A_2100 : i32 to vector<16xi32>
      %eq3A_2102 = arith.cmpi eq, %iota3A, %eq3A_2101 : vector<16xi32>
      %get3A_2103 = arith.index_cast %add3A_2095 : i32 to index
      %get3A_2104 = arith.constant 0 : index
      %get3A_2105 = tpu.vector_load %arg13[%get3A_2103, %get3A_2104] {strides = array<i32>} : memref<128x128xf32, #tpu.memory_space<vmem>>, vector<1x16xf32>,
      %get3A_2106 = vector.shape_cast %get3A_2105 : vector<1x16xf32> to vector<16xf32>
      %mul3A_2107 = arith.mulf %get3A_2099, %get3A_2106 : vector<16xf32>
      %xor3A_2108 = arith.constant 8 : i32
      %xor3A_2109 = vector.broadcast %xor3A_2108 : i32 to vector<16xi32>
      %xor3A_2110 = arith.xori %iota3A, %xor3A_2109 : vector<16xi32>
      %lt3A_2111 = arith.constant 0 : i32
      %lt3A_2112 = vector.broadcast %lt3A_2111 : i32 to vector<16xi32>
      %lt3A_2113 = arith.cmpi slt, %xor3A_2110, %lt3A_2112 : vector<16xi32>
      %add3A_2114 = arith.constant 16 : i32
      %add3A_2115 = vector.broadcast %add3A_2114 : i32 to vector<16xi32>
      %add3A_2116 = arith.addi %xor3A_2110, %add3A_2115 : vector<16xi32>
      %select_n3A_2117 = arith.select %lt3A_2113, %add3A_2116, %xor3A_2110 : vector<16xi1>, vector<16xi32>
      %broadcast_in_dim3A_2118 = vector.shape_cast %select_n3A_2117 : vector<16xi32> to vector<16x1xi32>
      %gather3A_2119 = vector.shape_cast %broadcast_in_dim3A_2118 : vector<16x1xi32> to vector<16xi32>
      %gather3A_2120 = tpu.dynamic_gather %mul3A_2107[%gather3A_2119] in [0] : vector<16xf32>, vector<16xi32> -> vector<16xf32>
      %add3A_2121 = arith.addf %mul3A_2107, %gather3A_2120 : vector<16xf32>
      %xor3A_2122 = arith.constant 4 : i32
      %xor3A_2123 = vector.broadcast %xor3A_2122 : i32 to vector<16xi32>
      %xor3A_2124 = arith.xori %iota3A, %xor3A_2123 : vector<16xi32>
      %lt3A_2125 = arith.constant 0 : i32
      %lt3A_2126 = vector.broadcast %lt3A_2125 : i32 to vector<16xi32>
      %lt3A_2127 = arith.cmpi slt, %xor3A_2124, %lt3A_2126 : vector<16xi32>
      %add3A_2128 = arith.constant 16 : i32
      %add3A_2129 = vector.broadcast %add3A_2128 : i32 to vector<16xi32>
      %add3A_2130 = arith.addi %xor3A_2124, %add3A_2129 : vector<16xi32>
      %select_n3A_2131 = arith.select %lt3A_2127, %add3A_2130, %xor3A_2124 : vector<16xi1>, vector<16xi32>
      %broadcast_in_dim3A_2132 = vector.shape_cast %select_n3A_2131 : vector<16xi32> to vector<16x1xi32>
      %gather3A_2133 = vector.shape_cast %broadcast_in_dim3A_2132 : vector<16x1xi32> to vector<16xi32>
      %gather3A_2134 = tpu.dynamic_gather %add3A_2121[%gather3A_2133] in [0] : vector<16xf32>, vector<16xi32> -> vector<16xf32>
      %add3A_2135 = arith.addf %add3A_2121, %gather3A_2134 : vector<16xf32>
      %xor3A_2136 = arith.constant 2 : i32
      %xor3A_2137 = vector.broadcast %xor3A_2136 : i32 to vector<16xi32>
      %xor3A_2138 = arith.xori %iota3A, %xor3A_2137 : vector<16xi32>
      %lt3A_2139 = arith.constant 0 : i32
      %lt3A_2140 = vector.broadcast %lt3A_2139 : i32 to vector<16xi32>
      %lt3A_2141 = arith.cmpi slt, %xor3A_2138, %lt3A_2140 : vector<16xi32>
      %add3A_2142 = arith.constant 16 : i32
      %add3A_2143 = vector.broadcast %add3A_2142 : i32 to vector<16xi32>
      %add3A_2144 = arith.addi %xor3A_2138, %add3A_2143 : vector<16xi32>
      %select_n3A_2145 = arith.select %lt3A_2141, %add3A_2144, %xor3A_2138 : vector<16xi1>, vector<16xi32>
      %broadcast_in_dim3A_2146 = vector.shape_cast %select_n3A_2145 : vector<16xi32> to vector<16x1xi32>
      %gather3A_2147 = vector.shape_cast %broadcast_in_dim3A_2146 : vector<16x1xi32> to vector<16xi32>
      %gather3A_2148 = tpu.dynamic_gather %add3A_2135[%gather3A_2147] in [0] : vector<16xf32>, vector<16xi32> -> vector<16xf32>
      %add3A_2149 = arith.addf %add3A_2135, %gather3A_2148 : vector<16xf32>
      %xor3A_2150 = arith.constant 1 : i32
      %xor3A_2151 = vector.broadcast %xor3A_2150 : i32 to vector<16xi32>
      %xor3A_2152 = arith.xori %iota3A, %xor3A_2151 : vector<16xi32>
      %lt3A_2153 = arith.constant 0 : i32
      %lt3A_2154 = vector.broadcast %lt3A_2153 : i32 to vector<16xi32>
      %lt3A_2155 = arith.cmpi slt, %xor3A_2152, %lt3A_2154 : vector<16xi32>
      %add3A_2156 = arith.constant 16 : i32
      %add3A_2157 = vector.broadcast %add3A_2156 : i32 to vector<16xi32>
      %add3A_2158 = arith.addi %xor3A_2152, %add3A_2157 : vector<16xi32>
      %select_n3A_2159 = arith.select %lt3A_2155, %add3A_2158, %xor3A_2152 : vector<16xi1>, vector<16xi32>
      %broadcast_in_dim3A_2160 = vector.shape_cast %select_n3A_2159 : vector<16xi32> to vector<16x1xi32>
      %gather3A_2161 = vector.shape_cast %broadcast_in_dim3A_2160 : vector<16x1xi32> to vector<16xi32>
      %gather3A_2162 = tpu.dynamic_gather %add3A_2149[%gather3A_2161] in [0] : vector<16xf32>, vector<16xi32> -> vector<16xf32>
      %add3A_2163 = arith.addf %add3A_2149, %gather3A_2162 : vector<16xf32>
      %select_n3A_2164 = arith.select %eq3A_2102, %add3A_2163, %select_n3A_2026 : vector<16xi1>, vector<16xf32>
      %eq3A_2165 = arith.constant 15 : i32
      %eq3A_2166 = vector.broadcast %eq3A_2165 : i32 to vector<16xi32>
      %eq3A_2167 = arith.cmpi eq, %iota3A, %eq3A_2166 : vector<16xi32>
      %get3A_2168 = arith.index_cast %add3A_2095 : i32 to index
      %get3A_2169 = arith.constant 0 : index
      %get3A_2170 = tpu.vector_load %arg14[%get3A_2168, %get3A_2169] {strides = array<i32>} : memref<128x128xf32, #tpu.memory_space<vmem>>, vector<1x16xf32>,
      %get3A_2171 = vector.shape_cast %get3A_2170 : vector<1x16xf32> to vector<16xf32>
      %mul3A_2172 = arith.mulf %get3A_2099, %get3A_2171 : vector<16xf32>
      %xor3A_2173 = arith.constant 8 : i32
      %xor3A_2174 = vector.broadcast %xor3A_2173 : i32 to vector<16xi32>
      %xor3A_2175 = arith.xori %iota3A, %xor3A_2174 : vector<16xi32>
      %lt3A_2176 = arith.constant 0 : i32
      %lt3A_2177 = vector.broadcast %lt3A_2176 : i32 to vector<16xi32>
      %lt3A_2178 = arith.cmpi slt, %xor3A_2175, %lt3A_2177 : vector<16xi32>
      %add3A_2179 = arith.constant 16 : i32
      %add3A_2180 = vector.broadcast %add3A_2179 : i32 to vector<16xi32>
      %add3A_2181 = arith.addi %xor3A_2175, %add3A_2180 : vector<16xi32>
      %select_n3A_2182 = arith.select %lt3A_2178, %add3A_2181, %xor3A_2175 : vector<16xi1>, vector<16xi32>
      %broadcast_in_dim3A_2183 = vector.shape_cast %select_n3A_2182 : vector<16xi32> to vector<16x1xi32>
      %gather3A_2184 = vector.shape_cast %broadcast_in_dim3A_2183 : vector<16x1xi32> to vector<16xi32>
      %gather3A_2185 = tpu.dynamic_gather %mul3A_2172[%gather3A_2184] in [0] : vector<16xf32>, vector<16xi32> -> vector<16xf32>
      %add3A_2186 = arith.addf %mul3A_2172, %gather3A_2185 : vector<16xf32>
      %xor3A_2187 = arith.constant 4 : i32
      %xor3A_2188 = vector.broadcast %xor3A_2187 : i32 to vector<16xi32>
      %xor3A_2189 = arith.xori %iota3A, %xor3A_2188 : vector<16xi32>
      %lt3A_2190 = arith.constant 0 : i32
      %lt3A_2191 = vector.broadcast %lt3A_2190 : i32 to vector<16xi32>
      %lt3A_2192 = arith.cmpi slt, %xor3A_2189, %lt3A_2191 : vector<16xi32>
      %add3A_2193 = arith.constant 16 : i32
      %add3A_2194 = vector.broadcast %add3A_2193 : i32 to vector<16xi32>
      %add3A_2195 = arith.addi %xor3A_2189, %add3A_2194 : vector<16xi32>
      %select_n3A_2196 = arith.select %lt3A_2192, %add3A_2195, %xor3A_2189 : vector<16xi1>, vector<16xi32>
      %broadcast_in_dim3A_2197 = vector.shape_cast %select_n3A_2196 : vector<16xi32> to vector<16x1xi32>
      %gather3A_2198 = vector.shape_cast %broadcast_in_dim3A_2197 : vector<16x1xi32> to vector<16xi32>
      %gather3A_2199 = tpu.dynamic_gather %add3A_2186[%gather3A_2198] in [0] : vector<16xf32>, vector<16xi32> -> vector<16xf32>
      %add3A_2200 = arith.addf %add3A_2186, %gather3A_2199 : vector<16xf32>
      %xor3A_2201 = arith.constant 2 : i32
      %xor3A_2202 = vector.broadcast %xor3A_2201 : i32 to vector<16xi32>
      %xor3A_2203 = arith.xori %iota3A, %xor3A_2202 : vector<16xi32>
      %lt3A_2204 = arith.constant 0 : i32
      %lt3A_2205 = vector.broadcast %lt3A_2204 : i32 to vector<16xi32>
      %lt3A_2206 = arith.cmpi slt, %xor3A_2203, %lt3A_2205 : vector<16xi32>
      %add3A_2207 = arith.constant 16 : i32
      %add3A_2208 = vector.broadcast %add3A_2207 : i32 to vector<16xi32>
      %add3A_2209 = arith.addi %xor3A_2203, %add3A_2208 : vector<16xi32>
      %select_n3A_2210 = arith.select %lt3A_2206, %add3A_2209, %xor3A_2203 : vector<16xi1>, vector<16xi32>
      %broadcast_in_dim3A_2211 = vector.shape_cast %select_n3A_2210 : vector<16xi32> to vector<16x1xi32>
      %gather3A_2212 = vector.shape_cast %broadcast_in_dim3A_2211 : vector<16x1xi32> to vector<16xi32>
      %gather3A_2213 = tpu.dynamic_gather %add3A_2200[%gather3A_2212] in [0] : vector<16xf32>, vector<16xi32> -> vector<16xf32>
      %add3A_2214 = arith.addf %add3A_2200, %gather3A_2213 : vector<16xf32>
      %xor3A_2215 = arith.constant 1 : i32
      %xor3A_2216 = vector.broadcast %xor3A_2215 : i32 to vector<16xi32>
      %xor3A_2217 = arith.xori %iota3A, %xor3A_2216 : vector<16xi32>
      %lt3A_2218 = arith.constant 0 : i32
      %lt3A_2219 = vector.broadcast %lt3A_2218 : i32 to vector<16xi32>
      %lt3A_2220 = arith.cmpi slt, %xor3A_2217, %lt3A_2219 : vector<16xi32>
      %add3A_2221 = arith.constant 16 : i32
      %add3A_2222 = vector.broadcast %add3A_2221 : i32 to vector<16xi32>
      %add3A_2223 = arith.addi %xor3A_2217, %add3A_2222 : vector<16xi32>
      %select_n3A_2224 = arith.select %lt3A_2220, %add3A_2223, %xor3A_2217 : vector<16xi1>, vector<16xi32>
      %broadcast_in_dim3A_2225 = vector.shape_cast %select_n3A_2224 : vector<16xi32> to vector<16x1xi32>
      %gather3A_2226 = vector.shape_cast %broadcast_in_dim3A_2225 : vector<16x1xi32> to vector<16xi32>
      %gather3A_2227 = tpu.dynamic_gather %add3A_2214[%gather3A_2226] in [0] : vector<16xf32>, vector<16xi32> -> vector<16xf32>
      %add3A_2228 = arith.addf %add3A_2214, %gather3A_2227 : vector<16xf32>
      %select_n3A_2229 = arith.select %eq3A_2167, %add3A_2228, %select_n3A_2091 : vector<16xi1>, vector<16xf32>
      %mul3A_2230 = arith.constant 16 : i32
      %mul3A_2231 = arith.muli %scan3A_24, %mul3A_2230 : i32
      %swap3A = arith.index_cast %mul3A_2231 : i32 to index
      %swap3A_2232 = tpu.vector_load %arg15[%swap3A] {strides = array<i32>} : memref<128xf32, #tpu.memory_space<vmem>>, vector<16xf32>,
      %swap3A_2233 = vector.shape_cast %swap3A_2232 : vector<16xf32> to vector<16xf32>
      %swap3A_2234 = vector.shape_cast %select_n3A_2164 : vector<16xf32> to vector<16xf32>
      tpu.vector_store %arg15[%swap3A], %swap3A_2234 {strides = array<i32>} : memref<128xf32, #tpu.memory_space<vmem>>, vector<16xf32>,
      %mul3A_2235 = arith.constant 16 : i32
      %mul3A_2236 = arith.muli %scan3A_24, %mul3A_2235 : i32
      %swap3A_2237 = arith.index_cast %mul3A_2236 : i32 to index
      %swap3A_2238 = tpu.vector_load %arg16[%swap3A_2237] {strides = array<i32>} : memref<128xf32, #tpu.memory_space<vmem>>, vector<16xf32>,
      %swap3A_2239 = vector.shape_cast %swap3A_2238 : vector<16xf32> to vector<16xf32>
      %swap3A_2240 = vector.shape_cast %select_n3A_2229 : vector<16xf32> to vector<16xf32>
      tpu.vector_store %arg16[%swap3A_2237], %swap3A_2240 {strides = array<i32>} : memref<128xf32, #tpu.memory_space<vmem>>, vector<16xf32>,
    }
    %scan3A_23 = arith.constant 8 : i32
    "tpu.region"() ({
      %run_scoped3A = tpu.sem_alloc : memref<!tpu.dma_semaphore, #tpu.memory_space<semaphore_mem>>
      %dma_start3A_24 = tpu.memref_slice %arg7[%mul3A_2] : memref<4096xf32, #tpu.memory_space<hbm>> -> memref<128xf32, #tpu.memory_space<hbm>>
      %dma_start3A_25 = tpu.memref_slice %arg7[%mul3A_2] : memref<4096xf32, #tpu.memory_space<hbm>> -> memref<128xf32, #tpu.memory_space<hbm>>
      tpu.enqueue_dma source(%arg15 : memref<128xf32, #tpu.memory_space<vmem>>) target(%dma_start3A_25 : memref<128xf32, #tpu.memory_space<hbm>>) target_semaphore(%run_scoped3A : memref<!tpu.dma_semaphore, #tpu.memory_space<semaphore_mem>>)
      %dma_wait3A_26 = tpu.memref_slice %arg7[%mul3A_2] : memref<4096xf32, #tpu.memory_space<hbm>> -> memref<128xf32, #tpu.memory_space<hbm>>
      %dma_wait3A_27 = tpu.memref_slice %arg7[%mul3A_2] : memref<4096xf32, #tpu.memory_space<hbm>> -> memref<128xf32, #tpu.memory_space<hbm>>
      tpu.wait_dma2 semaphore(%run_scoped3A : memref<!tpu.dma_semaphore, #tpu.memory_space<semaphore_mem>>) src(%arg15 : memref<128xf32, #tpu.memory_space<vmem>>) dst(%dma_wait3A_27 : memref<128xf32, #tpu.memory_space<hbm>>)
      tpu.yield
    }) : () -> ()
    "tpu.region"() ({
      %run_scoped3A = tpu.sem_alloc : memref<!tpu.dma_semaphore, #tpu.memory_space<semaphore_mem>>
      %dma_start3A_24 = tpu.memref_slice %arg8[%mul3A_2] : memref<4096xf32, #tpu.memory_space<hbm>> -> memref<128xf32, #tpu.memory_space<hbm>>
      %dma_start3A_25 = tpu.memref_slice %arg8[%mul3A_2] : memref<4096xf32, #tpu.memory_space<hbm>> -> memref<128xf32, #tpu.memory_space<hbm>>
      tpu.enqueue_dma source(%arg16 : memref<128xf32, #tpu.memory_space<vmem>>) target(%dma_start3A_25 : memref<128xf32, #tpu.memory_space<hbm>>) target_semaphore(%run_scoped3A : memref<!tpu.dma_semaphore, #tpu.memory_space<semaphore_mem>>)
      %dma_wait3A_26 = tpu.memref_slice %arg8[%mul3A_2] : memref<4096xf32, #tpu.memory_space<hbm>> -> memref<128xf32, #tpu.memory_space<hbm>>
      %dma_wait3A_27 = tpu.memref_slice %arg8[%mul3A_2] : memref<4096xf32, #tpu.memory_space<hbm>> -> memref<128xf32, #tpu.memory_space<hbm>>
      tpu.wait_dma2 semaphore(%run_scoped3A : memref<!tpu.dma_semaphore, #tpu.memory_space<semaphore_mem>>) src(%arg16 : memref<128xf32, #tpu.memory_space<vmem>>) dst(%dma_wait3A_27 : memref<128xf32, #tpu.memory_space<hbm>>)
      tpu.yield
    }) : () -> ()
    return
  }
}

module attributes {stable_mosaic.version = 14 : i64} {
  func.func @_pass2_body(%arg0: i32, %arg1: memref<400x10000xf32, #tpu.memory_space<vmem>>, %arg2: memref<10000x16xf32, #tpu.memory_space<vmem>>, %arg3: memref<400x16xf32, #tpu.memory_space<vmem>>, %arg4: memref<400x16xf32, #tpu.memory_space<vmem>>, %arg5: memref<10000x16xf32, #tpu.memory_space<vmem>>, %arg6: memref<400x128xf32, #tpu.memory_space<vmem>>, %arg7: memref<10000x128xf32, #tpu.memory_space<vmem>>, %arg8: memref<16x10000xf32, #tpu.memory_space<vmem>>) attributes {dimension_semantics = [#tpu.dimension_semantics<arbitrary>], iteration_bounds = array<i64: 25>, scalar_prefetch = 0 : i64, scratch_operands = 1 : i64, tpu.core_type = #tpu.core_type<tc>, window_params = [{transform_indices = @transform_0, window_bounds = array<i64: 400, 10000>}, {pipeline_mode = #tpu.pipeline_mode<synchronous>, transform_indices = @transform_1, window_bounds = array<i64: 10000, 16>}, {transform_indices = @transform_2, window_bounds = array<i64: 400, 16>}, {transform_indices = @transform_3, window_bounds = array<i64: 400, 16>}, {pipeline_mode = #tpu.pipeline_mode<synchronous>, transform_indices = @transform_4, window_bounds = array<i64: 10000, 16>}, {transform_indices = @transform_5, window_bounds = array<i64: 400, 128>}, {pipeline_mode = #tpu.pipeline_mode<synchronous>, transform_indices = @transform_6, window_bounds = array<i64: 10000, 128>}]} {
    %get3A = arith.constant 0 : index
    %get3A_0 = arith.constant 0 : index
    %get3A_1 = vector.load %arg1[%get3A, %get3A_0] : memref<400x10000xf32, #tpu.memory_space<vmem>>, vector<400x10000xf32>
    %get3A_2 = arith.constant 0 : index
    %get3A_3 = arith.constant 0 : index
    %get3A_4 = vector.load %arg3[%get3A_2, %get3A_3] : memref<400x16xf32, #tpu.memory_space<vmem>>, vector<400x16xf32>
    %get3A_5 = arith.constant 0 : index
    %get3A_6 = arith.constant 0 : index
    %get3A_7 = vector.load %arg2[%get3A_5, %get3A_6] : memref<10000x16xf32, #tpu.memory_space<vmem>>, vector<10000x16xf32>
    %dot_general3A = arith.constant dense<0.000000e+00> : vector<400x16xf32>
    %dot_general3A_8 = tpu.matmul %get3A_1, %get3A_7, %dot_general3A {dimension_numbers = #tpu.dot_dimension_numbers<[1], [0], [0], [1], [0, 0, 1, 1], [], []>, transpose_lhs_hint = false} : vector<400x10000xf32>, vector<10000x16xf32>, vector<400x16xf32> -> vector<400x16xf32>
    %get3A_9 = arith.constant 0 : index
    %get3A_10 = arith.constant 0 : index
    %get3A_11 = vector.load %arg4[%get3A_9, %get3A_10] : memref<400x16xf32, #tpu.memory_space<vmem>>, vector<400x16xf32>
    %add3A = arith.addf %get3A_11, %get3A_4 : vector<400x16xf32>
    %add3A_12 = arith.addf %add3A, %dot_general3A_8 : vector<400x16xf32>
    %mul3A = arith.constant 0.333333343 : f32
    %mul3A_13 = vector.broadcast %mul3A : f32 to vector<400x16xf32>
    %mul3A_14 = arith.mulf %add3A_12, %mul3A_13 : vector<400x16xf32>
    %swap3A = arith.constant 0 : index
    %swap3A_15 = arith.constant 0 : index
    %swap3A_16 = vector.load %arg6[%swap3A, %swap3A_15] : memref<400x128xf32, #tpu.memory_space<vmem>>, vector<400x16xf32>
    tpu.vector_store %arg6[%swap3A, %swap3A_15], %mul3A_14 {strides = array<i32>} : memref<400x128xf32, #tpu.memory_space<vmem>>, vector<400x16xf32>,
    %dot_general3A_17 = arith.constant dense<0.000000e+00> : vector<16x10000xf32>
    %dot_general3A_18 = tpu.matmul %get3A_4, %get3A_1, %dot_general3A_17 {dimension_numbers = #tpu.dot_dimension_numbers<[0], [0], [1], [1], [0, 1, 1, 1], [], []>, transpose_lhs_hint = false} : vector<400x16xf32>, vector<400x10000xf32>, vector<16x10000xf32> -> vector<16x10000xf32>
    %eq3A = arith.constant 0 : i32
    %eq3A_19 = arith.cmpi eq, %arg0, %eq3A : i32
    %convert_element_type3A = arith.extui %eq3A_19 : i1 to i32
    %cond3A = arith.constant 0 : i32
    %cond3A_20 = arith.cmpi ne, %convert_element_type3A, %cond3A : i32
    scf.if %cond3A_20 {
      %swap3A_30 = arith.constant 0 : index
      %swap3A_31 = arith.constant 0 : index
      %swap3A_32 = vector.load %arg8[%swap3A_30, %swap3A_31] : memref<16x10000xf32, #tpu.memory_space<vmem>>, vector<16x10000xf32>
      tpu.vector_store %arg8[%swap3A_30, %swap3A_31], %dot_general3A_18 {strides = array<i32>} : memref<16x10000xf32, #tpu.memory_space<vmem>>, vector<16x10000xf32>,
    } else {
    }
    %gt3A = arith.constant 0 : i32
    %gt3A_21 = arith.cmpi sgt, %arg0, %gt3A : i32
    %convert_element_type3A_22 = arith.extui %gt3A_21 : i1 to i32
    %cond3A_23 = arith.constant 0 : i32
    %cond3A_24 = arith.cmpi ne, %convert_element_type3A_22, %cond3A_23 : i32
    scf.if %cond3A_24 {
      %get3A_30 = arith.constant 0 : index
      %get3A_31 = arith.constant 0 : index
      %get3A_32 = vector.load %arg8[%get3A_30, %get3A_31] : memref<16x10000xf32, #tpu.memory_space<vmem>>, vector<16x10000xf32>
      %add3A_33 = arith.addf %get3A_32, %dot_general3A_18 : vector<16x10000xf32>
      %swap3A_34 = arith.constant 0 : index
      %swap3A_35 = arith.constant 0 : index
      %swap3A_36 = vector.load %arg8[%swap3A_34, %swap3A_35] : memref<16x10000xf32, #tpu.memory_space<vmem>>, vector<16x10000xf32>
      tpu.vector_store %arg8[%swap3A_34, %swap3A_35], %add3A_33 {strides = array<i32>} : memref<16x10000xf32, #tpu.memory_space<vmem>>, vector<16x10000xf32>,
    } else {
    }
    %eq3A_25 = arith.constant 24 : i32
    %eq3A_26 = arith.cmpi eq, %arg0, %eq3A_25 : i32
    %convert_element_type3A_27 = arith.extui %eq3A_26 : i1 to i32
    %cond3A_28 = arith.constant 0 : i32
    %cond3A_29 = arith.cmpi ne, %convert_element_type3A_27, %cond3A_28 : i32
    scf.if %cond3A_29 {
      %get3A_30 = arith.constant 0 : index
      %get3A_31 = arith.constant 0 : index
      %get3A_32 = vector.load %arg8[%get3A_30, %get3A_31] : memref<16x10000xf32, #tpu.memory_space<vmem>>, vector<16x10000xf32>
      %transpose3A = tpu.transpose %get3A_32, [1, 0] : vector<16x10000xf32> -> vector<10000x16xf32>
      %get3A_33 = arith.constant 0 : index
      %get3A_34 = arith.constant 0 : index
      %get3A_35 = vector.load %arg5[%get3A_33, %get3A_34] : memref<10000x16xf32, #tpu.memory_space<vmem>>, vector<10000x16xf32>
      %add3A_36 = arith.addf %transpose3A, %get3A_35 : vector<10000x16xf32>
      %get3A_37 = arith.constant 0 : index
      %get3A_38 = arith.constant 0 : index
      %get3A_39 = vector.load %arg2[%get3A_37, %get3A_38] : memref<10000x16xf32, #tpu.memory_space<vmem>>, vector<10000x16xf32>
      %add3A_40 = arith.addf %add3A_36, %get3A_39 : vector<10000x16xf32>
      %mul3A_41 = arith.constant 0.333333343 : f32
      %mul3A_42 = vector.broadcast %mul3A_41 : f32 to vector<10000x16xf32>
      %mul3A_43 = arith.mulf %add3A_40, %mul3A_42 : vector<10000x16xf32>
      %swap3A_44 = arith.constant 0 : index
      %swap3A_45 = arith.constant 0 : index
      %swap3A_46 = vector.load %arg7[%swap3A_44, %swap3A_45] : memref<10000x128xf32, #tpu.memory_space<vmem>>, vector<10000x16xf32>
      tpu.vector_store %arg7[%swap3A_44, %swap3A_45], %mul3A_43 {strides = array<i32>} : memref<10000x128xf32, #tpu.memory_space<vmem>>, vector<10000x16xf32>,
    } else {
    }
    return
  }
  func.func @transform_0(%arg0: i32) -> (i32, i32) {
    %c0_i32 = arith.constant 0 : i32
    %c0_i32_0 = arith.constant 0 : i32
    return %arg0, %c0_i32 : i32, i32
  }
  func.func @transform_1(%arg0: i32) -> (i32, i32) {
    %c0_i32 = arith.constant 0 : i32
    %c0_i32_0 = arith.constant 0 : i32
    %c0_i32_1 = arith.constant 0 : i32
    return %c0_i32, %c0_i32_0 : i32, i32
  }
  func.func @transform_2(%arg0: i32) -> (i32, i32) {
    %c0_i32 = arith.constant 0 : i32
    %c0_i32_0 = arith.constant 0 : i32
    return %arg0, %c0_i32 : i32, i32
  }
  func.func @transform_3(%arg0: i32) -> (i32, i32) {
    %c0_i32 = arith.constant 0 : i32
    %c0_i32_0 = arith.constant 0 : i32
    return %arg0, %c0_i32 : i32, i32
  }
  func.func @transform_4(%arg0: i32) -> (i32, i32) {
    %c0_i32 = arith.constant 0 : i32
    %c0_i32_0 = arith.constant 0 : i32
    %c0_i32_1 = arith.constant 0 : i32
    return %c0_i32, %c0_i32_0 : i32, i32
  }
  func.func @transform_5(%arg0: i32) -> (i32, i32) {
    %c0_i32 = arith.constant 0 : i32
    %c0_i32_0 = arith.constant 0 : i32
    return %arg0, %c0_i32 : i32, i32
  }
  func.func @transform_6(%arg0: i32) -> (i32, i32) {
    %c0_i32 = arith.constant 0 : i32
    %c0_i32_0 = arith.constant 0 : i32
    %c0_i32_1 = arith.constant 0 : i32
    return %c0_i32, %c0_i32_0 : i32, i32
  }
}

module attributes {stable_mosaic.version = 14 : i64} {
  func.func @_pass1_body(%arg0: i32, %arg1: memref<400x10000xf32, #tpu.memory_space<vmem>>, %arg2: memref<16x10000xf32, #tpu.memory_space<vmem>>, %arg3: memref<16x10000xf32, #tpu.memory_space<vmem>>, %arg4: memref<400x16xf32, #tpu.memory_space<vmem>>, %arg5: memref<10000x16xf32, #tpu.memory_space<vmem>>, %arg6: memref<10000x16xf32, #tpu.memory_space<vmem>>, %arg7: memref<10000x16xf32, #tpu.memory_space<vmem>>, %arg8: memref<16x10000xf32, #tpu.memory_space<vmem>>) attributes {dimension_semantics = [#tpu.dimension_semantics<arbitrary>], iteration_bounds = array<i64: 25>, scalar_prefetch = 0 : i64, scratch_operands = 1 : i64, tpu.core_type = #tpu.core_type<tc>, window_params = [{transform_indices = @transform_0, window_bounds = array<i64: 400, 10000>}, {pipeline_mode = #tpu.pipeline_mode<synchronous>, transform_indices = @transform_1, window_bounds = array<i64: 16, 10000>}, {pipeline_mode = #tpu.pipeline_mode<synchronous>, transform_indices = @transform_2, window_bounds = array<i64: 16, 10000>}, {transform_indices = @transform_3, window_bounds = array<i64: 400, 16>}, {pipeline_mode = #tpu.pipeline_mode<synchronous>, transform_indices = @transform_4, window_bounds = array<i64: 10000, 16>}, {pipeline_mode = #tpu.pipeline_mode<synchronous>, transform_indices = @transform_5, window_bounds = array<i64: 10000, 16>}, {pipeline_mode = #tpu.pipeline_mode<synchronous>, transform_indices = @transform_6, window_bounds = array<i64: 10000, 16>}]} {
    %eq3A = arith.constant 0 : i32
    %eq3A_0 = arith.cmpi eq, %arg0, %eq3A : i32
    %convert_element_type3A = arith.extui %eq3A_0 : i1 to i32
    %cond3A = arith.constant 0 : i32
    %cond3A_1 = arith.cmpi ne, %convert_element_type3A, %cond3A : i32
    scf.if %cond3A_1 {
      %get3A_30 = arith.constant 0 : index
      %get3A_31 = arith.constant 0 : index
      %get3A_32 = vector.load %arg2[%get3A_30, %get3A_31] : memref<16x10000xf32, #tpu.memory_space<vmem>>, vector<16x10000xf32>
      %transpose3A = tpu.transpose %get3A_32, [1, 0] : vector<16x10000xf32> -> vector<10000x16xf32>
      %swap3A_33 = arith.constant 0 : index
      %swap3A_34 = arith.constant 0 : index
      %swap3A_35 = vector.load %arg6[%swap3A_33, %swap3A_34] : memref<10000x16xf32, #tpu.memory_space<vmem>>, vector<10000x16xf32>
      tpu.vector_store %arg6[%swap3A_33, %swap3A_34], %transpose3A {strides = array<i32>} : memref<10000x16xf32, #tpu.memory_space<vmem>>, vector<10000x16xf32>,
      %get3A_36 = arith.constant 0 : index
      %get3A_37 = arith.constant 0 : index
      %get3A_38 = vector.load %arg3[%get3A_36, %get3A_37] : memref<16x10000xf32, #tpu.memory_space<vmem>>, vector<16x10000xf32>
      %transpose3A_39 = tpu.transpose %get3A_38, [1, 0] : vector<16x10000xf32> -> vector<10000x16xf32>
      %swap3A_40 = arith.constant 0 : index
      %swap3A_41 = arith.constant 0 : index
      %swap3A_42 = vector.load %arg7[%swap3A_40, %swap3A_41] : memref<10000x16xf32, #tpu.memory_space<vmem>>, vector<10000x16xf32>
      tpu.vector_store %arg7[%swap3A_40, %swap3A_41], %transpose3A_39 {strides = array<i32>} : memref<10000x16xf32, #tpu.memory_space<vmem>>, vector<10000x16xf32>,
    } else {
    }
    %get3A = arith.constant 0 : index
    %get3A_2 = arith.constant 0 : index
    %get3A_3 = vector.load %arg1[%get3A, %get3A_2] : memref<400x10000xf32, #tpu.memory_space<vmem>>, vector<400x10000xf32>
    %get3A_4 = arith.constant 0 : index
    %get3A_5 = arith.constant 0 : index
    %get3A_6 = vector.load %arg6[%get3A_4, %get3A_5] : memref<10000x16xf32, #tpu.memory_space<vmem>>, vector<10000x16xf32>
    %dot_general3A = arith.constant dense<0.000000e+00> : vector<400x16xf32>
    %dot_general3A_7 = tpu.matmul %get3A_3, %get3A_6, %dot_general3A {dimension_numbers = #tpu.dot_dimension_numbers<[1], [0], [0], [1], [0, 0, 1, 1], [], []>, transpose_lhs_hint = false} : vector<400x10000xf32>, vector<10000x16xf32>, vector<400x16xf32> -> vector<400x16xf32>
    %swap3A = arith.constant 0 : index
    %swap3A_8 = arith.constant 0 : index
    %swap3A_9 = vector.load %arg4[%swap3A, %swap3A_8] : memref<400x16xf32, #tpu.memory_space<vmem>>, vector<400x16xf32>
    tpu.vector_store %arg4[%swap3A, %swap3A_8], %dot_general3A_7 {strides = array<i32>} : memref<400x16xf32, #tpu.memory_space<vmem>>, vector<400x16xf32>,
    %mul3A = arith.constant 400 : i32
    %mul3A_10 = arith.muli %arg0, %mul3A : i32
    %get3A_11 = arith.index_cast %mul3A_10 : i32 to index
    %get3A_12 = arith.constant 0 : index
    %get3A_13 = vector.load %arg7[%get3A_11, %get3A_12] : memref<10000x16xf32, #tpu.memory_space<vmem>>, vector<400x16xf32>
    %dot_general3A_14 = arith.constant dense<0.000000e+00> : vector<16x10000xf32>
    %dot_general3A_15 = tpu.matmul %get3A_13, %get3A_3, %dot_general3A_14 {dimension_numbers = #tpu.dot_dimension_numbers<[0], [0], [1], [1], [0, 1, 1, 1], [], []>, transpose_lhs_hint = false} : vector<400x16xf32>, vector<400x10000xf32>, vector<16x10000xf32> -> vector<16x10000xf32>
    %eq3A_16 = arith.constant 0 : i32
    %eq3A_17 = arith.cmpi eq, %arg0, %eq3A_16 : i32
    %convert_element_type3A_18 = arith.extui %eq3A_17 : i1 to i32
    %cond3A_19 = arith.constant 0 : i32
    %cond3A_20 = arith.cmpi ne, %convert_element_type3A_18, %cond3A_19 : i32
    scf.if %cond3A_20 {
      %swap3A_30 = arith.constant 0 : index
      %swap3A_31 = arith.constant 0 : index
      %swap3A_32 = vector.load %arg8[%swap3A_30, %swap3A_31] : memref<16x10000xf32, #tpu.memory_space<vmem>>, vector<16x10000xf32>
      tpu.vector_store %arg8[%swap3A_30, %swap3A_31], %dot_general3A_15 {strides = array<i32>} : memref<16x10000xf32, #tpu.memory_space<vmem>>, vector<16x10000xf32>,
    } else {
    }
    %gt3A = arith.constant 0 : i32
    %gt3A_21 = arith.cmpi sgt, %arg0, %gt3A : i32
    %convert_element_type3A_22 = arith.extui %gt3A_21 : i1 to i32
    %cond3A_23 = arith.constant 0 : i32
    %cond3A_24 = arith.cmpi ne, %convert_element_type3A_22, %cond3A_23 : i32
    scf.if %cond3A_24 {
      %get3A_30 = arith.constant 0 : index
      %get3A_31 = arith.constant 0 : index
      %get3A_32 = vector.load %arg8[%get3A_30, %get3A_31] : memref<16x10000xf32, #tpu.memory_space<vmem>>, vector<16x10000xf32>
      %add3A = arith.addf %get3A_32, %dot_general3A_15 : vector<16x10000xf32>
      %swap3A_33 = arith.constant 0 : index
      %swap3A_34 = arith.constant 0 : index
      %swap3A_35 = vector.load %arg8[%swap3A_33, %swap3A_34] : memref<16x10000xf32, #tpu.memory_space<vmem>>, vector<16x10000xf32>
      tpu.vector_store %arg8[%swap3A_33, %swap3A_34], %add3A {strides = array<i32>} : memref<16x10000xf32, #tpu.memory_space<vmem>>, vector<16x10000xf32>,
    } else {
    }
    %eq3A_25 = arith.constant 24 : i32
    %eq3A_26 = arith.cmpi eq, %arg0, %eq3A_25 : i32
    %convert_element_type3A_27 = arith.extui %eq3A_26 : i1 to i32
    %cond3A_28 = arith.constant 0 : i32
    %cond3A_29 = arith.cmpi ne, %convert_element_type3A_27, %cond3A_28 : i32
    scf.if %cond3A_29 {
      %get3A_30 = arith.constant 0 : index
      %get3A_31 = arith.constant 0 : index
      %get3A_32 = vector.load %arg8[%get3A_30, %get3A_31] : memref<16x10000xf32, #tpu.memory_space<vmem>>, vector<16x10000xf32>
      %transpose3A = tpu.transpose %get3A_32, [1, 0] : vector<16x10000xf32> -> vector<10000x16xf32>
      %swap3A_33 = arith.constant 0 : index
      %swap3A_34 = arith.constant 0 : index
      %swap3A_35 = vector.load %arg5[%swap3A_33, %swap3A_34] : memref<10000x16xf32, #tpu.memory_space<vmem>>, vector<10000x16xf32>
      tpu.vector_store %arg5[%swap3A_33, %swap3A_34], %transpose3A {strides = array<i32>} : memref<10000x16xf32, #tpu.memory_space<vmem>>, vector<10000x16xf32>,
    } else {
    }
    return
  }
  func.func @transform_0(%arg0: i32) -> (i32, i32) {
    %c0_i32 = arith.constant 0 : i32
    %c0_i32_0 = arith.constant 0 : i32
    return %arg0, %c0_i32 : i32, i32
  }
  func.func @transform_1(%arg0: i32) -> (i32, i32) {
    %c0_i32 = arith.constant 0 : i32
    %c0_i32_0 = arith.constant 0 : i32
    %c0_i32_1 = arith.constant 0 : i32
    return %c0_i32, %c0_i32_0 : i32, i32
  }
  func.func @transform_2(%arg0: i32) -> (i32, i32) {
    %c0_i32 = arith.constant 0 : i32
    %c0_i32_0 = arith.constant 0 : i32
    %c0_i32_1 = arith.constant 0 : i32
    return %c0_i32, %c0_i32_0 : i32, i32
  }
  func.func @transform_3(%arg0: i32) -> (i32, i32) {
    %c0_i32 = arith.constant 0 : i32
    %c0_i32_0 = arith.constant 0 : i32
    return %arg0, %c0_i32 : i32, i32
  }
  func.func @transform_4(%arg0: i32) -> (i32, i32) {
    %c0_i32 = arith.constant 0 : i32
    %c0_i32_0 = arith.constant 0 : i32
    %c0_i32_1 = arith.constant 0 : i32
    return %c0_i32, %c0_i32_0 : i32, i32
  }
  func.func @transform_5(%arg0: i32) -> (i32, i32) {
    %c0_i32 = arith.constant 0 : i32
    %c0_i32_0 = arith.constant 0 : i32
    %c0_i32_1 = arith.constant 0 : i32
    return %c0_i32, %c0_i32_0 : i32, i32
  }
  func.func @transform_6(%arg0: i32) -> (i32, i32) {
    %c0_i32 = arith.constant 0 : i32
    %c0_i32_0 = arith.constant 0 : i32
    %c0_i32_1 = arith.constant 0 : i32
    return %c0_i32, %c0_i32_0 : i32, i32
  }
}

</mosaic_0001>

<sc_bundles>
// kernel: kernel.5.cloned.1.call-start
scs
__scs_entry_jumppad:
0x0: {  	(pc) =	sbr.rel $0x88, $3  }
0x1: {  	(tag) =	ssettag $0x0;
	lr =	simm.s32 $0x1  }
0x2: {  	[smem:$0x3F9A] =	sst lr;
	_ =	strace $0xD0000000  }
0x3: {  	_ = 	snop  }
0x4: {  	_ = 	snop  }
0x5: {  	_ = 	snop  }
0x6: {  	_ = 	snop  }
0x7: {  	_ = 	snop  }
__scs_overlays_trampoline_lowered:
0x8: {  	[smem:$0x3FA9] =	sst s0  }
0x9: {  	[smem:$0x3FAA] =	sst s1  }
0xa: {  	[smem:$0x3FAB] =	sst s2  }
0xb: {  	[smem:$0x3FAC] =	sst s3  }
0xc: {  	[smem:$0x3FAD] =	sst s4  }
0xd: {  	[smem:$0x3FAE] =	sst s5  }
0xe: {  	[smem:$0x3FAF] =	sst s6  }
0xf: {  	[smem:$0x3FB0] =	sst s7  }
0x10: {  	[smem:$0x3FB1] =	sst s8  }
0x11: {  	[smem:$0x3FB2] =	sst s9;
	s0 =	simm.s32 @!p0 $0x0  }
0x12: {  	s1 =	sld [smem:$0x3F98];
	s0 =	simm.s32 @p0 $0x1  }
0x13: {  	[smem:$0x3FB3] =	sst s0;
	s0 =	simm.s32 @!p1 $0x0  }
0x14: {  	s2 =	sld [smem:$0x3F97];
	s0 =	simm.s32 @p1 $0x1  }
0x15: {  	[smem:$0x3FB4] =	sst s0;
	s0 =	simm.s32 @!p2 $0x0  }
0x16: {  	s3 =	sld [smem:$0x3FDB];
	s0 =	simm.s32 @p2 $0x1  }
0x17: {  	s4 =	simm.s32 $0x1BF5;
	[smem:$0x3FB6] =	sst s0  }
0x18: {  	s0 =	sld [smem:$0x3F99];
	_ =	swait.ge [sflag:s4], $0x0  }
0x19: {  	s7 =	sld [smem:$0x3F9A]  }
0x1a: {  	s8 =	sadd.s32 $0xFFFFE003, lr  }
0x1b: {  	s9 =	sadd.s32 $0xFFFFFEF7, lr;
	s5 =	simm.s32 $0xFFFFFFFF;
	p2 =	slt.u32 s8, $0xFFFFF086  }
0x1c: {  	p1 =	slt.u32 s9, $0xF7A;
	s5 =	simm.s32 @!p2 $0x0  }
0x1d: {  	s5 =	simm.s32 @p1 $0x1;
	p0 =	seq.s32 s7, s2  }
0x1e: {  	s7 =	smul.u32 @!p0 $0xF7A, s2;
	p2 =	seq.s32 @!p0 s5, $0x0  }
0x1f: {  	s9 =	smul.u32 $0xF7A, s1;
	s8 =	simm.s32 @!p0 $0x1BF5;
	p2 =	por !p2, p0  }
0x20: {  	[sflag:s8] =	ssyncset.s32 @!p0 $0xFFFFF086;
	s6 =	sadd.s32 @!p0 s3, s7;
	s7 =	simm.s32 @!p0 $0x108  }
0x21: {  	s3 =	sadd.s32 s3, s9;
	s6 =	sadd.s32 @!p0 $0x88, s6;
	s7 =	simm.s32 @p2 $0x1082  }
0x22: {  	[simem:s7], [sflag:s8] =	dma.local @!p0 [hbm:s6], $0xF7A  }
0x23: {  	s9 =	sor.u32 $0xD0000000, s2;
	s6 =	simm.s32 $0x108;
	_ =	swait.ge @!p0 [sflag:s8], $0x0  }
0x24: {  	s3 =	sadd.s32 $0x88, s3;
	s6 =	simm.s32 @!p1 $0x1082;
	[sflag:s4] =	ssyncset.s32 $0xFFFFF086  }
0x25: {  	[simem:s6], [sflag:s4] =	dma.local [hbm:s3], $0xF7A  }
0x26: {  	[smem:$0x3F9A] =	sst s1;
	(tag) =	ssettag s2;
	_ =	strace s9  }
0x27: {  	s1 =	sld [smem:$0x3FAA]  }
0x28: {  	s2 =	sld [smem:$0x3FAB]  }
0x29: {  	s4 =	sld [smem:$0x3FAD]  }
0x2a: {  	p0 =	seq.s32 s5, $0x0;
	s5 =	sld [smem:$0x3FAE]  }
0x2b: {  	s6 =	sld [smem:$0x3FAF]  }
0x2c: {  	s7 =	sld [smem:$0x3FB0]  }
0x2d: {  	s3 =	simm.s32 $0x108;
	s8 =	sld [smem:$0x3FB1]  }
0x2e: {  	s3 =	simm.s32 @!p0 $0x1082;
	s9 =	sld [smem:$0x3FB2]  }
0x2f: {  	lr =	sadd.s32 s0, s3;
	s0 =	sld [smem:$0x3FA9]  }
0x30: {  	s3 =	sld [smem:$0x3FAC]  }
0x31: {  	[smem:$0x3FB5] =	sst s10  }
0x32: {  	s10 =	sld [smem:$0x3FB3];
	_ =	sdelay $0x3  }
0x33: {  	p0 =	seq.s32 s10, $0x1;
	s10 =	sld [smem:$0x3FB5];
	_ =	sdelay $0x3  }
0x34: {  	[smem:$0x3FB5] =	sst s10  }
0x35: {  	s10 =	sld [smem:$0x3FB4];
	_ =	sdelay $0x3  }
0x36: {  	p1 =	seq.s32 s10, $0x1;
	s10 =	sld [smem:$0x3FB5];
	_ =	sdelay $0x3  }
0x37: {  	[smem:$0x3FB5] =	sst s10  }
0x38: {  	s10 =	sld [smem:$0x3FB6]  }
0x39: {  	_ = 	snop;
	(pc) =	sbr.ind lr, $3  }
0x3a: {  	_ = 	snop  }
0x3b: {  	_ = 	snop  }
0x3c: {  	p2 =	seq.s32 s10, $0x1;
	s10 =	sld [smem:$0x3FB5]  }
0x3d: {  	_ =	shalt  }
0x3e: {  	_ =	shalt  }
0x3f: {  	_ =	shalt  }
0x40: {  	_ =	shalt  }
0x41: {  	_ =	shalt  }
0x42: {  	_ =	shalt  }
0x43: {  	_ =	shalt  }
0x44: {  	_ =	shalt  }
0x45: {  	_ =	shalt  }
0x46: {  	_ =	shalt  }
0x47: {  	_ =	shalt  }
0x48: {  	_ =	shalt  }
0x49: {  	_ =	shalt  }
0x4a: {  	_ =	shalt  }
0x4b: {  	_ =	shalt  }
0x4c: {  	_ =	shalt  }
0x4d: {  	_ =	shalt  }
0x4e: {  	_ =	shalt  }
0x4f: {  	_ =	shalt  }
0x50: {  	_ =	shalt  }
0x51: {  	_ =	shalt  }
0x52: {  	_ =	shalt  }
0x53: {  	_ =	shalt  }
0x54: {  	_ =	shalt  }
0x55: {  	_ =	shalt  }
0x56: {  	_ =	shalt  }
0x57: {  	_ =	shalt  }
0x58: {  	_ =	shalt  }
0x59: {  	_ =	shalt  }
0x5a: {  	_ =	shalt  }
0x5b: {  	_ =	shalt  }
0x5c: {  	_ =	shalt  }
0x5d: {  	_ =	shalt  }
0x5e: {  	_ =	shalt  }
0x5f: {  	_ =	shalt  }
0x60: {  	_ =	shalt  }
0x61: {  	_ =	shalt  }
0x62: {  	_ =	shalt  }
0x63: {  	_ =	shalt  }
0x64: {  	_ =	shalt  }
0x65: {  	_ =	shalt  }
0x66: {  	_ =	shalt  }
0x67: {  	_ =	shalt  }
0x68: {  	_ =	shalt  }
0x69: {  	_ =	shalt  }
0x6a: {  	_ =	shalt  }
0x6b: {  	_ =	shalt  }
0x6c: {  	_ =	shalt  }
0x6d: {  	_ =	shalt  }
0x6e: {  	_ =	shalt  }
0x6f: {  	_ =	shalt  }
0x70: {  	_ =	shalt  }
0x71: {  	_ =	shalt  }
0x72: {  	_ =	shalt  }
0x73: {  	_ =	shalt  }
0x74: {  	_ =	shalt  }
0x75: {  	_ =	shalt  }
0x76: {  	_ =	shalt  }
0x77: {  	_ =	shalt  }
0x78: {  	_ =	shalt  }
0x79: {  	_ =	shalt  }
0x7a: {  	_ =	shalt  }
0x7b: {  	_ =	shalt  }
0x7c: {  	_ =	shalt  }
0x7d: {  	_ =	shalt  }
0x7e: {  	_ =	shalt  }
0x7f: {  	_ =	shalt  }
0x80: {  	_ =	shalt  }
0x81: {  	_ =	shalt  }
0x82: {  	_ =	shalt  }
0x83: {  	_ =	shalt  }
0x84: {  	_ =	shalt  }
0x85: {  	_ =	shalt  }
0x86: {  	_ =	shalt  }
0x87: {  	_ =	shalt  }
.Lfunc_end0:
.L_simem_size_0:
called_computation_lowered:
.L_overlay_start_0:
0x88: {  	s2 =	sld [smem:$0x3FD9]  }
0x89: {  	s3 =	sld [smem:$0x3FFE];
	_ =	sdelay $0x1  }
0x8a: {  	s1 =	srdreg.scid  }
0x8b: {  	s0 =	sand.u32 $0x1, s1  }
0x8c: {  	s14 =	sshll.u32 s0, $0xA;
	s2 =	sadd.s32 s3, s2  }
0x8d: {  	s2 =	sadd.s32 s2, s14  }
0x8e: {  	[smem:$0x3FC1] =	sst s2  }
0x8f: {  	_ = 	snop  }
0x90: {  	s2 =	sld [smem:$0x3FD0]  }
0x91: {  	s15 =	sld [smem:$0x3FC9]  }
0x92: {  	s4 =	sld [smem:$0x3FC8]  }
0x93: {  	s6 =	simm.s32 $0xA;
	s7 =	simm.s32 $0x10;
	s5 =	sld [smem:$0x3FC7]  }
0x94: {  	[smem:s7], [sflag:s6] =	dma.local [hbm:s2], $0x1  }
0x95: {  	_ =	swait.eq [sflag:s6], $0x1  }
0x96: {  	[sflag:s6] =	ssyncset.done $0x0  }
0x97: {  	s16 =	sld [smem:$0x10];
	[sflag:s6] =	ssyncadd.s32 $0xFFFFFFFF  }
0x98: {  	s17 =	sld [smem:$0x11];
	(tm) =	ssettm $0x1  }
0x99: {  	s18 =	sld [smem:$0x3FFB];
	_ =	sdelay $0x3  }
0x9a: {  	_ =	strace s18  }
0x9b: {  	s7 =	sld [smem:$0x3FFC];
	_ =	sdelay $0x3  }
0x9c: {  	_ =	strace s7  }
0x9d: {  	s7 =	sld [smem:$0x3FFD];
	_ =	sdelay $0x3  }
0x9e: {  	_ =	strace s7  }
0x9f: {  	_ =	strace $0x8FFFFFFF  }
0xa0: {  	s19 =	sld [smem:$0x3FDB];
	_ =	sdelay $0x1  }
0xa1: {  	s8 =	simm.s32 $_scs_section_size  }
0xa2: {  	s9 =	simm.s32 $_size__tile_overlayer_lowered;
	s10 =	simm.s32 $_tile_overlayer_lowered  }
0xa3: {  	s22 =	simm.s32 $0x1BFF;
	s21 =	sshll.u32 s10, $0x1;
	s7 =	sadd.s32 s8, s19  }
0xa4: {  	s11 =	simm.s32 $0x0;
	s20 =	sshll.u32 s9, $0x1;
	s9 =	sadd.s32 s21, s7  }
0xa5: {  	[timem:s11], [sflag:s22] =	dma.local [hbm:s9], s20  }
0xa6: {  	_ =	swait.ge [sflag:s22], s20  }
0xa7: {  	s8 =	ssub.s32 $0x0, s20;
	[sflag:s22] =	ssyncset.done $0x0  }
0xa8: {  	[sflag:s22] =	ssyncadd.s32 s8;
	_ =	sdelay $0x1  }
0xa9: {  	s23 =	simm.s32 $0x1B8B  }
0xaa: {  	_ =	swait.ge [sflag:s23], $0x1  }
0xab: {  	[sflag:s23] =	ssyncset.done $0x0  }
0xac: {  	s25 =	simm.s32 $0x1B8E;
	s24 =	sld [smem:$0x3FFE];
	[sflag:s23] =	ssyncadd.s32 $0xFFFFFFFF  }
0xad: {  	s26 =	simm.s32 $execute0_lowered;
	[smem:$0x3FD2] =	sst s25  }
0xae: {  	s9 =	sshll.u32 s26, $0x1;
	_ =	strace $0x80000046;
	[dreg:$0x1] =	wrdreg $0xFFFFFFFF  }
0xaf: {  	s28 =	simm.s32 $_size_execute0_lowered;
	s7 =	sadd.s32 s7, s9;
	[dreg:$0x0] =	wrdreg $0x0  }
0xb0: {  	s9 =	sshll.u32 s28, $0x1;
	[dreg:$0x2] =	wrdreg s7  }
0xb1: {  	[dreg:$0x3] =	wrdreg s9  }
0xb2: {  	[dreg:$0x4] =	wrdreg $0xC0  }
0xb3: {  	_ =	task [dreg:s11], $0x5FFFF  }
0xb4: {  	[dreg:$0x1] =	wrdreg $0xFFFFFFFF  }
0xb5: {  	[dreg:$0x0] =	wrdreg $0x60  }
0xb6: {  	[dreg:$0x2] =	wrdreg s24  }
0xb7: {  	[dreg:$0x3] =	wrdreg s15  }
0xb8: {  	[dreg:$0x4] =	wrdreg s4  }
0xb9: {  	[dreg:$0x5] =	wrdreg s5  }
0xba: {  	[dreg:$0x6] =	wrdreg s16  }
0xbb: {  	[dreg:$0x7] =	wrdreg s17  }
0xbc: {  	[dreg:$0x8] =	wrdreg $0x9  }
0xbd: {  	_ =	task.clear_ibuf [dreg:s11], $0x9FFFF;
	_ =	strace $0x90000046  }
0xbe: {  	s29 =	simm.s32 $0x9;
	_ =	strace $0x80000048  }
0xbf: {  	_ =	swait.ge [sflag:s29], $0x1  }
0xc0: {  	[sflag:s29] =	ssyncadd.s32 $0xFFFFFFFF  }
0xc1: {  	_ =	strace $0x90000048  }
0xc2: {  	_ =	sfence  }
0xc3: {  	s30 =	sld [smem:$0x0];
	_ =	sdelay $0x2  }
0xc4: {  	s31 =	sshll.u32 s1, $0xD;
	s1 =	sshrl.u32 s1, $0x2  }
0xc5: {  	s3 =	sand.u32 $0x4000, s31;
	s1 =	sadd.s32 s1, s30  }
0xc6: {  	s0 =	sor.u32 s3, s0;
	s1 =	sshll.u32 s1, $0x11  }
0xc7: {  	s0 =	sor.u32 s1, s0  }
0xc8: {  	s0 =	sadd.s32 $0x8F2B, s0  }
0xc9: {  	[sflag:s0] =	ssyncadd.remote.s32 $0x1  }
0xca: {  	_ =	sfence.sel $0xFFFF  }
0xcb: {  	[dreg:$0x0] =	wrdreg $0xFFFFFFFF;
	(pc) =	sbr.abs _section_cstart, $3  }
0xcc: {  	[dreg:$0x1] =	wrdreg $0xFFFFFFFF  }
0xcd: {  	_ =	task.clear_ibuf [dreg:s11], $0x2FFFF;
	_ =	strace $0x9FFFFFFF  }
0xce: {  	(tm) =	ssettm $0x7FFFFFFF  }
0xcf: {  	_ =	shalt  }
tec
execute0_lowered:
.L_overlay_start_1:
0x0: {  	(tag) =	ssettag $0x1  }
0x1: {  	s4 =	rddreg [dreg:$0x0]  }
0x2: {  	v0 =	vimm.s32 $0xFEDCBA98;
	s5 =	rddreg [dreg:$0x1];
	v1 =	vimm.s32 $0x76543210  }
0x3: {  	s6 =	rddreg [dreg:$0x2];
	v2 =	vimm.s32 $0xBA98FEDC;
	v3 =	vimm.s32 $0x32107654;
	v4 =	vimm.s32 $0xDCFE98BA  }
0x4: {  	s7 =	rddreg [dreg:$0x3];
	v5 =	vimm.s32 $0x54761032;
	v6 =	vimm.s32 $0xEFCDAB89;
	v7 =	vimm.s32 $0x67452301  }
0x5: {  	s8 =	rddreg [dreg:$0x4];
	vm0 =	vmmov $0x1;
	vm1 =	vmmov $0x3;
	vm2 =	vmmov $0x7  }
0x6: {  	s9 =	rddreg [dreg:$0x5];
	vm3 =	vmmov $0xf;
	vm4 =	vmmov $0x1f;
	vm5 =	vmmov $0x3f  }
0x7: {  	s0 =	rddreg [dreg:$0x6];
	s1 =	simm.s32 $0x0;
	s2 =	srdreg.scid;
	vm6 =	vmmov $0x7f;
	vm7 =	vmmov $0xff;
	vm8 =	vmmov $0x1ff  }
0x8: {  	s14 =	simm.s32 $0x180;
	s15 =	simm.s32 $0x4180;
	s16 =	simm.s32 $0x8180;
	vm9 =	vmmov $0x3ff;
	vm10 =	vmmov $0x7ff;
	vm11 =	vmmov $0xfff  }
0x9: {  	s17 =	simm.s32 $0x1;
	s18 =	simm.s32 $0x2;
	s19 =	simm.s32 $0x3;
	v0 =	vunpack.c.l.s4.s8 v0;
	v1 =	vunpack.c.l.s4.s8 v1;
	v2 =	vunpack.c.l.s4.s8 v2  }
0xa: {  	s20 =	simm.s32 $0xC180;
	s21 =	simm.s32 $0xC200;
	s22 =	simm.s32 $0x0;
	v3 =	vunpack.c.l.s4.s8 v3;
	v4 =	vunpack.c.l.s4.s8 v4;
	v5 =	vunpack.c.l.s4.s8 v5  }
0xb: {  	v6 =	vunpack.c.l.s4.s8 v6;
	v7 =	vunpack.c.l.s4.s8 v7;
	[smem:$0x7FF] =	sst s1;
	s10 =	sand.u32 $0x1, s2;
	s3 =	sadd.s32 $0x9D400, s4;
	v0 =	vunpack.c.0.s8.s32 v0  }
0xc: {  	s2 =	stileid.u32;
	s4 =	sadd.s32 $0xC4600, s4;
	_ =	strace $0x80000047;
	v2 =	vunpack.c.0.s8.s32 v2;
	v3 =	vunpack.c.0.s8.s32 v3;
	v4 =	vunpack.c.0.s8.s32 v4  }
0xd: {  	s11 =	ssub.s32 $0x2, s10;
	s13 =	sshll.u32 s2, $0x5;
	s10 =	sshll.u32 s10, $0x4;
	v5 =	vunpack.c.0.s8.s32 v5;
	v6 =	vunpack.c.0.s8.s32 v6;
	v7 =	vunpack.c.0.s8.s32 v7  }
0xe: {  	vm12 =	vmmov $0x1fff;
	v1 =	vunpack.c.0.s8.s32 v1;
	s12 =	sshrl.u32 s11, $0x1;
	s10 =	sor.u32 s10, s13;
	s13 =	simm.s32 $0x100;
	v2 =	vcombine.low v3, v2  }
0xf: {  	s11 =	ssub.s32 s11, s12;
	s5 =	sadd.s32 s5, s10;
	s6 =	sadd.s32 s6, s10;
	v3 =	vcombine.low v5, v4;
	v4 =	vcombine.low v7, v6;
	v0 =	vand.u32 $0xF, v0  }
0x10: {  	vm13 =	vmmov $0x3fff;
	vm14 =	vmmov $0x7fff;
	s7 =	sadd.s32 s7, s10;
	s8 =	sadd.s32 s8, s10;
	s9 =	sadd.s32 s9, s10;
	v0 =	vcombine.low v0, v1  }
0x11: {  	s12 =	simm.s32 $0x80;
	s10 =	smax.u32 s11, $0x1;
	s11 =	simm.s32 $0x4;
	v1 =	vand.u32 $0xF, v2;
	v2 =	vand.u32 $0xF, v3;
	v3 =	vand.u32 $0xF, v4  }
.LBB2_1:
0x12: {  	[tilespmem:s1], [sflag:$0x4] =	stream.linear.gather [hbm4b:s5+s1], $0x80, $0x38;
	[tilespmem:$0xC280] =	vst v63  }
0x13: {  	_ =	swait.ge [sflag:s11], $0x80  }
0x14: {  	[sflag:s11] =	ssyncset.done $0x0  }
0x15: {  	[sflag:s11] =	ssyncadd.s32 $0xFFFFFF80  }
0x16: {  	[tilespmem:s12], [sflag:$0x4] =	stream.linear.gather [hbm4b:s6+s1], $0x80, $0x38;
	[tilespmem:$0xC280] =	vst v63  }
0x17: {  	_ =	swait.ge [sflag:s11], $0x80  }
0x18: {  	[sflag:s11] =	ssyncset.done $0x0  }
0x19: {  	[sflag:s11] =	ssyncadd.s32 $0xFFFFFF80  }
0x1a: {  	[tilespmem:s13], [sflag:$0x4] =	stream.linear.gather [hbm4b:s7+s1], $0x80, $0x38;
	[tilespmem:$0xC280] =	vst v63  }
0x1b: {  	_ =	swait.ge [sflag:s11], $0x80  }
0x1c: {  	[sflag:s11] =	ssyncset.done $0x0  }
0x1d: {  	[sflag:s11] =	ssyncadd.s32 $0xFFFFFF80  }
0x1e: {  	[tilespmem:s14], [sflag:$0x1] =	stream.indirect.gather [hbm4b:s3+s12], $0x80, s1, s12, $0xb8;
	[tilespmem:$0xC280] =	vst v63  }
0x1f: {  	_ = 	snop  }
0x20: {  	[tilespmem:s15], [sflag:$0x2] =	stream.indirect.gather [hbm4b:s4+s12], $0x80, s12, s12, $0xb8;
	[tilespmem:$0xC280] =	vst v63  }
0x21: {  	_ = 	snop  }
0x22: {  	[tilespmem:s16], [sflag:$0x3] =	stream.indirect.gather [hbm4b:s4+s12], $0x80, s13, s12, $0xb8;
	[tilespmem:$0xC280] =	vst v63  }
0x23: {  	_ =	swait.ge [sflag:s17], $0x4000  }
0x24: {  	[sflag:s17] =	ssyncset.done $0x0  }
0x25: {  	[sflag:s17] =	ssyncadd.s32 $0xFFFFC000  }
0x26: {  	_ =	swait.ge [sflag:s18], $0x4000  }
0x27: {  	[sflag:s18] =	ssyncset.done $0x0  }
0x28: {  	[sflag:s18] =	ssyncadd.s32 $0xFFFFC000  }
0x29: {  	_ =	swait.ge [sflag:s19], $0x4000  }
0x2a: {  	[sflag:s19] =	ssyncset.done $0x0  }
0x2b: {  	s23 =	simm.s32 $0x0;
	[sflag:s19] =	ssyncadd.s32 $0xFFFFC000  }
0x2c: {  	v4 =	vld [tilespmem:s23+$0x4900]  }
0x2d: {  	v5 =	vld [tilespmem:s23+$0x900]  }
0x2e: {  	v6 =	vld [tilespmem:s23+$0x8900]  }
0x2f: {  	v7 =	vld [tilespmem:s23+$0x8880]  }
0x30: {  	v9 =	vld [tilespmem:s23+$0x4880]  }
0x31: {  	v14 =	vld [tilespmem:s23+$0x4780]  }
0x32: {  	v15 =	vld [tilespmem:s23+$0x780];
	v4 =	vmul.f32 v4, v5  }
0x33: {  	v38 =	vld [tilespmem:s23+$0x480];
	v5 =	vmul.f32 v6, v5  }
0x34: {  	v39 =	vld [tilespmem:s23+$0x8480];
	v6 =	vperm.xlane v4, v0  }
0x35: {  	v36 =	vld [tilespmem:s23+$0x4480];
	v8 =	vperm.xlane v5, v0  }
0x36: {  	v4 =	vadd.f32 v6, v4;
	v6 =	vld [tilespmem:s23+$0x880]  }
0x37: {  	v11 =	vld [tilespmem:s23+$0x800];
	v5 =	vadd.f32 v8, v5  }
0x38: {  	v8 =	vld [tilespmem:s23+$0x4800];
	v10 =	vperm.xlane v4, v1  }
0x39: {  	v51 =	vmul.f32 v39, v38;
	v12 =	vperm.xlane v5, v1  }
0x3a: {  	v14 =	vmul.f32 v14, v15;
	v36 =	vmul.f32 v36, v38;
	v4 =	vadd.f32 v10, v4;
	v10 =	vld [tilespmem:s23+$0x8800]  }
0x3b: {  	v39 =	vperm.xlane v51, v0;
	v5 =	vadd.f32 v12, v5;
	v12 =	vld [tilespmem:s23+$0x8780];
	v9 =	vmul.f32 v9, v6  }
0x3c: {  	v6 =	vmul.f32 v7, v6;
	v13 =	vperm.xlane v4, v2  }
0x3d: {  	v8 =	vmul.f32 v8, v11;
	v7 =	vperm.xlane v5, v2  }
0x3e: {  	v16 =	vperm.xlane v9, v0;
	v17 =	vperm.xlane v6, v0;
	v13 =	vadd.f32 v13, v4  }
0x3f: {  	v4 =	vadd.f32 v7, v5;
	v7 =	vperm.xlane v8, v0;
	v10 =	vmul.f32 v10, v11  }
0x40: {  	v9 =	vadd.f32 v16, v9;
	v6 =	vadd.f32 v17, v6;
	v12 =	vmul.f32 v12, v15  }
0x41: {  	v16 =	vperm.xlane v14, v0;
	v17 =	vperm.xlane v13, v3;
	v7 =	vadd.f32 v7, v8  }
0x42: {  	v8 =	vperm.xlane v10, v0;
	v11 =	vperm.xlane v9, v1  }
0x43: {  	v18 =	vperm.xlane v12, v0;
	v14 =	vadd.f32 v16, v14;
	v15 =	vperm.xlane v7, v1  }
0x44: {  	v9 =	vadd.f32 v11, v9;
	v11 =	vperm.xlane v6, v1;
	v8 =	vadd.f32 v8, v10  }
0x45: {  	v10 =	vld [tilespmem:s23+$0x8700];
	v12 =	vadd.f32 v18, v12;
	v21 =	vperm.xlane v14, v1;
	v7 =	vadd.f32 v15, v7  }
0x46: {  	v18 =	vld [tilespmem:s23+$0x4680];
	v15 =	vperm.xlane v9, v2;
	v6 =	vadd.f32 v11, v6;
	v16 =	vperm.xlane v8, v1  }
0x47: {  	v11 =	vld [tilespmem:s23+$0x4700];
	v22 =	vperm.xlane v12, v1;
	v19 =	vperm.xlane v7, v2  }
0x48: {  	v20 =	vadd.f32 v15, v9;
	v9 =	vperm.xlane v6, v2;
	v15 =	vld [tilespmem:s23+$0x700];
	v8 =	vadd.f32 v16, v8  }
0x49: {  	v5 =	vperm.xlane v4, v3;
	v16 =	vld [tilespmem:s23+$0x680];
	v12 =	vadd.f32 v22, v12;
	v19 =	vadd.f32 v19, v7  }
0x4a: {  	v23 =	vperm.xlane v20, v3;
	v6 =	vadd.f32 v9, v6;
	v9 =	vadd.f32 v21, v14  }
0x4b: {  	v14 =	vperm.xlane v8, v2;
	v21 =	vld [tilespmem:s23+$0x8680];
	v25 =	vperm.xlane v12, v2  }
0x4c: {  	v26 =	vld [tilespmem:s23+$0x600];
	v22 =	vperm.xlane v19, v3;
	v24 =	vperm.xlane v9, v2  }
0x4d: {  	v8 =	vadd.f32 v14, v8;
	v14 =	vld [tilespmem:s23+$0x4600];
	v11 =	vmul.f32 v11, v15;
	v15 =	vmul.f32 v10, v15  }
0x4e: {  	v7 =	vperm.xlane v6, v3;
	v18 =	vmul.f32 v18, v16;
	v10 =	vadd.f32 v25, v12;
	v12 =	vld [tilespmem:s23+$0x8600]  }
0x4f: {  	v24 =	vadd.f32 v24, v9;
	v27 =	vperm.xlane v11, v0;
	v28 =	vperm.xlane v15, v0  }
0x50: {  	v25 =	vperm.xlane v18, v0;
	v16 =	vmul.f32 v21, v16  }
0x51: {  	v9 =	vperm.xlane v8, v3;
	v29 =	vperm.xlane v24, v3;
	v21 =	vadd.f32 v27, v11  }
0x52: {  	v18 =	vadd.f32 v25, v18;
	v25 =	vperm.xlane v16, v0;
	v15 =	vadd.f32 v28, v15  }
0x53: {  	v14 =	vmul.f32 v14, v26;
	v12 =	vmul.f32 v12, v26  }
0x54: {  	v27 =	vperm.xlane v21, v1;
	v16 =	vadd.f32 v25, v16;
	v25 =	vperm.xlane v15, v1  }
0x55: {  	v31 =	vld [tilespmem:s23+$0x580];
	v13 =	vadd.f32 v17, v13;
	v28 =	vperm.xlane v18, v1;
	v30 =	vperm.xlane v14, v0  }
0x56: {  	v26 =	vperm.xlane v16, v1;
	v21 =	vadd.f32 v27, v21;
	v15 =	vadd.f32 v25, v15;
	v25 =	vld [tilespmem:s23+$0x8580]  }
0x57: {  	v14 =	vadd.f32 v30, v14;
	v27 =	vperm.xlane v12, v0;
	v18 =	vadd.f32 v28, v18;
	v28 =	vld [tilespmem:s23+$0x4580]  }
0x58: {  	v34 =	vld [tilespmem:s23+$0x4500];
	v11 =	vperm.xlane v10, v3;
	v16 =	vadd.f32 v26, v16;
	v26 =	vperm.xlane v21, v2  }
0x59: {  	v43 =	vld [tilespmem:s23+$0x4380];
	v30 =	vperm.xlane v15, v2;
	v32 =	vperm.xlane v14, v1;
	v27 =	vadd.f32 v27, v12  }
0x5a: {  	v59 =	vld [tilespmem:s23+$0x380];
	v33 =	vperm.xlane v18, v2;
	v35 =	vperm.xlane v16, v2;
	v26 =	vadd.f32 v26, v21  }
0x5b: {  	v12 =	vadd.f32 v30, v15;
	v21 =	vld [tilespmem:s23+$0x500];
	v30 =	vadd.f32 v32, v14;
	v61 =	vperm.xlane v27, v1  }
0x5c: {  	v33 =	vadd.f32 v33, v18;
	v18 =	vld [tilespmem:s23+$0x8500];
	v28 =	vmul.f32 v28, v31;
	v25 =	vmul.f32 v25, v31  }
0x5d: {  	v15 =	vadd.f32 v35, v16;
	v62 =	vperm.xlane v26, v3;
	v14 =	vperm.xlane v12, v3  }
0x5e: {  	v37 =	vperm.xlane v30, v2;
	v27 =	vadd.f32 v61, v27;
	v63 =	vperm.xlane v33, v3  }
0x5f: {  	v17 =	vadd.f32 v23, v20;
	v61 =	vmul.f32 v43, v59;
	v49 =	vperm.xlane v28, v0  }
0x60: {  	v16 =	vperm.xlane v15, v3;
	v30 =	vadd.f32 v37, v30;
	v31 =	vperm.xlane v27, v2  }
0x61: {  	v56 =	vld [tilespmem:s23+$0x8380];
	v34 =	vmul.f32 v34, v21;
	v21 =	vmul.f32 v18, v21;
	v28 =	vadd.f32 v49, v28  }
0x62: {  	v40 =	vperm.xlane v30, v3;
	v18 =	vadd.f32 v31, v27;
	v31 =	vperm.xlane v25, v0  }
0x63: {  	v19 =	vadd.f32 v22, v19;
	v27 =	vperm.xlane v34, v0;
	v50 =	vperm.xlane v21, v0  }
0x64: {  	v23 =	vperm.xlane v28, v1;
	v25 =	vadd.f32 v31, v25;
	v20 =	vperm.xlane v18, v3  }
0x65: {  	v31 =	vperm.xlane v36, v0;
	v27 =	vadd.f32 v27, v34;
	v21 =	vadd.f32 v50, v21  }
0x66: {  	v41 =	vld [tilespmem:s23+$0x400];
	v23 =	vadd.f32 v23, v28;
	v34 =	vadd.f32 v39, v51;
	v50 =	vmul.f32 v56, v59  }
0x67: {  	v28 =	vld [tilespmem:s23+$0x4400];
	v52 =	vperm.xlane v25, v1;
	v22 =	vadd.f32 v31, v36;
	v31 =	vperm.xlane v27, v1  }
0x68: {  	v53 =	vperm.xlane v21, v1;
	v44 =	vperm.xlane v34, v1  }
0x69: {  	v39 =	vperm.xlane v50, v0;
	v25 =	vadd.f32 v52, v25;
	v55 =	vperm.xlane v22, v1  }
0x6a: {  	v27 =	vadd.f32 v31, v27;
	v31 =	vadd.f32 v53, v21;
	v21 =	vperm.xlane v23, v2  }
0x6b: {  	v34 =	vadd.f32 v44, v34;
	v57 =	vperm.xlane v25, v2;
	v22 =	vadd.f32 v55, v22  }
0x6c: {  	v54 =	vld [tilespmem:s23+$0x8400];
	v48 =	vmul.f32 v28, v41;
	v28 =	vadd.f32 v40, v30;
	v58 =	vperm.xlane v27, v2  }
0x6d: {  	v42 =	vperm.xlane v31, v2;
	v45 =	vadd.f32 v21, v23;
	v49 =	vperm.xlane v34, v2  }
0x6e: {  	v21 =	vadd.f32 v57, v25;
	v46 =	vperm.xlane v22, v2;
	v37 =	vadd.f32 v58, v27  }
0x6f: {  	v60 =	vld [tilespmem:s23+$0x300];
	v23 =	vadd.f32 v42, v31;
	v42 =	vperm.xlane v45, v3;
	v34 =	vadd.f32 v49, v34  }
0x70: {  	v31 =	vld [tilespmem:s23+$0x4300];
	v25 =	vperm.xlane v21, v3;
	v46 =	vadd.f32 v46, v22;
	v22 =	vadd.f32 v29, v24  }
0x71: {  	v43 =	vld [tilespmem:s23+$0x8280];
	v29 =	vmul.f32 v54, v41;
	v24 =	vadd.f32 v62, v26;
	v62 =	vperm.xlane v48, v0  }
0x72: {  	v26 =	vadd.f32 v63, v33;
	v63 =	vld [tilespmem:s23+$0x8300];
	v33 =	vadd.f32 v39, v50;
	v47 =	vperm.xlane v37, v3  }
0x73: {  	v36 =	vld [tilespmem:s23+$0x4180];
	v27 =	vperm.xlane v23, v3;
	v35 =	vperm.xlane v34, v3;
	v42 =	vadd.f32 v42, v45  }
0x74: {  	v40 =	vld [tilespmem:s23+$0x8180];
	v38 =	vperm.xlane v46, v3;
	v51 =	vperm.xlane v29, v0;
	v52 =	vadd.f32 v62, v48  }
0x75: {  	v58 =	vperm.xlane v33, v1;
	v48 =	vld [tilespmem:s23+$0x180];
	v37 =	vadd.f32 v47, v37;
	v30 =	vmul.f32 v31, v60  }
0x76: {  	v57 =	vld [tilespmem:s23+$0x4280];
	v31 =	vperm.xlane v61, v0;
	v29 =	vadd.f32 v51, v29;
	v54 =	vperm.xlane v52, v1  }
0x77: {  	v33 =	vadd.f32 v58, v33;
	v51 =	vld [tilespmem:s23+$0x280];
	v38 =	vadd.f32 v38, v46;
	v32 =	vmul.f32 v63, v60  }
0x78: {  	v53 =	vperm.xlane v30, v0;
	v31 =	vadd.f32 v31, v61;
	v55 =	vperm.xlane v29, v1  }
0x79: {  	v41 =	vld [tilespmem:s23+$0x200];
	v39 =	vadd.f32 v54, v52;
	v52 =	vperm.xlane v33, v2;
	v60 =	vperm.xlane v32, v0  }
0x7a: {  	v63 =	vld [tilespmem:s23+$0x4200];
	v36 =	vmul.f32 v36, v48;
	v40 =	vmul.f32 v40, v48;
	v30 =	vadd.f32 v53, v30  }
0x7b: {  	v56 =	vperm.xlane v31, v1;
	v29 =	vadd.f32 v55, v29;
	v61 =	vperm.xlane v39, v2  }
0x7c: {  	v33 =	vadd.f32 v52, v33;
	v44 =	vmul.f32 v57, v51;
	v43 =	vmul.f32 v43, v51  }
0x7d: {  	v55 =	vld [tilespmem:s23+$0x8200];
	v32 =	vadd.f32 v60, v32;
	v57 =	vperm.xlane v36, v0;
	v58 =	vperm.xlane v40, v0  }
0x7e: {  	v59 =	vperm.xlane v30, v1;
	v31 =	vadd.f32 v56, v31;
	v50 =	vperm.xlane v29, v2  }
0x7f: {  	v39 =	vadd.f32 v61, v39;
	v63 =	vmul.f32 v63, v41;
	v53 =	vperm.xlane v32, v1  }
0x80: {  	v40 =	vadd.f32 v58, v40;
	v30 =	vadd.f32 v59, v30;
	v62 =	vperm.xlane v31, v2  }
0x81: {  	v29 =	vadd.f32 v50, v29;
	v60 =	vperm.xlane v39, v3;
	v49 =	vperm.xlane v63, v0  }
0x82: {  	v32 =	vadd.f32 v53, v32;
	v53 =	vperm.xlane v33, v3;
	v41 =	vmul.f32 v55, v41  }
0x83: {  	v36 =	vadd.f32 v57, v36;
	v55 =	vperm.xlane v40, v1;
	v59 =	vperm.xlane v30, v2  }
0x84: {  	v31 =	vadd.f32 v62, v31;
	v54 =	vperm.xlane v29, v3;
	v62 =	vperm.xlane v44, v0  }
0x85: {  	v39 =	vadd.f32 v60, v39;
	v46 =	vadd.f32 v49, v63;
	v60 =	vperm.xlane v43, v0  }
0x86: {  	v56 =	vperm.xlane v32, v2;
	v30 =	vadd.f32 v59, v30;
	v59 =	vperm.xlane v41, v0  }
0x87: {  	v40 =	vadd.f32 v55, v40;
	v61 =	vperm.xlane v31, v3;
	v44 =	vadd.f32 v62, v44  }
0x88: {  	v62 =	vperm.xlane v36, v1;
	v63 =	vperm.xlane v46, v1;
	v41 =	vadd.f32 v59, v41  }
0x89: {  	v43 =	vadd.f32 v60, v43;
	v32 =	vadd.f32 v56, v32;
	v58 =	vperm.xlane v40, v2  }
0x8a: {  	v31 =	vadd.f32 v61, v31;
	v61 =	vperm.xlane v44, v1;
	v51 =	vperm.xlane v41, v1  }
0x8b: {  	v36 =	vadd.f32 v62, v36;
	v46 =	vadd.f32 v63, v46;
	v56 =	vperm.xlane v43, v1  }
0x8c: {  	v45 =	vperm.xlane v30, v3;
	v44 =	vadd.f32 v61, v44;
	v41 =	vadd.f32 v51, v41  }
0x8d: {  	v49 =	vperm.xlane v36, v2;
	v50 =	vperm.xlane v46, v2;
	v43 =	vadd.f32 v56, v43  }
0x8e: {  	v40 =	vadd.f32 v58, v40;
	v57 =	vperm.xlane v44, v2;
	v51 =	vperm.xlane v41, v2  }
0x8f: {  	v36 =	vadd.f32 v49, v36;
	v46 =	vadd.f32 v50, v46;
	v59 =	vperm.xlane v43, v2  }
0x90: {  	v61 =	vperm.xlane v40, v3;
	v44 =	vadd.f32 v57, v44;
	v41 =	vadd.f32 v51, v41  }
0x91: {  	v49 =	vperm.xlane v36, v3;
	v50 =	vperm.xlane v46, v3;
	v43 =	vadd.f32 v59, v43  }
0x92: {  	v40 =	vadd.f32 v61, v40;
	v60 =	vperm.xlane v44, v3;
	v51 =	vperm.xlane v41, v3  }
0x93: {  	v36 =	vadd.f32 v49, v36;
	v46 =	vadd.f32 v50, v46;
	v62 =	vperm.xlane v43, v3  }
0x94: {  	v63 =	vperm.xlane v32, v3;
	v44 =	vadd.f32 v60, v44;
	v41 =	vadd.f32 v51, v41  }
0x95: {  	v30 =	vadd.f32 v45, v30;
	v36 =	vsel vm0, v36, v46;
	v43 =	vadd.f32 v62, v43  }
0x96: {  	v32 =	vadd.f32 v63, v32;
	v36 =	vsel vm1, v36, v44;
	v40 =	vsel vm0, v40, v41  }
0x97: {  	v33 =	vadd.f32 v53, v33;
	v30 =	vsel vm2, v36, v30;
	v40 =	vsel vm1, v40, v43  }
0x98: {  	v29 =	vadd.f32 v54, v29;
	v30 =	vsel vm3, v30, v31;
	v32 =	vsel vm2, v40, v32  }
0x99: {  	v41 =	vadd.f32 v35, v34;
	v30 =	vsel vm4, v30, v39;
	v31 =	vsel vm3, v32, v33  }
0x9a: {  	v23 =	vadd.f32 v27, v23;
	v30 =	vsel vm5, v30, v38;
	v29 =	vsel vm4, v31, v29  }
0x9b: {  	v21 =	vadd.f32 v25, v21;
	v27 =	vsel vm5, v29, v41;
	v29 =	vsel vm6, v30, v37  }
0x9c: {  	v18 =	vadd.f32 v20, v18;
	v23 =	vsel vm6, v27, v23;
	v25 =	vsel vm7, v29, v42  }
0x9d: {  	v15 =	vadd.f32 v16, v15;
	v20 =	vsel vm7, v23, v21;
	v21 =	vsel vm8, v25, v28  }
0x9e: {  	v12 =	vadd.f32 v14, v12;
	v16 =	vsel vm8, v20, v18;
	v18 =	vsel vm9, v21, v26  }
0x9f: {  	v10 =	vadd.f32 v11, v10;
	v14 =	vsel vm9, v16, v15;
	v15 =	vsel vm10, v18, v24  }
0xa0: {  	v8 =	vadd.f32 v9, v8;
	v11 =	vsel vm10, v14, v12;
	v12 =	vsel vm11, v15, v22  }
0xa1: {  	v6 =	vadd.f32 v7, v6;
	v9 =	vsel vm11, v11, v10;
	v10 =	vsel vm12, v12, v19  }
0xa2: {  	v4 =	vadd.f32 v5, v4;
	v7 =	vsel vm12, v9, v8;
	v8 =	vsel vm13, v10, v17  }
0xa3: {  	v5 =	vsel vm13, v7, v6;
	v6 =	vsel vm14, v8, v13  }
0xa4: {  	v4 =	vsel vm14, v5, v4;
	[tilespmem:s20+$0x0] =	vst v6  }
0xa5: {  	s25 =	simm.s32 $0x800;
	[tilespmem:s21+$0x0] =	vst v4  }
0xa6: {  	v4 =	vld [tilespmem:s25+$0x4900]  }
0xa7: {  	v5 =	vld [tilespmem:s25+$0x900]  }
0xa8: {  	v6 =	vld [tilespmem:s25+$0x8900]  }
0xa9: {  	v49 =	vld [tilespmem:s25+$0x480]  }
0xaa: {  	v51 =	vld [tilespmem:s25+$0x8480];
	_ =	sdelay $0x2  }
0xab: {  	v7 =	vld [tilespmem:s25+$0x8880]  }
0xac: {  	v14 =	vld [tilespmem:s25+$0x4780];
	v4 =	vmul.f32 v4, v5;
	v5 =	vmul.f32 v6, v5  }
0xad: {  	v15 =	vld [tilespmem:s25+$0x780];
	v53 =	vmul.f32 v51, v49  }
0xae: {  	v47 =	vld [tilespmem:s25+$0x4480];
	v6 =	vperm.xlane v4, v0;
	v8 =	vperm.xlane v5, v0  }
0xaf: {  	v9 =	vld [tilespmem:s25+$0x4880]  }
0xb0: {  	v37 =	vperm.xlane v53, v0;
	v4 =	vadd.f32 v6, v4;
	v6 =	vld [tilespmem:s25+$0x880];
	v5 =	vadd.f32 v8, v5  }
0xb1: {  	v11 =	vld [tilespmem:s25+$0x800]  }
0xb2: {  	v8 =	vld [tilespmem:s25+$0x4800];
	v57 =	vadd.f32 v37, v53;
	v10 =	vperm.xlane v4, v1;
	v12 =	vperm.xlane v5, v1  }
0xb3: {  	v14 =	vmul.f32 v14, v15;
	v35 =	vmul.f32 v47, v49  }
0xb4: {  	v62 =	vperm.xlane v57, v1;
	v4 =	vadd.f32 v10, v4;
	v10 =	vld [tilespmem:s25+$0x8800];
	v5 =	vadd.f32 v12, v5  }
0xb5: {  	v12 =	vld [tilespmem:s25+$0x8780];
	v9 =	vmul.f32 v9, v6;
	v6 =	vmul.f32 v7, v6  }
0xb6: {  	v13 =	vperm.xlane v4, v2;
	v7 =	vperm.xlane v5, v2  }
0xb7: {  	v8 =	vmul.f32 v8, v11;
	v16 =	vperm.xlane v9, v0  }
0xb8: {  	v17 =	vperm.xlane v6, v0;
	v13 =	vadd.f32 v13, v4;
	v4 =	vadd.f32 v7, v5  }
0xb9: {  	v7 =	vperm.xlane v8, v0;
	v10 =	vmul.f32 v10, v11;
	v9 =	vadd.f32 v16, v9  }
0xba: {  	v6 =	vadd.f32 v17, v6;
	v12 =	vmul.f32 v12, v15;
	v16 =	vperm.xlane v14, v0  }
0xbb: {  	v17 =	vperm.xlane v13, v3;
	v7 =	vadd.f32 v7, v8;
	v11 =	vperm.xlane v9, v1  }
0xbc: {  	v8 =	vperm.xlane v10, v0;
	v18 =	vperm.xlane v12, v0  }
0xbd: {  	v15 =	vperm.xlane v7, v1;
	v9 =	vadd.f32 v11, v9;
	v11 =	vperm.xlane v6, v1  }
0xbe: {  	v5 =	vperm.xlane v4, v3;
	v8 =	vadd.f32 v8, v10;
	v10 =	vld [tilespmem:s25+$0x8700];
	v12 =	vadd.f32 v18, v12  }
0xbf: {  	v18 =	vld [tilespmem:s25+$0x4680];
	v7 =	vadd.f32 v15, v7;
	v15 =	vperm.xlane v9, v2;
	v6 =	vadd.f32 v11, v6  }
0xc0: {  	v14 =	vadd.f32 v16, v14;
	v11 =	vld [tilespmem:s25+$0x4700];
	v16 =	vperm.xlane v8, v1;
	v22 =	vperm.xlane v12, v1  }
0xc1: {  	v19 =	vperm.xlane v7, v2;
	v20 =	vadd.f32 v15, v9;
	v9 =	vperm.xlane v6, v2;
	v15 =	vld [tilespmem:s25+$0x700]  }
0xc2: {  	v21 =	vperm.xlane v14, v1;
	v8 =	vadd.f32 v16, v8;
	v16 =	vld [tilespmem:s25+$0x680];
	v12 =	vadd.f32 v22, v12  }
0xc3: {  	v19 =	vadd.f32 v19, v7;
	v23 =	vperm.xlane v20, v3;
	v6 =	vadd.f32 v9, v6  }
0xc4: {  	v9 =	vadd.f32 v21, v14;
	v14 =	vperm.xlane v8, v2;
	v21 =	vld [tilespmem:s25+$0x8680];
	v25 =	vperm.xlane v12, v2  }
0xc5: {  	v26 =	vld [tilespmem:s25+$0x600];
	v22 =	vperm.xlane v19, v3;
	v7 =	vperm.xlane v6, v3  }
0xc6: {  	v24 =	vperm.xlane v9, v2;
	v8 =	vadd.f32 v14, v8;
	v14 =	vld [tilespmem:s25+$0x4600];
	v11 =	vmul.f32 v11, v15  }
0xc7: {  	v15 =	vmul.f32 v10, v15;
	v18 =	vmul.f32 v18, v16;
	v10 =	vadd.f32 v25, v12;
	v12 =	vld [tilespmem:s25+$0x8600]  }
0xc8: {  	v28 =	vadd.f32 v24, v9;
	v9 =	vperm.xlane v8, v3;
	v24 =	vperm.xlane v11, v0  }
0xc9: {  	v27 =	vperm.xlane v15, v0;
	v16 =	vmul.f32 v21, v16  }
0xca: {  	v25 =	vperm.xlane v18, v0;
	v29 =	vperm.xlane v28, v3;
	v21 =	vadd.f32 v24, v11  }
0xcb: {  	v31 =	vld [tilespmem:s25+$0x580];
	v11 =	vperm.xlane v10, v3;
	v24 =	vperm.xlane v16, v0;
	v15 =	vadd.f32 v27, v15  }
0xcc: {  	v56 =	vld [tilespmem:s25+$0x4400];
	v18 =	vadd.f32 v25, v18;
	v14 =	vmul.f32 v14, v26;
	v12 =	vmul.f32 v12, v26  }
0xcd: {  	v59 =	vld [tilespmem:s25+$0x400];
	v25 =	vperm.xlane v21, v1;
	v16 =	vadd.f32 v24, v16;
	v24 =	vperm.xlane v15, v1  }
0xce: {  	v61 =	vld [tilespmem:s25+$0x4380];
	v27 =	vperm.xlane v18, v1;
	v30 =	vperm.xlane v14, v0  }
0xcf: {  	v63 =	vld [tilespmem:s25+$0x380];
	v26 =	vperm.xlane v16, v1;
	v21 =	vadd.f32 v25, v21;
	v15 =	vadd.f32 v24, v15  }
0xd0: {  	v14 =	vadd.f32 v30, v14;
	v25 =	vperm.xlane v12, v0;
	v18 =	vadd.f32 v27, v18;
	v27 =	vld [tilespmem:s25+$0x4580]  }
0xd1: {  	v24 =	vld [tilespmem:s25+$0x8580];
	v16 =	vadd.f32 v26, v16;
	v26 =	vperm.xlane v21, v2;
	v30 =	vperm.xlane v15, v2  }
0xd2: {  	v42 =	vperm.xlane v14, v1;
	v25 =	vadd.f32 v25, v12;
	v43 =	vperm.xlane v18, v2  }
0xd3: {  	v44 =	vld [tilespmem:s25+$0x4500];
	v45 =	vperm.xlane v16, v2;
	v26 =	vadd.f32 v26, v21;
	v12 =	vadd.f32 v30, v15  }
0xd4: {  	v21 =	vld [tilespmem:s25+$0x500];
	v30 =	vadd.f32 v42, v14;
	v46 =	vperm.xlane v25, v1;
	v42 =	vmul.f32 v56, v59  }
0xd5: {  	v33 =	vadd.f32 v43, v18;
	v18 =	vld [tilespmem:s25+$0x8500];
	v56 =	vmul.f32 v61, v63;
	v27 =	vmul.f32 v27, v31  }
0xd6: {  	v24 =	vmul.f32 v24, v31;
	v15 =	vadd.f32 v45, v16;
	v40 =	vperm.xlane v26, v3  }
0xd7: {  	v14 =	vperm.xlane v12, v3;
	v48 =	vperm.xlane v30, v2;
	v25 =	vadd.f32 v46, v25  }
0xd8: {  	v39 =	vld [tilespmem:s25+$0x8400];
	v13 =	vadd.f32 v17, v13;
	v32 =	vperm.xlane v33, v3;
	v50 =	vperm.xlane v27, v0  }
0xd9: {  	v17 =	vadd.f32 v23, v20;
	v16 =	vperm.xlane v15, v3;
	v31 =	vperm.xlane v25, v2  }
0xda: {  	v19 =	vadd.f32 v22, v19;
	v34 =	vmul.f32 v44, v21;
	v21 =	vmul.f32 v18, v21  }
0xdb: {  	v27 =	vadd.f32 v50, v27;
	v18 =	vadd.f32 v31, v25;
	v31 =	vperm.xlane v24, v0  }
0xdc: {  	v30 =	vadd.f32 v48, v30;
	v25 =	vperm.xlane v34, v0;
	v52 =	vperm.xlane v21, v0  }
0xdd: {  	v44 =	vmul.f32 v39, v59;
	v23 =	vperm.xlane v27, v1;
	v24 =	vadd.f32 v31, v24  }
0xde: {  	v31 =	vperm.xlane v35, v0;
	v25 =	vadd.f32 v25, v34;
	v21 =	vadd.f32 v52, v21  }
0xdf: {  	v41 =	vperm.xlane v30, v3;
	v23 =	vadd.f32 v23, v27;
	v54 =	vperm.xlane v24, v1  }
0xe0: {  	v22 =	vadd.f32 v31, v35;
	v31 =	vperm.xlane v25, v1;
	v55 =	vperm.xlane v21, v1  }
0xe1: {  	v52 =	vadd.f32 v62, v57;
	v57 =	vperm.xlane v42, v0;
	v24 =	vadd.f32 v54, v24  }
0xe2: {  	v27 =	vperm.xlane v22, v1;
	v54 =	vld [tilespmem:s25+$0x8380];
	v25 =	vadd.f32 v31, v25;
	v31 =	vadd.f32 v55, v21  }
0xe3: {  	v20 =	vperm.xlane v18, v3;
	v42 =	vadd.f32 v57, v42;
	v21 =	vperm.xlane v23, v2  }
0xe4: {  	v58 =	vperm.xlane v24, v2;
	v22 =	vadd.f32 v27, v22;
	v60 =	vperm.xlane v31, v2  }
0xe5: {  	v53 =	vld [tilespmem:s25+$0x300];
	v55 =	vperm.xlane v52, v2;
	v27 =	vperm.xlane v25, v2;
	v34 =	vadd.f32 v21, v23  }
0xe6: {  	v21 =	vadd.f32 v58, v24;
	v23 =	vperm.xlane v22, v2;
	v24 =	vadd.f32 v60, v31;
	v31 =	vld [tilespmem:s25+$0x4300]  }
0xe7: {  	v35 =	vadd.f32 v27, v25;
	v37 =	vperm.xlane v34, v3;
	v59 =	vmul.f32 v54, v63  }
0xe8: {  	v60 =	vperm.xlane v44, v0;
	v54 =	vperm.xlane v42, v1;
	v36 =	vadd.f32 v23, v22  }
0xe9: {  	v25 =	vperm.xlane v21, v3;
	v22 =	vadd.f32 v29, v28;
	v23 =	vadd.f32 v40, v26  }
0xea: {  	v58 =	vld [tilespmem:s25+$0x8300];
	v26 =	vadd.f32 v32, v33;
	v28 =	vadd.f32 v41, v30;
	v30 =	vperm.xlane v56, v0  }
0xeb: {  	v29 =	vadd.f32 v55, v52;
	v38 =	vperm.xlane v35, v3;
	v31 =	vmul.f32 v31, v53  }
0xec: {  	v27 =	vperm.xlane v24, v3;
	v61 =	vperm.xlane v59, v0;
	v44 =	vadd.f32 v60, v44  }
0xed: {  	v49 =	vadd.f32 v54, v42;
	v63 =	vadd.f32 v30, v56;
	v62 =	vperm.xlane v31, v0  }
0xee: {  	v39 =	vperm.xlane v36, v3;
	v33 =	vadd.f32 v61, v59;
	v55 =	vperm.xlane v44, v1  }
0xef: {  	v47 =	vld [tilespmem:s25+$0x180];
	v32 =	vmul.f32 v58, v53;
	v56 =	vperm.xlane v63, v1;
	v31 =	vadd.f32 v62, v31  }
0xf0: {  	v43 =	vld [tilespmem:s25+$0x4280];
	v30 =	vperm.xlane v29, v3;
	v57 =	vperm.xlane v33, v1;
	v50 =	vadd.f32 v55, v44  }
0xf1: {  	v45 =	vld [tilespmem:s25+$0x4200];
	v59 =	vperm.xlane v32, v0;
	v55 =	vadd.f32 v56, v63;
	v58 =	vperm.xlane v31, v1  }
0xf2: {  	v40 =	vld [tilespmem:s25+$0x8280];
	v60 =	vperm.xlane v49, v2;
	v33 =	vadd.f32 v57, v33;
	v61 =	vperm.xlane v50, v2  }
0xf3: {  	v44 =	vld [tilespmem:s25+$0x280];
	v52 =	vadd.f32 v59, v32;
	v62 =	vperm.xlane v55, v2;
	v51 =	vadd.f32 v58, v31  }
0xf4: {  	v41 =	vld [tilespmem:s25+$0x8180];
	v46 =	vadd.f32 v60, v49;
	v63 =	vperm.xlane v33, v2;
	v31 =	vadd.f32 v61, v50  }
0xf5: {  	v42 =	vld [tilespmem:s25+$0x4180];
	v54 =	vperm.xlane v52, v1;
	v48 =	vadd.f32 v62, v55;
	v53 =	vperm.xlane v51, v2  }
0xf6: {  	s26 =	simm.s32 $0x4000;
	s24 =	simm.s32 $0xC180;
	s23 =	simm.s32 $0xC200;
	v49 =	vld [tilespmem:s25+$0x200];
	v33 =	vadd.f32 v63, v33;
	v50 =	vperm.xlane v46, v3;
	v32 =	vperm.xlane v31, v3  }
.LBB2_2:
0xf7: {  	p0 =	sne.s32 s26, $0xE000;
	v55 =	vld [tilespmem:s25+$0x8200];
	v51 =	vadd.f32 v53, v51;
	v52 =	vadd.f32 v54, v52;
	v53 =	vperm.xlane v48, v3  }
0xf8: {  	v34 =	vadd.f32 v37, v34;
	v43 =	vmul.f32 v43, v44;
	v54 =	vperm.xlane v33, v3  }
0xf9: {  	v35 =	vadd.f32 v38, v35;
	v37 =	vperm.xlane v51, v3;
	v56 =	vperm.xlane v52, v2  }
0xfa: {  	v36 =	vadd.f32 v39, v36;
	v40 =	vmul.f32 v40, v44;
	v38 =	vperm.xlane v43, v0  }
0xfb: {  	v44 =	vadd.f32 v50, v46;
	v39 =	vmul.f32 v42, v47;
	v42 =	vmul.f32 v45, v49  }
0xfc: {  	v46 =	vadd.f32 v53, v48;
	v41 =	vmul.f32 v41, v47;
	v45 =	vmul.f32 v55, v49  }
0xfd: {  	v47 =	vperm.xlane v39, v0;
	v49 =	vadd.f32 v56, v52;
	v48 =	vperm.xlane v42, v0  }
0xfe: {  	v50 =	vperm.xlane v41, v0;
	v38 =	vadd.f32 v38, v43;
	v52 =	vperm.xlane v45, v0  }
0xff: {  	v43 =	vperm.xlane v40, v0;
	v39 =	vadd.f32 v47, v39;
	v42 =	vadd.f32 v48, v42  }
0x100: {  	v41 =	vadd.f32 v50, v41;
	v47 =	vperm.xlane v38, v1;
	v45 =	vadd.f32 v52, v45  }
0x101: {  	v40 =	vadd.f32 v43, v40;
	v48 =	vperm.xlane v39, v1;
	v50 =	vperm.xlane v42, v1  }
0x102: {  	v43 =	vperm.xlane v41, v1;
	v38 =	vadd.f32 v47, v38;
	v52 =	vperm.xlane v45, v1  }
0x103: {  	v47 =	vperm.xlane v40, v1;
	v39 =	vadd.f32 v48, v39;
	v42 =	vadd.f32 v50, v42  }
0x104: {  	v41 =	vadd.f32 v43, v41;
	v43 =	vadd.f32 v52, v45;
	v45 =	vperm.xlane v38, v2  }
0x105: {  	v40 =	vadd.f32 v47, v40;
	v48 =	vperm.xlane v39, v2;
	v50 =	vperm.xlane v42, v2  }
0x106: {  	v47 =	vperm.xlane v41, v2;
	v52 =	vperm.xlane v43, v2;
	v38 =	vadd.f32 v45, v38  }
0x107: {  	v39 =	vadd.f32 v48, v39;
	v45 =	vperm.xlane v40, v2;
	v42 =	vadd.f32 v50, v42  }
0x108: {  	v41 =	vadd.f32 v47, v41;
	v43 =	vadd.f32 v52, v43;
	v47 =	vperm.xlane v38, v3  }
0x109: {  	v48 =	vperm.xlane v39, v3;
	v40 =	vadd.f32 v45, v40;
	v50 =	vperm.xlane v42, v3  }
0x10a: {  	v45 =	vperm.xlane v41, v3;
	v52 =	vperm.xlane v43, v3;
	v38 =	vadd.f32 v47, v38  }
0x10b: {  	v39 =	vadd.f32 v48, v39;
	v47 =	vperm.xlane v40, v3;
	v42 =	vadd.f32 v50, v42  }
0x10c: {  	v41 =	vadd.f32 v45, v41;
	v45 =	vperm.xlane v49, v3;
	v43 =	vadd.f32 v52, v43  }
0x10d: {  	v37 =	vadd.f32 v37, v51;
	v40 =	vadd.f32 v47, v40;
	v39 =	vsel vm0, v39, v42  }
0x10e: {  	v41 =	vsel vm0, v41, v43;
	v38 =	vsel vm1, v39, v38;
	v39 =	vadd.f32 v45, v49  }
0x10f: {  	v33 =	vadd.f32 v54, v33;
	v40 =	vsel vm1, v41, v40;
	v37 =	vsel vm2, v38, v37  }
0x110: {  	v31 =	vadd.f32 v32, v31;
	v38 =	vsel vm2, v40, v39;
	v37 =	vsel vm3, v37, v46  }
0x111: {  	v29 =	vadd.f32 v30, v29;
	v32 =	vsel vm3, v38, v33;
	v33 =	vsel vm4, v37, v44  }
0x112: {  	v24 =	vadd.f32 v27, v24;
	v30 =	vsel vm4, v32, v31;
	v31 =	vsel vm5, v33, v36  }
0x113: {  	v21 =	vadd.f32 v25, v21;
	v27 =	vsel vm5, v30, v29;
	v29 =	vsel vm6, v31, v35  }
0x114: {  	v18 =	vadd.f32 v20, v18;
	v24 =	vsel vm6, v27, v24;
	v25 =	vsel vm7, v29, v34  }
0x115: {  	v15 =	vadd.f32 v16, v15;
	v20 =	vsel vm7, v24, v21;
	v21 =	vsel vm8, v25, v28  }
0x116: {  	v12 =	vadd.f32 v14, v12;
	v16 =	vsel vm8, v20, v18;
	v18 =	vsel vm9, v21, v26  }
0x117: {  	v10 =	vadd.f32 v11, v10;
	v14 =	vsel vm9, v16, v15;
	v15 =	vsel vm10, v18, v23  }
0x118: {  	v8 =	vadd.f32 v9, v8;
	v11 =	vsel vm10, v14, v12;
	v12 =	vsel vm11, v15, v22  }
0x119: {  	v6 =	vadd.f32 v7, v6;
	v9 =	vsel vm11, v11, v10;
	v10 =	vsel vm12, v12, v19  }
0x11a: {  	v4 =	vadd.f32 v5, v4;
	v7 =	vsel vm12, v9, v8;
	v8 =	vsel vm13, v10, v17  }
0x11b: {  	s24 =	sadd.s32 $0x10, s24;
	v5 =	vsel vm13, v7, v6;
	v6 =	vsel vm14, v8, v13  }
0x11c: {  	s23 =	sadd.s32 $0x10, s23;
	v4 =	vsel vm14, v5, v4;
	[tilespmem:s24+$0x0] =	vst v6  }
0x11d: {  	s25 =	sshra.s32 s26, $0x2;
	[tilespmem:s23+$0x0] =	vst v4  }
0x11e: {  	v4 =	vld [tilespmem:s25+$0x4900]  }
0x11f: {  	v5 =	vld [tilespmem:s25+$0x900]  }
0x120: {  	v6 =	vld [tilespmem:s25+$0x8900];
	_ =	sdelay $0x3  }
0x121: {  	v4 =	vmul.f32 v4, v5  }
0x122: {  	v5 =	vmul.f32 v6, v5  }
0x123: {  	v6 =	vperm.xlane v4, v0  }
0x124: {  	v7 =	vld [tilespmem:s25+$0x8880];
	v8 =	vperm.xlane v5, v0  }
0x125: {  	v9 =	vld [tilespmem:s25+$0x4880];
	v4 =	vadd.f32 v6, v4  }
0x126: {  	v6 =	vld [tilespmem:s25+$0x880];
	v5 =	vadd.f32 v8, v5  }
0x127: {  	v8 =	vld [tilespmem:s25+$0x4800];
	v10 =	vperm.xlane v4, v1  }
0x128: {  	v11 =	vld [tilespmem:s25+$0x800];
	v12 =	vperm.xlane v5, v1  }
0x129: {  	v4 =	vadd.f32 v10, v4  }
0x12a: {  	v10 =	vld [tilespmem:s25+$0x8800];
	v5 =	vadd.f32 v12, v5  }
0x12b: {  	v12 =	vld [tilespmem:s25+$0x8780];
	v9 =	vmul.f32 v9, v6;
	v13 =	vperm.xlane v4, v2  }
0x12c: {  	v6 =	vmul.f32 v7, v6;
	v14 =	vld [tilespmem:s25+$0x4780];
	v7 =	vperm.xlane v5, v2  }
0x12d: {  	v15 =	vld [tilespmem:s25+$0x780];
	v8 =	vmul.f32 v8, v11;
	v16 =	vperm.xlane v9, v0  }
0x12e: {  	v17 =	vperm.xlane v6, v0;
	v13 =	vadd.f32 v13, v4;
	v4 =	vadd.f32 v7, v5  }
0x12f: {  	v7 =	vperm.xlane v8, v0;
	v10 =	vmul.f32 v10, v11;
	v9 =	vadd.f32 v16, v9  }
0x130: {  	v6 =	vadd.f32 v17, v6;
	v17 =	vperm.xlane v13, v3;
	v5 =	vperm.xlane v4, v3  }
0x131: {  	v7 =	vadd.f32 v7, v8;
	v8 =	vperm.xlane v10, v0;
	v11 =	vperm.xlane v9, v1  }
0x132: {  	v14 =	vmul.f32 v14, v15;
	v12 =	vmul.f32 v12, v15  }
0x133: {  	v15 =	vperm.xlane v7, v1;
	v9 =	vadd.f32 v11, v9;
	v11 =	vperm.xlane v6, v1  }
0x134: {  	v8 =	vadd.f32 v8, v10;
	v16 =	vperm.xlane v14, v0;
	v18 =	vperm.xlane v12, v0  }
0x135: {  	v10 =	vld [tilespmem:s25+$0x8700];
	v7 =	vadd.f32 v15, v7;
	v15 =	vperm.xlane v9, v2;
	v6 =	vadd.f32 v11, v6  }
0x136: {  	v11 =	vld [tilespmem:s25+$0x4700];
	v14 =	vadd.f32 v16, v14;
	v12 =	vadd.f32 v18, v12;
	v16 =	vperm.xlane v8, v1  }
0x137: {  	v18 =	vld [tilespmem:s25+$0x4680];
	v19 =	vperm.xlane v7, v2;
	v20 =	vadd.f32 v15, v9;
	v9 =	vperm.xlane v6, v2  }
0x138: {  	v15 =	vld [tilespmem:s25+$0x700];
	v21 =	vperm.xlane v14, v1;
	v22 =	vperm.xlane v12, v1;
	v8 =	vadd.f32 v16, v8  }
0x139: {  	v16 =	vld [tilespmem:s25+$0x680];
	v19 =	vadd.f32 v19, v7;
	v24 =	vperm.xlane v20, v3;
	v6 =	vadd.f32 v9, v6  }
0x13a: {  	v9 =	vadd.f32 v21, v14;
	v12 =	vadd.f32 v22, v12;
	v14 =	vperm.xlane v8, v2  }
0x13b: {  	v21 =	vld [tilespmem:s25+$0x8680];
	v25 =	vperm.xlane v19, v3;
	v7 =	vperm.xlane v6, v3  }
0x13c: {  	v22 =	vperm.xlane v9, v2;
	v23 =	vperm.xlane v12, v2;
	v8 =	vadd.f32 v14, v8  }
0x13d: {  	v14 =	vld [tilespmem:s25+$0x4600];
	v11 =	vmul.f32 v11, v15;
	v15 =	vmul.f32 v10, v15  }
0x13e: {  	v26 =	vld [tilespmem:s25+$0x600];
	v18 =	vmul.f32 v18, v16;
	v22 =	vadd.f32 v22, v9;
	v9 =	vperm.xlane v8, v3  }
0x13f: {  	v10 =	vadd.f32 v23, v12;
	v27 =	vperm.xlane v11, v0;
	v28 =	vperm.xlane v15, v0  }
0x140: {  	v12 =	vld [tilespmem:s25+$0x8600];
	v29 =	vperm.xlane v18, v0;
	v16 =	vmul.f32 v21, v16  }
0x141: {  	v23 =	vperm.xlane v22, v3;
	v21 =	vadd.f32 v27, v11;
	v11 =	vperm.xlane v10, v3  }
0x142: {  	v15 =	vadd.f32 v28, v15;
	v18 =	vadd.f32 v29, v18;
	v27 =	vperm.xlane v16, v0  }
0x143: {  	v14 =	vmul.f32 v14, v26;
	v28 =	vperm.xlane v21, v1  }
0x144: {  	v29 =	vperm.xlane v18, v1;
	v16 =	vadd.f32 v27, v16;
	v27 =	vperm.xlane v15, v1  }
0x145: {  	v30 =	vperm.xlane v14, v0;
	v12 =	vmul.f32 v12, v26  }
0x146: {  	v21 =	vadd.f32 v28, v21;
	v26 =	vperm.xlane v16, v1;
	v15 =	vadd.f32 v27, v15  }
0x147: {  	v18 =	vadd.f32 v29, v18;
	v27 =	vld [tilespmem:s25+$0x8580];
	v14 =	vadd.f32 v30, v14;
	v28 =	vperm.xlane v12, v0  }
0x148: {  	v29 =	vld [tilespmem:s25+$0x4580];
	v16 =	vadd.f32 v26, v16;
	v26 =	vperm.xlane v21, v2;
	v30 =	vperm.xlane v15, v2  }
0x149: {  	v33 =	vperm.xlane v18, v2;
	v31 =	vld [tilespmem:s25+$0x580];
	v32 =	vperm.xlane v14, v1;
	v28 =	vadd.f32 v28, v12  }
0x14a: {  	v34 =	vld [tilespmem:s25+$0x4500];
	v35 =	vperm.xlane v16, v2;
	v26 =	vadd.f32 v26, v21;
	v12 =	vadd.f32 v30, v15  }
0x14b: {  	v33 =	vadd.f32 v33, v18;
	v21 =	vld [tilespmem:s25+$0x500];
	v30 =	vadd.f32 v32, v14;
	v32 =	vperm.xlane v28, v1  }
0x14c: {  	v18 =	vld [tilespmem:s25+$0x8500];
	v15 =	vadd.f32 v35, v16;
	v40 =	vperm.xlane v26, v3;
	v14 =	vperm.xlane v12, v3  }
0x14d: {  	v35 =	vld [tilespmem:s25+$0x4480];
	v36 =	vperm.xlane v30, v2;
	v28 =	vadd.f32 v32, v28;
	v32 =	vperm.xlane v33, v3  }
0x14e: {  	v37 =	vld [tilespmem:s25+$0x480];
	v29 =	vmul.f32 v29, v31;
	v16 =	vperm.xlane v15, v3  }
0x14f: {  	v27 =	vmul.f32 v27, v31;
	v30 =	vadd.f32 v36, v30;
	v31 =	vperm.xlane v28, v2  }
0x150: {  	v13 =	vadd.f32 v17, v13;
	v34 =	vmul.f32 v34, v21;
	v36 =	vperm.xlane v29, v0  }
0x151: {  	v38 =	vld [tilespmem:s25+$0x8480];
	v21 =	vmul.f32 v18, v21;
	v41 =	vperm.xlane v30, v3;
	v18 =	vadd.f32 v31, v28  }
0x152: {  	v31 =	vperm.xlane v27, v0;
	v28 =	vperm.xlane v34, v0;
	v29 =	vadd.f32 v36, v29  }
0x153: {  	v17 =	vadd.f32 v24, v20;
	v35 =	vmul.f32 v35, v37;
	v36 =	vperm.xlane v21, v0  }
0x154: {  	v27 =	vadd.f32 v31, v27;
	v20 =	vperm.xlane v18, v3;
	v24 =	vperm.xlane v29, v1  }
0x155: {  	v28 =	vadd.f32 v28, v34;
	v31 =	vperm.xlane v35, v0;
	v21 =	vadd.f32 v36, v21  }
0x156: {  	v19 =	vadd.f32 v25, v19;
	v36 =	vperm.xlane v27, v1;
	v34 =	vmul.f32 v38, v37  }
0x157: {  	v25 =	vadd.f32 v31, v35;
	v31 =	vperm.xlane v28, v1;
	v35 =	vperm.xlane v21, v1  }
0x158: {  	v24 =	vadd.f32 v24, v29;
	v27 =	vadd.f32 v36, v27;
	v39 =	vld [tilespmem:s25+$0x8400];
	v37 =	vperm.xlane v34, v0  }
0x159: {  	v29 =	vld [tilespmem:s25+$0x4400];
	v36 =	vperm.xlane v25, v1;
	v28 =	vadd.f32 v31, v28;
	v31 =	vadd.f32 v35, v21  }
0x15a: {  	v21 =	vperm.xlane v24, v2;
	v35 =	vperm.xlane v27, v2;
	v42 =	vld [tilespmem:s25+$0x8380];
	v37 =	vadd.f32 v37, v34  }
0x15b: {  	v43 =	vld [tilespmem:s25+$0x400];
	v36 =	vadd.f32 v36, v25;
	v25 =	vperm.xlane v28, v2;
	v38 =	vperm.xlane v31, v2  }
0x15c: {  	v34 =	vadd.f32 v21, v24;
	v21 =	vadd.f32 v35, v27;
	v44 =	vld [tilespmem:s25+$0x4380];
	v45 =	vperm.xlane v37, v1  }
0x15d: {  	v46 =	vld [tilespmem:s25+$0x380];
	v27 =	vperm.xlane v36, v2;
	v35 =	vadd.f32 v25, v28;
	v24 =	vadd.f32 v38, v31  }
0x15e: {  	v25 =	vperm.xlane v21, v3;
	v31 =	vld [tilespmem:s25+$0x4300];
	v45 =	vadd.f32 v45, v37;
	v37 =	vperm.xlane v34, v3  }
0x15f: {  	v47 =	vld [tilespmem:s25+$0x300];
	v36 =	vadd.f32 v27, v36;
	v38 =	vperm.xlane v35, v3;
	v27 =	vperm.xlane v24, v3  }
0x160: {  	v22 =	vadd.f32 v23, v22;
	v48 =	vmul.f32 v29, v43;
	v29 =	vperm.xlane v45, v2  }
0x161: {  	v23 =	vadd.f32 v40, v26;
	v43 =	vmul.f32 v39, v43;
	v39 =	vperm.xlane v36, v3  }
0x162: {  	v26 =	vadd.f32 v32, v33;
	v40 =	vmul.f32 v44, v46;
	v44 =	vperm.xlane v48, v0  }
0x163: {  	v28 =	vadd.f32 v41, v30;
	v33 =	vmul.f32 v42, v46;
	v42 =	vperm.xlane v43, v0;
	v32 =	vld [tilespmem:s25+$0x8300]  }
0x164: {  	v29 =	vadd.f32 v29, v45;
	v31 =	vmul.f32 v31, v47;
	v30 =	vperm.xlane v40, v0  }
0x165: {  	v41 =	vperm.xlane v33, v0;
	v44 =	vadd.f32 v44, v48;
	v42 =	vadd.f32 v42, v43  }
0x166: {  	v43 =	vperm.xlane v31, v0;
	v45 =	vadd.f32 v30, v40;
	v30 =	vperm.xlane v29, v3  }
0x167: {  	v33 =	vadd.f32 v41, v33;
	v41 =	vperm.xlane v44, v1;
	v46 =	vperm.xlane v42, v1  }
0x168: {  	v40 =	vld [tilespmem:s25+$0x8280];
	v31 =	vadd.f32 v43, v31;
	v32 =	vmul.f32 v32, v47;
	v47 =	vperm.xlane v45, v1  }
0x169: {  	v48 =	vperm.xlane v33, v1;
	v49 =	vadd.f32 v41, v44;
	v50 =	vadd.f32 v46, v42;
	v43 =	vld [tilespmem:s25+$0x4280]  }
0x16a: {  	v41 =	vld [tilespmem:s25+$0x8180];
	v46 =	vperm.xlane v31, v1;
	v52 =	vperm.xlane v32, v0;
	v55 =	vadd.f32 v47, v45  }
.Ltmp0:
0x16b: {  	v33 =	vadd.f32 v48, v33;
	v47 =	vperm.xlane v49, v2;
	v48 =	vperm.xlane v50, v2;
	v42 =	vld [tilespmem:s25+$0x4180];
	(pc) =	sbr.rel @p0 .LBB2_2-.Ltmp0, $4  }
0x16c: {  	v44 =	vld [tilespmem:s25+$0x280];
	v51 =	vadd.f32 v46, v31;
	v52 =	vadd.f32 v52, v32;
	v32 =	vperm.xlane v55, v2  }
0x16d: {  	v56 =	vperm.xlane v33, v2;
	v46 =	vadd.f32 v47, v49;
	v31 =	vadd.f32 v48, v50;
	v45 =	vld [tilespmem:s25+$0x4200]  }
0x16e: {  	v47 =	vld [tilespmem:s25+$0x180];
	v53 =	vperm.xlane v51, v2;
	v54 =	vperm.xlane v52, v1;
	v48 =	vadd.f32 v32, v55  }
0x16f: {  	s26 =	sadd.s32 $0x2000, s26;
	v33 =	vadd.f32 v56, v33;
	v50 =	vperm.xlane v46, v3;
	v32 =	vperm.xlane v31, v3;
	v49 =	vld [tilespmem:s25+$0x200]  }
0x170: {  	v55 =	vld [tilespmem:s25+$0x8200];
	v51 =	vadd.f32 v53, v51;
	v52 =	vadd.f32 v54, v52;
	v63 =	vperm.xlane v48, v3  }
0x171: {  	v34 =	vadd.f32 v37, v34;
	v43 =	vmul.f32 v43, v44;
	v54 =	vperm.xlane v33, v3  }
0x172: {  	v35 =	vadd.f32 v38, v35;
	v40 =	vmul.f32 v40, v44;
	v37 =	vperm.xlane v51, v3  }
0x173: {  	v36 =	vadd.f32 v39, v36;
	v56 =	vperm.xlane v52, v2;
	v57 =	vperm.xlane v43, v0  }
0x174: {  	v44 =	vadd.f32 v50, v46;
	v58 =	vmul.f32 v42, v47;
	v59 =	vmul.f32 v45, v49  }
0x175: {  	v46 =	vadd.f32 v63, v48;
	v41 =	vmul.f32 v41, v47;
	v60 =	vmul.f32 v55, v49  }
0x176: {  	v61 =	vperm.xlane v58, v0;
	v49 =	vadd.f32 v56, v52;
	v62 =	vperm.xlane v59, v0  }
0x177: {  	v63 =	vperm.xlane v41, v0;
	v38 =	vadd.f32 v57, v43;
	v56 =	vperm.xlane v60, v0  }
0x178: {  	v57 =	vperm.xlane v40, v0;
	v39 =	vadd.f32 v61, v58;
	v42 =	vadd.f32 v62, v59  }
0x179: {  	v41 =	vadd.f32 v63, v41;
	v58 =	vperm.xlane v38, v1;
	v45 =	vadd.f32 v56, v60  }
0x17a: {  	v40 =	vadd.f32 v57, v40;
	v59 =	vperm.xlane v39, v1;
	v60 =	vperm.xlane v42, v1  }
0x17b: {  	v61 =	vperm.xlane v41, v1;
	v38 =	vadd.f32 v58, v38;
	v52 =	vperm.xlane v45, v1  }
0x17c: {  	v62 =	vperm.xlane v40, v1;
	v39 =	vadd.f32 v59, v39;
	v42 =	vadd.f32 v60, v42  }
0x17d: {  	v41 =	vadd.f32 v61, v41;
	v56 =	vperm.xlane v38, v2;
	v63 =	vadd.f32 v52, v45  }
0x17e: {  	v40 =	vadd.f32 v62, v40;
	v48 =	vperm.xlane v39, v2;
	v50 =	vperm.xlane v42, v2  }
0x17f: {  	v57 =	vperm.xlane v41, v2;
	v38 =	vadd.f32 v56, v38;
	v52 =	vperm.xlane v63, v2  }
0x180: {  	v58 =	vperm.xlane v40, v2;
	v39 =	vadd.f32 v48, v39;
	v42 =	vadd.f32 v50, v42  }
0x181: {  	v41 =	vadd.f32 v57, v41;
	v59 =	vperm.xlane v38, v3;
	v43 =	vadd.f32 v52, v63  }
0x182: {  	v40 =	vadd.f32 v58, v40;
	v48 =	vperm.xlane v39, v3;
	v50 =	vperm.xlane v42, v3  }
0x183: {  	v60 =	vperm.xlane v41, v3;
	v38 =	vadd.f32 v59, v38;
	v52 =	vperm.xlane v43, v3  }
0x184: {  	v61 =	vperm.xlane v40, v3;
	v39 =	vadd.f32 v48, v39;
	v42 =	vadd.f32 v50, v42  }
0x185: {  	v62 =	vperm.xlane v49, v3;
	v41 =	vadd.f32 v60, v41;
	v43 =	vadd.f32 v52, v43  }
0x186: {  	v37 =	vadd.f32 v37, v51;
	v40 =	vadd.f32 v61, v40;
	v39 =	vsel vm0, v39, v42  }
0x187: {  	v63 =	vadd.f32 v62, v49;
	v41 =	vsel vm0, v41, v43;
	v38 =	vsel vm1, v39, v38  }
0x188: {  	v33 =	vadd.f32 v54, v33;
	v40 =	vsel vm1, v41, v40;
	v37 =	vsel vm2, v38, v37  }
0x189: {  	v31 =	vadd.f32 v32, v31;
	v42 =	vsel vm2, v40, v63;
	v37 =	vsel vm3, v37, v46  }
0x18a: {  	v29 =	vadd.f32 v30, v29;
	v43 =	vsel vm3, v42, v33;
	v45 =	vsel vm4, v37, v44  }
0x18b: {  	v24 =	vadd.f32 v27, v24;
	v46 =	vsel vm4, v43, v31;
	v47 =	vsel vm5, v45, v36  }
0x18c: {  	v21 =	vadd.f32 v25, v21;
	v48 =	vsel vm5, v46, v29;
	v49 =	vsel vm6, v47, v35  }
0x18d: {  	v18 =	vadd.f32 v20, v18;
	v24 =	vsel vm6, v48, v24;
	v50 =	vsel vm7, v49, v34  }
0x18e: {  	v15 =	vadd.f32 v16, v15;
	v51 =	vsel vm7, v24, v21;
	v52 =	vsel vm8, v50, v28  }
0x18f: {  	v12 =	vadd.f32 v14, v12;
	v53 =	vsel vm8, v51, v18;
	v54 =	vsel vm9, v52, v26  }
0x190: {  	v10 =	vadd.f32 v11, v10;
	v55 =	vsel vm9, v53, v15;
	v56 =	vsel vm10, v54, v23  }
0x191: {  	v8 =	vadd.f32 v9, v8;
	v57 =	vsel vm10, v55, v12;
	v58 =	vsel vm11, v56, v22  }
0x192: {  	v6 =	vadd.f32 v7, v6;
	v59 =	vsel vm11, v57, v10;
	v60 =	vsel vm12, v58, v19  }
0x193: {  	v4 =	vadd.f32 v5, v4;
	v61 =	vsel vm12, v59, v8;
	v62 =	vsel vm13, v60, v17  }
0x194: {  	s24 =	sadd.s32 $0x10, s24;
	v5 =	vsel vm13, v61, v6;
	v63 =	vsel vm14, v62, v13  }
0x195: {  	s23 =	sadd.s32 $0x10, s23;
	v4 =	vsel vm14, v5, v4;
	[tilespmem:s24+$0x0] =	vst v63  }
0x196: {  	[tilespmem:s23+$0x0] =	vst v4  }
0x197: {  	[hbm4b:s8+s1] =	stream.linear.scatter [tilespmem:s20], [sflag:$0x4], $0x80, $0x38;
	[tilespmem:$0xC280] =	vst v63  }
0x198: {  	s22 =	sadd.s32 $0x1, s22;
	_ =	swait.ge [sflag:s11], $0x80  }
0x199: {  	p0 =	sne.s32 s22, s10;
	[sflag:s11] =	ssyncset.done $0x0  }
.Ltmp1:
0x19a: {  	[sflag:s11] =	ssyncadd.s32 $0xFFFFFF80;
	(pc) =	sbr.rel @p0 .LBB2_1-.Ltmp1, $4  }
0x19b: {  	[hbm4b:s9+s1] =	stream.linear.scatter [tilespmem:s21], [sflag:$0x4], $0x80, $0x38;
	[tilespmem:$0xC280] =	vst v63  }
0x19c: {  	_ =	swait.ge [sflag:s11], $0x80  }
0x19d: {  	[sflag:s11] =	ssyncset.done $0x0  }
0x19e: {  	[sflag:s11] =	ssyncadd.s32 $0xFFFFFF80  }
0x19f: {  	_ =	sfence.sel $0x180000  }
0x1a0: {  	[bflag:$0x0] =	sbarrier.arrive $0xFFFF  }
0x1a1: {  	p0 =	sne.s32 s2, $0x0;
	_ =	strace $0x90000047  }
0x1a2: {  	s0 =	sadd.s32 @!p0 $0x100000, s0;
	[bflag:$0x2] =	sbarrier.arrive $0xFFFF  }
0x1a3: {  	[sflag:s0] =	ssyncadd.tile.s32 @!p0 $0x1;
	_ =	shalt  }
.Lfunc_end2:
_tile_overlayer_lowered:
.L_overlay_start_2:
0x1a4: {  	(tag) =	ssettag $0x2  }
0x1a5: {  	s0 =	rddreg [dreg:$0x0];
	s2 =	stileid.u32  }
0x1a6: {  	s1 =	rddreg [dreg:$0x1];
	p0 =	sne.s32 s2, $0x0  }
0x1a7: {  	s3 =	rddreg [dreg:$0x2];
	[bflag:$0x3] =	sbarrier.arrive $0xFFFF;
	s2 =	simm.s32 @!p0 $0x1C04  }
0x1a8: {  	[timem:s3], [sflag:s2] =	dma.local @!p0 [hbm:s0], s1  }
0x1a9: {  	s0 =	simm.s32 @!p0 $0x4  }
0x1aa: {  	_ =	swait.ge @!p0 [sflag:s0], s1  }
0x1ab: {  	s1 =	ssub.s32 @!p0 $0x0, s1;
	[sflag:s0] =	ssyncset.done @!p0 $0x0  }
0x1ac: {  	[sflag:s0] =	ssyncadd.s32 @!p0 s1  }
0x1ad: {  	[bflag:$0x3] =	sbarrier.arrive $0xFFFF  }
0x1ae: {  	_ =	shalt  }

</sc_bundles>
